<compile_context>
chip_gen: v7x
topology: tpu7x:2x2x1
jax: 0.10.2.dev20260603
libtpu: 0.0.44.dev20260713+nightly
codegen_flags: <defaults>
</compile_context>

<pallas_src>
import functools

import jax
import jax.numpy as jnp
import numpy as np
from jax import lax
from jax.experimental import pallas as pl
from jax.experimental.pallas import tpu as pltpu
from jax.experimental.pallas import tpu_sc as plsc

N_NODES = 10000
N_EDGES = 320000
D_IN = 128
D_HID = 128
N_CLASSES = 47

NC = 2
NS = 16
NW = NC * NS
CHUNK = 128
TOT_CHUNKS = N_EDGES // CHUNK
BASE_CHK = TOT_CHUNKS // NW
XTRA = TOT_CHUNKS - BASE_CHK * NW
NPAD = 10240
ROWS_PER_TILE = NPAD // NS
D2 = 48

BLK = 5000
NB = N_NODES // BLK


def _make_sc_agg(d, with_deg):
  mesh = plsc.VectorSubcoreMesh(core_axis_name="c", subcore_axis_name="s")
  sup = 2 if d <= 64 else 1
  passes = ((0, BASE_CHK),) if d <= 64 else ((0, 40), (40, BASE_CHK - 40))
  stage = max(n for _, n in passes)
  out_type = [jax.ShapeDtypeStruct((NC, NPAD, d), jnp.float32)]
  scratch = [
      pltpu.VMEM((stage, CHUNK), jnp.int32),
      pltpu.VMEM((stage, CHUNK), jnp.int32),
      pltpu.VMEM((sup * CHUNK, d), jnp.float32),
      pltpu.VMEM((sup * CHUNK, d), jnp.float32),
      pltpu.VMEM_SHARED((NPAD, d), jnp.float32),
      pltpu.SemaphoreType.DMA,
      pltpu.SemaphoreType.DMA,
      pltpu.SemaphoreType.DMA,
      pltpu.SemaphoreType.DMA,
  ]
  if with_deg:
    out_type.append(jax.ShapeDtypeStruct((NC, NPAD), jnp.float32))
    scratch += [
        pltpu.VMEM((CHUNK,), jnp.float32),
        pltpu.VMEM_SHARED((NPAD,), jnp.float32),
        pltpu.SemaphoreType.DMA,
    ]

  def body(table_hbm, zeros2d_hbm, zeros1d_hbm, ones_hbm, edges_hbm,
           part_hbm, *rest):
    if with_deg:
      (deg_hbm, src_v, dst_v, rows0_v, rows1_v, acc_sh, gsem0, gsem1,
       ssem0, ssem1, ones_v, deg_sh, dsem) = rest
    else:
      (src_v, dst_v, rows0_v, rows1_v, acc_sh, gsem0, gsem1,
       ssem0, ssem1) = rest
    c = lax.axis_index("c")
    s = lax.axis_index("s")
    w = c * NS + s
    base = BASE_CHK * w + lax.min((w + NS // 2 - 1) // (NS // 2), XTRA)
    r0 = s * ROWS_PER_TILE

    if with_deg:
      pltpu.sync_copy(ones_hbm, ones_v)
      pltpu.sync_copy(zeros1d_hbm.at[pl.ds(r0, ROWS_PER_TILE)],
                      deg_sh.at[pl.ds(r0, ROWS_PER_TILE)])
    pltpu.sync_copy(zeros2d_hbm.at[pl.ds(r0, ROWS_PER_TILE)],
                    acc_sh.at[pl.ds(r0, ROWS_PER_TILE)])
    plsc.subcore_barrier()

    def g_start(m, rows_v, gsem):
      for q in range(sup):
        pltpu.make_async_copy(table_hbm.at[src_v.at[sup * m + q]],
                              rows_v.at[pl.ds(q * CHUNK, CHUNK)],
                              gsem).start()

    def g_wait(m, rows_v, gsem):
      for q in range(sup):
        pltpu.make_async_copy(table_hbm.at[src_v.at[sup * m + q]],
                              rows_v.at[pl.ds(q * CHUNK, CHUNK)],
                              gsem).wait()

    def s_start(m, rows_v, ssem):
      for q in range(sup):
        pltpu.make_async_copy(rows_v.at[pl.ds(q * CHUNK, CHUNK)],
                              acc_sh.at[dst_v.at[sup * m + q]],
                              ssem).start(add=True)
        if with_deg:
          pltpu.make_async_copy(ones_v, deg_sh.at[dst_v.at[sup * m + q]],
                                dsem).start(add=True)

    def s_wait(m, rows_v, ssem):
      for q in range(sup):
        pltpu.make_async_copy(rows_v.at[pl.ds(q * CHUNK, CHUNK)],
                              acc_sh.at[dst_v.at[sup * m + q]],
                              ssem).wait()

    for off, npass in passes:
      pltpu.sync_copy(edges_hbm.at[0, pl.ds(base + off, npass)],
                      src_v.at[pl.ds(0, npass)])
      pltpu.sync_copy(edges_hbm.at[1, pl.ds(base + off, npass)],
                      dst_v.at[pl.ds(0, npass)])
      nsup = npass // sup
      nring = nsup // 2 * 2
      g_start(0, rows0_v, gsem0)
      g_start(1, rows1_v, gsem1)

      @pl.loop(0, nring, step=2)
      def _(j):
        j1 = lax.rem(j + 1, nring)
        j2 = lax.rem(j + 2, nring)
        j3 = lax.rem(j + 3, nring)
        g_wait(j, rows0_v, gsem0)
        s_start(j, rows0_v, ssem0)
        g_wait(j1, rows1_v, gsem1)
        s_start(j1, rows1_v, ssem1)
        s_wait(j, rows0_v, ssem0)
        g_start(j2, rows0_v, gsem0)
        s_wait(j1, rows1_v, ssem1)
        g_start(j3, rows1_v, gsem1)

      g_wait(0, rows0_v, gsem0)
      g_wait(1, rows1_v, gsem1)
      if nring < nsup:
        g_start(nring, rows0_v, gsem0)
        g_wait(nring, rows0_v, gsem0)
        s_start(nring, rows0_v, ssem0)
        s_wait(nring, rows0_v, ssem0)

      if with_deg:
        @pl.loop(0, npass)
        def _(j):
          pltpu.make_async_copy(ones_v, deg_sh.at[dst_v.at[0]], dsem).wait()

    @pl.when(lax.rem(w, NS // 2) == 0)
    def _():
      xc = base + BASE_CHK
      pltpu.sync_copy(edges_hbm.at[0, xc], src_v.at[0])
      pltpu.sync_copy(edges_hbm.at[1, xc], dst_v.at[0])
      pltpu.make_async_copy(table_hbm.at[src_v.at[0]],
                            rows0_v.at[pl.ds(0, CHUNK)], gsem0).start()
      pltpu.make_async_copy(table_hbm.at[src_v.at[0]],
                            rows0_v.at[pl.ds(0, CHUNK)], gsem0).wait()
      pltpu.sync_copy(rows0_v.at[pl.ds(0, CHUNK)], acc_sh.at[dst_v.at[0]],
                      add=True)
      if with_deg:
        pltpu.sync_copy(ones_v, deg_sh.at[dst_v.at[0]], add=True)
    plsc.subcore_barrier()
    pltpu.sync_copy(acc_sh.at[pl.ds(r0, ROWS_PER_TILE)],
                    part_hbm.at[c, pl.ds(r0, ROWS_PER_TILE)])
    if with_deg:
      pltpu.sync_copy(deg_sh.at[pl.ds(r0, ROWS_PER_TILE)],
                      deg_hbm.at[c, pl.ds(r0, ROWS_PER_TILE)])

  return pl.kernel(body, out_type=out_type, mesh=mesh, scratch_types=scratch,
                   compiler_params=pltpu.CompilerParams(
                       use_tc_tiling_on_sc=False),
                   name=f"sc_segsum_d{d}")


_sc_agg_l0 = _make_sc_agg(D_IN, with_deg=True)
_sc_agg_l1 = _make_sc_agg(D2, with_deg=False)


def _tc1_body(x_ref, p_ref, degp_ref, ws0_ref, wn0_ref, b0_ref, wn1_ref,
              h_ref, z_ref):
  deg = jnp.maximum(degp_ref[0, :, 0] + degp_ref[1, :, 0], 1.0)
  hn = (p_ref[0] + p_ref[1]) / deg[:, None]
  h = (jnp.dot(x_ref[...], ws0_ref[...], preferred_element_type=jnp.float32)
       + jnp.dot(hn, wn0_ref[...], preferred_element_type=jnp.float32)
       + b0_ref[...])
  h = jnp.maximum(h, 0.0)
  h_ref[...] = h
  z_ref[...] = jnp.dot(h, wn1_ref[...], preferred_element_type=jnp.float32)


def _tc2_body(h_ref, q_ref, degp_ref, ws1_ref, b1_ref, out_ref):
  deg = jnp.maximum(degp_ref[0, :, 0] + degp_ref[1, :, 0], 1.0)
  hn = (q_ref[0] + q_ref[1]) / deg[:, None]
  out_ref[...] = (
      jnp.dot(h_ref[...], ws1_ref[...], preferred_element_type=jnp.float32)
      + hn + b1_ref[...])


_tc1 = pl.pallas_call(
    _tc1_body,
    grid=(NB,),
    in_specs=[
        pl.BlockSpec((BLK, D_IN), lambda i: (i, 0)),
        pl.BlockSpec((NC, BLK, D_IN), lambda i: (0, i, 0)),
        pl.BlockSpec((NC, BLK, 1), lambda i: (0, i, 0)),
        pl.BlockSpec((D_IN, D_HID), lambda i: (0, 0)),
        pl.BlockSpec((D_IN, D_HID), lambda i: (0, 0)),
        pl.BlockSpec((1, D_HID), lambda i: (0, 0)),
        pl.BlockSpec((D_HID, D2), lambda i: (0, 0)),
    ],
    out_specs=[
        pl.BlockSpec((BLK, D_HID), lambda i: (i, 0)),
        pl.BlockSpec((BLK, D2), lambda i: (i, 0)),
    ],
    out_shape=[
        jax.ShapeDtypeStruct((N_NODES, D_HID), jnp.float32),
        jax.ShapeDtypeStruct((N_NODES, D2), jnp.float32),
    ],
)

_tc2 = pl.pallas_call(
    _tc2_body,
    grid=(NB,),
    in_specs=[
        pl.BlockSpec((BLK, D_HID), lambda i: (i, 0)),
        pl.BlockSpec((NC, BLK, D2), lambda i: (0, i, 0)),
        pl.BlockSpec((NC, BLK, 1), lambda i: (0, i, 0)),
        pl.BlockSpec((D_HID, D2), lambda i: (0, 0)),
        pl.BlockSpec((1, D2), lambda i: (0, 0)),
    ],
    out_specs=pl.BlockSpec((BLK, D2), lambda i: (i, 0)),
    out_shape=jax.ShapeDtypeStruct((N_NODES, D2), jnp.float32),
)


@jax.jit
def kernel(x, edge_index, W_self0, W_neigh0, b0, W_self1, W_neigh1, b1):
  edges = edge_index.astype(jnp.int32).reshape(2, TOT_CHUNKS, CHUNK)

  zeros2d = jnp.zeros((NPAD, D_IN), jnp.float32)
  zeros2d_s = jnp.zeros((NPAD, D2), jnp.float32)
  zeros1d = jnp.zeros((NPAD,), jnp.float32)
  ones = jnp.ones((CHUNK,), jnp.float32)

  part0, degp = _sc_agg_l0(x, zeros2d, zeros1d, ones, edges)

  b0r = b0.reshape(1, D_HID)
  wn1p = jnp.pad(W_neigh1, ((0, 0), (0, D2 - N_CLASSES)))
  degp3 = degp.reshape(NC, NPAD, 1)
  h, z = _tc1(x, part0, degp3, W_self0, W_neigh0, b0r, wn1p)

  (part1,) = (_sc_agg_l1(z, zeros2d_s, zeros1d, ones, edges),)
  part1 = part1[0] if isinstance(part1, (list, tuple)) else part1

  ws1p = jnp.pad(W_self1, ((0, 0), (0, D2 - N_CLASSES)))
  b1p = jnp.pad(b1, (0, D2 - N_CLASSES)).reshape(1, D2)
  out = _tc2(h, part1, degp3, ws1p, b1p)
  return out[:, :N_CLASSES]

# --- scband reference (transcript-rebuilt; emitter-appended) ---
"""Pipeline reference for scband-sage-89739046682851 (READ-ONLY COPY).

The authoritative reference and input builder live on the scoring server;
editing this copy changes nothing except your own understanding.
"""

import jax, jax.numpy as jnp
import numpy as np

N_NODES = 10000
N_EDGES = 320000
D_IN = 128
D_HID = 128
N_CLASSES = 47


def setup_inputs(seed: int = 0) -> dict:
    key = jax.random.key(seed)
    ks = jax.random.split(key, 8)
    x = jax.random.normal(ks[0], (N_NODES, D_IN), dtype=jnp.float32)
    edge_index = jax.random.randint(ks[1], (2, N_EDGES), 0, N_NODES, dtype=jnp.int64 if jax.config.jax_enable_x64 else jnp.int32).astype(jnp.int32)
    s0 = 1.0 / np.sqrt(D_IN)
    s1 = 1.0 / np.sqrt(D_HID)
    W_self0 = jax.random.uniform(ks[2], (D_IN, D_HID), jnp.float32, -s0, s0)
    W_neigh0 = jax.random.uniform(ks[3], (D_IN, D_HID), jnp.float32, -s0, s0)
    b0 = jnp.zeros((D_HID,), jnp.float32)
    W_self1 = jax.random.uniform(ks[4], (D_HID, N_CLASSES), jnp.float32, -s1, s1)
    W_neigh1 = jax.random.uniform(ks[5], (D_HID, N_CLASSES), jnp.float32, -s1, s1)
    b1 = jnp.zeros((N_CLASSES,), jnp.float32)
    return {"x": x, "edge_index": edge_index, "W_self0": W_self0, "W_neigh0": W_neigh0, "b0": b0, "W_self1": W_self1, "W_neigh1": W_neigh1, "b1": b1}


def _sage_conv(h, src, dst, W_self, W_neigh, b):
    # DGL SAGEConv with 'mean' aggregator: fc_self(h_dst) + fc_neigh(mean_{u in N(v)} h_u) + bias
    msg = jnp.take(h, src, axis=0)
    agg = jax.ops.segment_sum(msg, dst, num_segments=N_NODES)
    deg = jax.ops.segment_sum(jnp.ones((src.shape[0],), h.dtype), dst, num_segments=N_NODES)
    h_neigh = agg / jnp.maximum(deg, 1.0)[:, None]
    return h @ W_self + h_neigh @ W_neigh + b


def reference(x, edge_index, W_self0, W_neigh0, b0, W_self1, W_neigh1, b1):
    src = edge_index[0]
    dst = edge_index[1]
    h = _sage_conv(x, src, dst, W_self0, W_neigh0, b0)
    h = jax.nn.relu(h)
    # dropout is identity at inference
    h = _sage_conv(h, src, dst, W_self1, W_neigh1, b1)
    return h

if __name__ == "__main__":
    import jax
    _d = setup_inputs()
    print(jax.jit(kernel)(*tuple(_d.values())))

</pallas_src>

<mosaic_0001>
#map = affine_map<(d0, d1) -> (0, 0)>
#map1 = affine_map<(d0, d1) -> (0)>
#map2 = affine_map<(d0, d1) -> (0, 0, 0)>
module attributes {stable_mosaic.version = 14 : i64} {
  func.func @sc_segsum_d48(%arg0: i32, %arg1: i32, %arg2: memref<10000x48xf32, #tpu.memory_space<hbm>>, %arg3: memref<10240x48xf32, #tpu.memory_space<hbm>>, %arg4: memref<10240xf32, #tpu.memory_space<hbm>>, %arg5: memref<128xf32, #tpu.memory_space<hbm>>, %arg6: memref<2x2500x128xi32, #tpu.memory_space<hbm>>, %arg7: memref<2x10240x48xf32, #tpu.memory_space<hbm>>, %arg8: memref<78x128xi32, #tpu.memory_space<vmem>>, %arg9: memref<78x128xi32, #tpu.memory_space<vmem>>, %arg10: memref<256x48xf32, #tpu.memory_space<vmem>>, %arg11: memref<256x48xf32, #tpu.memory_space<vmem>>, %arg12: memref<10240x48xf32, #tpu.memory_space<vmem_shared>>, %arg13: memref<!tpu.dma_semaphore, #tpu.memory_space<semaphore_mem>>, %arg14: memref<!tpu.dma_semaphore, #tpu.memory_space<semaphore_mem>>, %arg15: memref<!tpu.dma_semaphore, #tpu.memory_space<semaphore_mem>>, %arg16: memref<!tpu.dma_semaphore, #tpu.memory_space<semaphore_mem>>) attributes {dimension_semantics = [#tpu.dimension_semantics<core_parallel>, #tpu.dimension_semantics<subcore_parallel>], iteration_bounds = array<i64: 2, 16>, scalar_prefetch = 0 : i64, scratch_operands = 9 : i64, tpu.core_type = #tpu.core_type<sc_vector_subcore>, window_params = [{transform_indices = #map}, {transform_indices = #map}, {transform_indices = #map1}, {transform_indices = #map1}, {transform_indices = #map2}, {transform_indices = #map2}]} {
    %mul3A = arith.constant 16 : i32
    %mul3A_0 = arith.muli %arg0, %mul3A : i32
    %add3A = arith.addi %mul3A_0, %arg1 : i32
    %mul3A_1 = arith.constant 78 : i32
    %mul3A_2 = arith.muli %mul3A_1, %add3A : i32
    %add3A_3 = arith.constant 8 : i32
    %add3A_4 = arith.addi %add3A, %add3A_3 : i32
    %sub3A = arith.constant 1 : i32
    %sub3A_5 = arith.subi %add3A_4, %sub3A : i32
    %jit3A = arith.constant 8 : i32
    %div3A = arith.divsi %sub3A_5, %jit3A : i32
    %sign3A = arith.constant 0 : i32
    %sign3A_6 = arith.cmpi sgt, %sub3A_5, %sign3A : i32
    %sign3A_7 = arith.extui %sign3A_6 : i1 to i32
    %sign3A_8 = arith.constant 0 : i32
    %sign3A_9 = arith.cmpi slt, %sub3A_5, %sign3A_8 : i32
    %sign3A_10 = arith.extui %sign3A_9 : i1 to i32
    %sign3A_11 = arith.subi %sign3A_7, %sign3A_10 : i32
    %sign3A_12 = arith.constant 0 : i32
    %sign3A_13 = arith.cmpi sgt, %jit3A, %sign3A_12 : i32
    %sign3A_14 = arith.extui %sign3A_13 : i1 to i32
    %sign3A_15 = arith.constant 0 : i32
    %sign3A_16 = arith.cmpi slt, %jit3A, %sign3A_15 : i32
    %sign3A_17 = arith.extui %sign3A_16 : i1 to i32
    %sign3A_18 = arith.subi %sign3A_14, %sign3A_17 : i32
    %ne3A = arith.cmpi ne, %sign3A_11, %sign3A_18 : i32
    %rem3A = arith.remsi %sub3A_5, %jit3A : i32
    %ne3A_19 = arith.constant 0 : i32
    %ne3A_20 = arith.cmpi ne, %rem3A, %ne3A_19 : i32
    %and3A = arith.andi %ne3A, %ne3A_20 : i1
    %sub3A_21 = arith.constant 1 : i32
    %sub3A_22 = arith.subi %div3A, %sub3A_21 : i32
    %select_n3A = arith.select %and3A, %sub3A_22, %div3A : i32
    %min3A = arith.constant 4 : i32
    %min3A_23 = arith.minsi %select_n3A, %min3A : i32
    %add3A_24 = arith.addi %mul3A_2, %min3A_23 : i32
    %mul3A_25 = arith.constant 640 : i32
    %mul3A_26 = arith.muli %arg1, %mul3A_25 : i32
    "tpu.region"() ({
      %run_scoped3A_199 = tpu.sem_alloc : memref<!tpu.dma_semaphore, #tpu.memory_space<semaphore_mem>>
      %dma_start3A_200 = arith.constant 0 : i32
      %dma_start3A_201 = tpu.memref_slice %arg12[%mul3A_26, %dma_start3A_200] : memref<10240x48xf32, #tpu.memory_space<vmem_shared>> -> memref<640x48xf32, #tpu.memory_space<vmem_shared>>
      %dma_start3A_202 = arith.constant 0 : i32
      %dma_start3A_203 = tpu.memref_slice %arg3[%mul3A_26, %dma_start3A_202] : memref<10240x48xf32, #tpu.memory_space<hbm>> -> memref<640x48xf32, #tpu.memory_space<hbm>>
      tpu.enqueue_dma source(%dma_start3A_203 : memref<640x48xf32, #tpu.memory_space<hbm>>) target(%dma_start3A_201 : memref<640x48xf32, #tpu.memory_space<vmem_shared>>) target_semaphore(%run_scoped3A_199 : memref<!tpu.dma_semaphore, #tpu.memory_space<semaphore_mem>>)
      %dma_wait3A_204 = arith.constant 0 : i32
      %dma_wait3A_205 = tpu.memref_slice %arg12[%mul3A_26, %dma_wait3A_204] : memref<10240x48xf32, #tpu.memory_space<vmem_shared>> -> memref<640x48xf32, #tpu.memory_space<vmem_shared>>
      %dma_wait3A_206 = arith.constant 0 : i32
      %dma_wait3A_207 = tpu.memref_slice %arg3[%mul3A_26, %dma_wait3A_206] : memref<10240x48xf32, #tpu.memory_space<hbm>> -> memref<640x48xf32, #tpu.memory_space<hbm>>
      tpu.wait_dma2 semaphore(%run_scoped3A_199 : memref<!tpu.dma_semaphore, #tpu.memory_space<semaphore_mem>>) src(%dma_wait3A_207 : memref<640x48xf32, #tpu.memory_space<hbm>>) dst(%dma_wait3A_205 : memref<640x48xf32, #tpu.memory_space<vmem_shared>>)
      tpu.yield
    }) : () -> ()
    %barrier3A = arith.constant 0 : index
    tpu.barrier barrier_id(%barrier3A)
    %add3A_27 = arith.constant 0 : i32
    %add3A_28 = arith.addi %add3A_24, %add3A_27 : i32
    %run_scoped3A = arith.constant 0 : i32
    "tpu.region"() ({
      %run_scoped3A_199 = tpu.sem_alloc : memref<!tpu.dma_semaphore, #tpu.memory_space<semaphore_mem>>
      %dma_start3A_200 = arith.constant 0 : i32
      %dma_start3A_201 = arith.constant 0 : i32
      %dma_start3A_202 = tpu.memref_slice %arg8[%dma_start3A_200, %dma_start3A_201] : memref<78x128xi32, #tpu.memory_space<vmem>> -> memref<78x128xi32, #tpu.memory_space<vmem>>
      %dma_start3A_203 = arith.constant 0 : i32
      %dma_start3A_204 = tpu.memref_slice %arg6[%run_scoped3A, %add3A_28, %dma_start3A_203] : memref<2x2500x128xi32, #tpu.memory_space<hbm>> -> memref<1x78x128xi32, #tpu.memory_space<hbm>>
      %dma_start3A_205 = tpu.memref_squeeze %dma_start3A_204 : memref<1x78x128xi32, #tpu.memory_space<hbm>> -> memref<78x128xi32, #tpu.memory_space<hbm>>
      %dma_start3A_206 = arith.constant 0 : i32
      %dma_start3A_207 = arith.constant 0 : i32
      %dma_start3A_208 = tpu.memref_slice %arg8[%dma_start3A_206, %dma_start3A_207] : memref<78x128xi32, #tpu.memory_space<vmem>> -> memref<78x128xi32, #tpu.memory_space<vmem>>
      %dma_start3A_209 = arith.constant 0 : i32
      %dma_start3A_210 = tpu.memref_slice %arg6[%run_scoped3A, %add3A_28, %dma_start3A_209] : memref<2x2500x128xi32, #tpu.memory_space<hbm>> -> memref<1x78x128xi32, #tpu.memory_space<hbm>>
      %dma_start3A_211 = tpu.memref_squeeze %dma_start3A_210 : memref<1x78x128xi32, #tpu.memory_space<hbm>> -> memref<78x128xi32, #tpu.memory_space<hbm>>
      tpu.enqueue_dma source(%dma_start3A_211 : memref<78x128xi32, #tpu.memory_space<hbm>>) target(%dma_start3A_208 : memref<78x128xi32, #tpu.memory_space<vmem>>) target_semaphore(%run_scoped3A_199 : memref<!tpu.dma_semaphore, #tpu.memory_space<semaphore_mem>>)
      %dma_wait3A_212 = arith.constant 0 : i32
      %dma_wait3A_213 = arith.constant 0 : i32
      %dma_wait3A_214 = tpu.memref_slice %arg8[%dma_wait3A_212, %dma_wait3A_213] : memref<78x128xi32, #tpu.memory_space<vmem>> -> memref<78x128xi32, #tpu.memory_space<vmem>>
      %dma_wait3A_215 = arith.constant 0 : i32
      %dma_wait3A_216 = tpu.memref_slice %arg6[%run_scoped3A, %add3A_28, %dma_wait3A_215] : memref<2x2500x128xi32, #tpu.memory_space<hbm>> -> memref<1x78x128xi32, #tpu.memory_space<hbm>>
      %dma_wait3A_217 = tpu.memref_squeeze %dma_wait3A_216 : memref<1x78x128xi32, #tpu.memory_space<hbm>> -> memref<78x128xi32, #tpu.memory_space<hbm>>
      %dma_wait3A_218 = arith.constant 0 : i32
      %dma_wait3A_219 = arith.constant 0 : i32
      %dma_wait3A_220 = tpu.memref_slice %arg8[%dma_wait3A_218, %dma_wait3A_219] : memref<78x128xi32, #tpu.memory_space<vmem>> -> memref<78x128xi32, #tpu.memory_space<vmem>>
      %dma_wait3A_221 = arith.constant 0 : i32
      %dma_wait3A_222 = tpu.memref_slice %arg6[%run_scoped3A, %add3A_28, %dma_wait3A_221] : memref<2x2500x128xi32, #tpu.memory_space<hbm>> -> memref<1x78x128xi32, #tpu.memory_space<hbm>>
      %dma_wait3A_223 = tpu.memref_squeeze %dma_wait3A_222 : memref<1x78x128xi32, #tpu.memory_space<hbm>> -> memref<78x128xi32, #tpu.memory_space<hbm>>
      tpu.wait_dma2 semaphore(%run_scoped3A_199 : memref<!tpu.dma_semaphore, #tpu.memory_space<semaphore_mem>>) src(%dma_wait3A_223 : memref<78x128xi32, #tpu.memory_space<hbm>>) dst(%dma_wait3A_220 : memref<78x128xi32, #tpu.memory_space<vmem>>)
      tpu.yield
    }) : () -> ()
    %add3A_29 = arith.constant 0 : i32
    %add3A_30 = arith.addi %add3A_24, %add3A_29 : i32
    %run_scoped3A_31 = arith.constant 1 : i32
    "tpu.region"() ({
      %run_scoped3A_199 = tpu.sem_alloc : memref<!tpu.dma_semaphore, #tpu.memory_space<semaphore_mem>>
      %dma_start3A_200 = arith.constant 0 : i32
      %dma_start3A_201 = arith.constant 0 : i32
      %dma_start3A_202 = tpu.memref_slice %arg9[%dma_start3A_200, %dma_start3A_201] : memref<78x128xi32, #tpu.memory_space<vmem>> -> memref<78x128xi32, #tpu.memory_space<vmem>>
      %dma_start3A_203 = arith.constant 0 : i32
      %dma_start3A_204 = tpu.memref_slice %arg6[%run_scoped3A_31, %add3A_30, %dma_start3A_203] : memref<2x2500x128xi32, #tpu.memory_space<hbm>> -> memref<1x78x128xi32, #tpu.memory_space<hbm>>
      %dma_start3A_205 = tpu.memref_squeeze %dma_start3A_204 : memref<1x78x128xi32, #tpu.memory_space<hbm>> -> memref<78x128xi32, #tpu.memory_space<hbm>>
      %dma_start3A_206 = arith.constant 0 : i32
      %dma_start3A_207 = arith.constant 0 : i32
      %dma_start3A_208 = tpu.memref_slice %arg9[%dma_start3A_206, %dma_start3A_207] : memref<78x128xi32, #tpu.memory_space<vmem>> -> memref<78x128xi32, #tpu.memory_space<vmem>>
      %dma_start3A_209 = arith.constant 0 : i32
      %dma_start3A_210 = tpu.memref_slice %arg6[%run_scoped3A_31, %add3A_30, %dma_start3A_209] : memref<2x2500x128xi32, #tpu.memory_space<hbm>> -> memref<1x78x128xi32, #tpu.memory_space<hbm>>
      %dma_start3A_211 = tpu.memref_squeeze %dma_start3A_210 : memref<1x78x128xi32, #tpu.memory_space<hbm>> -> memref<78x128xi32, #tpu.memory_space<hbm>>
      tpu.enqueue_dma source(%dma_start3A_211 : memref<78x128xi32, #tpu.memory_space<hbm>>) target(%dma_start3A_208 : memref<78x128xi32, #tpu.memory_space<vmem>>) target_semaphore(%run_scoped3A_199 : memref<!tpu.dma_semaphore, #tpu.memory_space<semaphore_mem>>)
      %dma_wait3A_212 = arith.constant 0 : i32
      %dma_wait3A_213 = arith.constant 0 : i32
      %dma_wait3A_214 = tpu.memref_slice %arg9[%dma_wait3A_212, %dma_wait3A_213] : memref<78x128xi32, #tpu.memory_space<vmem>> -> memref<78x128xi32, #tpu.memory_space<vmem>>
      %dma_wait3A_215 = arith.constant 0 : i32
      %dma_wait3A_216 = tpu.memref_slice %arg6[%run_scoped3A_31, %add3A_30, %dma_wait3A_215] : memref<2x2500x128xi32, #tpu.memory_space<hbm>> -> memref<1x78x128xi32, #tpu.memory_space<hbm>>
      %dma_wait3A_217 = tpu.memref_squeeze %dma_wait3A_216 : memref<1x78x128xi32, #tpu.memory_space<hbm>> -> memref<78x128xi32, #tpu.memory_space<hbm>>
      %dma_wait3A_218 = arith.constant 0 : i32
      %dma_wait3A_219 = arith.constant 0 : i32
      %dma_wait3A_220 = tpu.memref_slice %arg9[%dma_wait3A_218, %dma_wait3A_219] : memref<78x128xi32, #tpu.memory_space<vmem>> -> memref<78x128xi32, #tpu.memory_space<vmem>>
      %dma_wait3A_221 = arith.constant 0 : i32
      %dma_wait3A_222 = tpu.memref_slice %arg6[%run_scoped3A_31, %add3A_30, %dma_wait3A_221] : memref<2x2500x128xi32, #tpu.memory_space<hbm>> -> memref<1x78x128xi32, #tpu.memory_space<hbm>>
      %dma_wait3A_223 = tpu.memref_squeeze %dma_wait3A_222 : memref<1x78x128xi32, #tpu.memory_space<hbm>> -> memref<78x128xi32, #tpu.memory_space<hbm>>
      tpu.wait_dma2 semaphore(%run_scoped3A_199 : memref<!tpu.dma_semaphore, #tpu.memory_space<semaphore_mem>>) src(%dma_wait3A_223 : memref<78x128xi32, #tpu.memory_space<hbm>>) dst(%dma_wait3A_220 : memref<78x128xi32, #tpu.memory_space<vmem>>)
      tpu.yield
    }) : () -> ()
    %dma_start3A = arith.constant 0 : i32
    %dma_start3A_32 = arith.constant 0 : i32
    %dma_start3A_33 = arith.constant 0 : i32
    %dma_start3A_34 = tpu.memref_slice %arg10[%dma_start3A_32, %dma_start3A_33] : memref<256x48xf32, #tpu.memory_space<vmem>> -> memref<128x48xf32, #tpu.memory_space<vmem>>
    %dma_start3A_35 = arith.constant 0 : i32
    %dma_start3A_36 = tpu.memref_slice %arg8[%dma_start3A, %dma_start3A_35] : memref<78x128xi32, #tpu.memory_space<vmem>> -> memref<1x128xi32, #tpu.memory_space<vmem>>
    %dma_start3A_37 = tpu.memref_squeeze %dma_start3A_36 : memref<1x128xi32, #tpu.memory_space<vmem>> -> memref<128xi32, #tpu.memory_space<vmem>>
    %dma_start3A_38 = arith.constant 0 : i32
    %dma_start3A_39 = arith.constant 0 : i32
    %dma_start3A_40 = tpu.memref_slice %arg2[%dma_start3A_38, %dma_start3A_39] : memref<10000x48xf32, #tpu.memory_space<hbm>> -> memref<10000x48xf32, #tpu.memory_space<hbm>>
    tpu.enqueue_indirect_dma source(%dma_start3A_40 : memref<10000x48xf32, #tpu.memory_space<hbm>>) target(%dma_start3A_34 : memref<128x48xf32, #tpu.memory_space<vmem>>) offsets(%dma_start3A_37 : memref<128xi32, #tpu.memory_space<vmem>>) semaphore(%arg13 : memref<!tpu.dma_semaphore, #tpu.memory_space<semaphore_mem>>)
    %dma_start3A_41 = arith.constant 1 : i32
    %dma_start3A_42 = arith.constant 128 : i32
    %dma_start3A_43 = arith.constant 0 : i32
    %dma_start3A_44 = tpu.memref_slice %arg10[%dma_start3A_42, %dma_start3A_43] : memref<256x48xf32, #tpu.memory_space<vmem>> -> memref<128x48xf32, #tpu.memory_space<vmem>>
    %dma_start3A_45 = arith.constant 0 : i32
    %dma_start3A_46 = tpu.memref_slice %arg8[%dma_start3A_41, %dma_start3A_45] : memref<78x128xi32, #tpu.memory_space<vmem>> -> memref<1x128xi32, #tpu.memory_space<vmem>>
    %dma_start3A_47 = tpu.memref_squeeze %dma_start3A_46 : memref<1x128xi32, #tpu.memory_space<vmem>> -> memref<128xi32, #tpu.memory_space<vmem>>
    %dma_start3A_48 = arith.constant 0 : i32
    %dma_start3A_49 = arith.constant 0 : i32
    %dma_start3A_50 = tpu.memref_slice %arg2[%dma_start3A_48, %dma_start3A_49] : memref<10000x48xf32, #tpu.memory_space<hbm>> -> memref<10000x48xf32, #tpu.memory_space<hbm>>
    tpu.enqueue_indirect_dma source(%dma_start3A_50 : memref<10000x48xf32, #tpu.memory_space<hbm>>) target(%dma_start3A_44 : memref<128x48xf32, #tpu.memory_space<vmem>>) offsets(%dma_start3A_47 : memref<128xi32, #tpu.memory_space<vmem>>) semaphore(%arg13 : memref<!tpu.dma_semaphore, #tpu.memory_space<semaphore_mem>>)
    %dma_start3A_51 = arith.constant 2 : i32
    %dma_start3A_52 = arith.constant 0 : i32
    %dma_start3A_53 = arith.constant 0 : i32
    %dma_start3A_54 = tpu.memref_slice %arg11[%dma_start3A_52, %dma_start3A_53] : memref<256x48xf32, #tpu.memory_space<vmem>> -> memref<128x48xf32, #tpu.memory_space<vmem>>
    %dma_start3A_55 = arith.constant 0 : i32
    %dma_start3A_56 = tpu.memref_slice %arg8[%dma_start3A_51, %dma_start3A_55] : memref<78x128xi32, #tpu.memory_space<vmem>> -> memref<1x128xi32, #tpu.memory_space<vmem>>
    %dma_start3A_57 = tpu.memref_squeeze %dma_start3A_56 : memref<1x128xi32, #tpu.memory_space<vmem>> -> memref<128xi32, #tpu.memory_space<vmem>>
    %dma_start3A_58 = arith.constant 0 : i32
    %dma_start3A_59 = arith.constant 0 : i32
    %dma_start3A_60 = tpu.memref_slice %arg2[%dma_start3A_58, %dma_start3A_59] : memref<10000x48xf32, #tpu.memory_space<hbm>> -> memref<10000x48xf32, #tpu.memory_space<hbm>>
    tpu.enqueue_indirect_dma source(%dma_start3A_60 : memref<10000x48xf32, #tpu.memory_space<hbm>>) target(%dma_start3A_54 : memref<128x48xf32, #tpu.memory_space<vmem>>) offsets(%dma_start3A_57 : memref<128xi32, #tpu.memory_space<vmem>>) semaphore(%arg14 : memref<!tpu.dma_semaphore, #tpu.memory_space<semaphore_mem>>)
    %dma_start3A_61 = arith.constant 3 : i32
    %dma_start3A_62 = arith.constant 128 : i32
    %dma_start3A_63 = arith.constant 0 : i32
    %dma_start3A_64 = tpu.memref_slice %arg11[%dma_start3A_62, %dma_start3A_63] : memref<256x48xf32, #tpu.memory_space<vmem>> -> memref<128x48xf32, #tpu.memory_space<vmem>>
    %dma_start3A_65 = arith.constant 0 : i32
    %dma_start3A_66 = tpu.memref_slice %arg8[%dma_start3A_61, %dma_start3A_65] : memref<78x128xi32, #tpu.memory_space<vmem>> -> memref<1x128xi32, #tpu.memory_space<vmem>>
    %dma_start3A_67 = tpu.memref_squeeze %dma_start3A_66 : memref<1x128xi32, #tpu.memory_space<vmem>> -> memref<128xi32, #tpu.memory_space<vmem>>
    %dma_start3A_68 = arith.constant 0 : i32
    %dma_start3A_69 = arith.constant 0 : i32
    %dma_start3A_70 = tpu.memref_slice %arg2[%dma_start3A_68, %dma_start3A_69] : memref<10000x48xf32, #tpu.memory_space<hbm>> -> memref<10000x48xf32, #tpu.memory_space<hbm>>
    tpu.enqueue_indirect_dma source(%dma_start3A_70 : memref<10000x48xf32, #tpu.memory_space<hbm>>) target(%dma_start3A_64 : memref<128x48xf32, #tpu.memory_space<vmem>>) offsets(%dma_start3A_67 : memref<128xi32, #tpu.memory_space<vmem>>) semaphore(%arg14 : memref<!tpu.dma_semaphore, #tpu.memory_space<semaphore_mem>>)
    %scan3A = arith.constant 0 : i32
    %scan3A_71 = arith.constant 19 : i32
    %scan3A_72 = arith.addi %scan3A, %scan3A_71 : i32
    %scan3A_73 = arith.constant 1 : i32
    scf.for %scan3A_199 = %scan3A to %scan3A_72 step %scan3A_73  : i32 {
      %mul3A_200 = arith.constant 2 : i32
      %mul3A_201 = arith.muli %scan3A_199, %mul3A_200 : i32
      %add3A_202 = arith.constant 0 : i32
      %add3A_203 = arith.addi %add3A_202, %mul3A_201 : i32
      %add3A_204 = arith.constant 1 : i32
      %add3A_205 = arith.addi %add3A_203, %add3A_204 : i32
      %rem3A_206 = arith.constant 38 : i32
      %rem3A_207 = arith.remsi %add3A_205, %rem3A_206 : i32
      %add3A_208 = arith.constant 2 : i32
      %add3A_209 = arith.addi %add3A_203, %add3A_208 : i32
      %rem3A_210 = arith.constant 38 : i32
      %rem3A_211 = arith.remsi %add3A_209, %rem3A_210 : i32
      %add3A_212 = arith.constant 3 : i32
      %add3A_213 = arith.addi %add3A_203, %add3A_212 : i32
      %rem3A_214 = arith.constant 38 : i32
      %rem3A_215 = arith.remsi %add3A_213, %rem3A_214 : i32
      %mul3A_216 = arith.constant 2 : i32
      %mul3A_217 = arith.muli %mul3A_216, %add3A_203 : i32
      %add3A_218 = arith.constant 0 : i32
      %add3A_219 = arith.addi %mul3A_217, %add3A_218 : i32
      %dma_wait3A_220 = arith.constant 0 : i32
      %dma_wait3A_221 = arith.constant 0 : i32
      %dma_wait3A_222 = tpu.memref_slice %arg10[%dma_wait3A_220, %dma_wait3A_221] : memref<256x48xf32, #tpu.memory_space<vmem>> -> memref<128x48xf32, #tpu.memory_space<vmem>>
      %dma_wait3A_223 = arith.constant 0 : i32
      %dma_wait3A_224 = tpu.memref_slice %arg8[%add3A_219, %dma_wait3A_223] : memref<78x128xi32, #tpu.memory_space<vmem>> -> memref<1x128xi32, #tpu.memory_space<vmem>>
      %dma_wait3A_225 = tpu.memref_squeeze %dma_wait3A_224 : memref<1x128xi32, #tpu.memory_space<vmem>> -> memref<128xi32, #tpu.memory_space<vmem>>
      %dma_wait3A_226 = arith.constant 0 : i32
      %dma_wait3A_227 = arith.constant 0 : i32
      %dma_wait3A_228 = tpu.memref_slice %arg2[%dma_wait3A_226, %dma_wait3A_227] : memref<10000x48xf32, #tpu.memory_space<hbm>> -> memref<10000x48xf32, #tpu.memory_space<hbm>>
      tpu.wait_indirect_dma semaphore(%arg13 : memref<!tpu.dma_semaphore, #tpu.memory_space<semaphore_mem>>) src(%dma_wait3A_228 : memref<10000x48xf32, #tpu.memory_space<hbm>>) dst(%dma_wait3A_222 : memref<128x48xf32, #tpu.memory_space<vmem>>)
      %mul3A_229 = arith.constant 2 : i32
      %mul3A_230 = arith.muli %mul3A_229, %add3A_203 : i32
      %add3A_231 = arith.constant 1 : i32
      %add3A_232 = arith.addi %mul3A_230, %add3A_231 : i32
      %dma_wait3A_233 = arith.constant 128 : i32
      %dma_wait3A_234 = arith.constant 0 : i32
      %dma_wait3A_235 = tpu.memref_slice %arg10[%dma_wait3A_233, %dma_wait3A_234] : memref<256x48xf32, #tpu.memory_space<vmem>> -> memref<128x48xf32, #tpu.memory_space<vmem>>
      %dma_wait3A_236 = arith.constant 0 : i32
      %dma_wait3A_237 = tpu.memref_slice %arg8[%add3A_232, %dma_wait3A_236] : memref<78x128xi32, #tpu.memory_space<vmem>> -> memref<1x128xi32, #tpu.memory_space<vmem>>
      %dma_wait3A_238 = tpu.memref_squeeze %dma_wait3A_237 : memref<1x128xi32, #tpu.memory_space<vmem>> -> memref<128xi32, #tpu.memory_space<vmem>>
      %dma_wait3A_239 = arith.constant 0 : i32
      %dma_wait3A_240 = arith.constant 0 : i32
      %dma_wait3A_241 = tpu.memref_slice %arg2[%dma_wait3A_239, %dma_wait3A_240] : memref<10000x48xf32, #tpu.memory_space<hbm>> -> memref<10000x48xf32, #tpu.memory_space<hbm>>
      tpu.wait_indirect_dma semaphore(%arg13 : memref<!tpu.dma_semaphore, #tpu.memory_space<semaphore_mem>>) src(%dma_wait3A_241 : memref<10000x48xf32, #tpu.memory_space<hbm>>) dst(%dma_wait3A_235 : memref<128x48xf32, #tpu.memory_space<vmem>>)
      %mul3A_242 = arith.constant 2 : i32
      %mul3A_243 = arith.muli %mul3A_242, %add3A_203 : i32
      %add3A_244 = arith.constant 0 : i32
      %add3A_245 = arith.addi %mul3A_243, %add3A_244 : i32
      %dma_start3A_246 = arith.constant 0 : i32
      %dma_start3A_247 = arith.constant 0 : i32
      %dma_start3A_248 = tpu.memref_slice %arg10[%dma_start3A_246, %dma_start3A_247] : memref<256x48xf32, #tpu.memory_space<vmem>> -> memref<128x48xf32, #tpu.memory_space<vmem>>
      %dma_start3A_249 = arith.constant 0 : i32
      %dma_start3A_250 = tpu.memref_slice %arg9[%add3A_245, %dma_start3A_249] : memref<78x128xi32, #tpu.memory_space<vmem>> -> memref<1x128xi32, #tpu.memory_space<vmem>>
      %dma_start3A_251 = tpu.memref_squeeze %dma_start3A_250 : memref<1x128xi32, #tpu.memory_space<vmem>> -> memref<128xi32, #tpu.memory_space<vmem>>
      %dma_start3A_252 = arith.constant 0 : i32
      %dma_start3A_253 = arith.constant 0 : i32
      %dma_start3A_254 = tpu.memref_slice %arg12[%dma_start3A_252, %dma_start3A_253] : memref<10240x48xf32, #tpu.memory_space<vmem_shared>> -> memref<10240x48xf32, #tpu.memory_space<vmem_shared>>
      tpu.enqueue_indirect_dma source(%dma_start3A_248 : memref<128x48xf32, #tpu.memory_space<vmem>>) target(%dma_start3A_254 : memref<10240x48xf32, #tpu.memory_space<vmem_shared>>) offsets(%dma_start3A_251 : memref<128xi32, #tpu.memory_space<vmem>>) semaphore(%arg15 : memref<!tpu.dma_semaphore, #tpu.memory_space<semaphore_mem>>) {add = true}
      %mul3A_255 = arith.constant 2 : i32
      %mul3A_256 = arith.muli %mul3A_255, %add3A_203 : i32
      %add3A_257 = arith.constant 1 : i32
      %add3A_258 = arith.addi %mul3A_256, %add3A_257 : i32
      %dma_start3A_259 = arith.constant 128 : i32
      %dma_start3A_260 = arith.constant 0 : i32
      %dma_start3A_261 = tpu.memref_slice %arg10[%dma_start3A_259, %dma_start3A_260] : memref<256x48xf32, #tpu.memory_space<vmem>> -> memref<128x48xf32, #tpu.memory_space<vmem>>
      %dma_start3A_262 = arith.constant 0 : i32
      %dma_start3A_263 = tpu.memref_slice %arg9[%add3A_258, %dma_start3A_262] : memref<78x128xi32, #tpu.memory_space<vmem>> -> memref<1x128xi32, #tpu.memory_space<vmem>>
      %dma_start3A_264 = tpu.memref_squeeze %dma_start3A_263 : memref<1x128xi32, #tpu.memory_space<vmem>> -> memref<128xi32, #tpu.memory_space<vmem>>
      %dma_start3A_265 = arith.constant 0 : i32
      %dma_start3A_266 = arith.constant 0 : i32
      %dma_start3A_267 = tpu.memref_slice %arg12[%dma_start3A_265, %dma_start3A_266] : memref<10240x48xf32, #tpu.memory_space<vmem_shared>> -> memref<10240x48xf32, #tpu.memory_space<vmem_shared>>
      tpu.enqueue_indirect_dma source(%dma_start3A_261 : memref<128x48xf32, #tpu.memory_space<vmem>>) target(%dma_start3A_267 : memref<10240x48xf32, #tpu.memory_space<vmem_shared>>) offsets(%dma_start3A_264 : memref<128xi32, #tpu.memory_space<vmem>>) semaphore(%arg15 : memref<!tpu.dma_semaphore, #tpu.memory_space<semaphore_mem>>) {add = true}
      %mul3A_268 = arith.constant 2 : i32
      %mul3A_269 = arith.muli %mul3A_268, %rem3A_207 : i32
      %add3A_270 = arith.constant 0 : i32
      %add3A_271 = arith.addi %mul3A_269, %add3A_270 : i32
      %dma_wait3A_272 = arith.constant 0 : i32
      %dma_wait3A_273 = arith.constant 0 : i32
      %dma_wait3A_274 = tpu.memref_slice %arg11[%dma_wait3A_272, %dma_wait3A_273] : memref<256x48xf32, #tpu.memory_space<vmem>> -> memref<128x48xf32, #tpu.memory_space<vmem>>
      %dma_wait3A_275 = arith.constant 0 : i32
      %dma_wait3A_276 = tpu.memref_slice %arg8[%add3A_271, %dma_wait3A_275] : memref<78x128xi32, #tpu.memory_space<vmem>> -> memref<1x128xi32, #tpu.memory_space<vmem>>
      %dma_wait3A_277 = tpu.memref_squeeze %dma_wait3A_276 : memref<1x128xi32, #tpu.memory_space<vmem>> -> memref<128xi32, #tpu.memory_space<vmem>>
      %dma_wait3A_278 = arith.constant 0 : i32
      %dma_wait3A_279 = arith.constant 0 : i32
      %dma_wait3A_280 = tpu.memref_slice %arg2[%dma_wait3A_278, %dma_wait3A_279] : memref<10000x48xf32, #tpu.memory_space<hbm>> -> memref<10000x48xf32, #tpu.memory_space<hbm>>
      tpu.wait_indirect_dma semaphore(%arg14 : memref<!tpu.dma_semaphore, #tpu.memory_space<semaphore_mem>>) src(%dma_wait3A_280 : memref<10000x48xf32, #tpu.memory_space<hbm>>) dst(%dma_wait3A_274 : memref<128x48xf32, #tpu.memory_space<vmem>>)
      %mul3A_281 = arith.constant 2 : i32
      %mul3A_282 = arith.muli %mul3A_281, %rem3A_207 : i32
      %add3A_283 = arith.constant 1 : i32
      %add3A_284 = arith.addi %mul3A_282, %add3A_283 : i32
      %dma_wait3A_285 = arith.constant 128 : i32
      %dma_wait3A_286 = arith.constant 0 : i32
      %dma_wait3A_287 = tpu.memref_slice %arg11[%dma_wait3A_285, %dma_wait3A_286] : memref<256x48xf32, #tpu.memory_space<vmem>> -> memref<128x48xf32, #tpu.memory_space<vmem>>
      %dma_wait3A_288 = arith.constant 0 : i32
      %dma_wait3A_289 = tpu.memref_slice %arg8[%add3A_284, %dma_wait3A_288] : memref<78x128xi32, #tpu.memory_space<vmem>> -> memref<1x128xi32, #tpu.memory_space<vmem>>
      %dma_wait3A_290 = tpu.memref_squeeze %dma_wait3A_289 : memref<1x128xi32, #tpu.memory_space<vmem>> -> memref<128xi32, #tpu.memory_space<vmem>>
      %dma_wait3A_291 = arith.constant 0 : i32
      %dma_wait3A_292 = arith.constant 0 : i32
      %dma_wait3A_293 = tpu.memref_slice %arg2[%dma_wait3A_291, %dma_wait3A_292] : memref<10000x48xf32, #tpu.memory_space<hbm>> -> memref<10000x48xf32, #tpu.memory_space<hbm>>
      tpu.wait_indirect_dma semaphore(%arg14 : memref<!tpu.dma_semaphore, #tpu.memory_space<semaphore_mem>>) src(%dma_wait3A_293 : memref<10000x48xf32, #tpu.memory_space<hbm>>) dst(%dma_wait3A_287 : memref<128x48xf32, #tpu.memory_space<vmem>>)
      %mul3A_294 = arith.constant 2 : i32
      %mul3A_295 = arith.muli %mul3A_294, %rem3A_207 : i32
      %add3A_296 = arith.constant 0 : i32
      %add3A_297 = arith.addi %mul3A_295, %add3A_296 : i32
      %dma_start3A_298 = arith.constant 0 : i32
      %dma_start3A_299 = arith.constant 0 : i32
      %dma_start3A_300 = tpu.memref_slice %arg11[%dma_start3A_298, %dma_start3A_299] : memref<256x48xf32, #tpu.memory_space<vmem>> -> memref<128x48xf32, #tpu.memory_space<vmem>>
      %dma_start3A_301 = arith.constant 0 : i32
      %dma_start3A_302 = tpu.memref_slice %arg9[%add3A_297, %dma_start3A_301] : memref<78x128xi32, #tpu.memory_space<vmem>> -> memref<1x128xi32, #tpu.memory_space<vmem>>
      %dma_start3A_303 = tpu.memref_squeeze %dma_start3A_302 : memref<1x128xi32, #tpu.memory_space<vmem>> -> memref<128xi32, #tpu.memory_space<vmem>>
      %dma_start3A_304 = arith.constant 0 : i32
      %dma_start3A_305 = arith.constant 0 : i32
      %dma_start3A_306 = tpu.memref_slice %arg12[%dma_start3A_304, %dma_start3A_305] : memref<10240x48xf32, #tpu.memory_space<vmem_shared>> -> memref<10240x48xf32, #tpu.memory_space<vmem_shared>>
      tpu.enqueue_indirect_dma source(%dma_start3A_300 : memref<128x48xf32, #tpu.memory_space<vmem>>) target(%dma_start3A_306 : memref<10240x48xf32, #tpu.memory_space<vmem_shared>>) offsets(%dma_start3A_303 : memref<128xi32, #tpu.memory_space<vmem>>) semaphore(%arg16 : memref<!tpu.dma_semaphore, #tpu.memory_space<semaphore_mem>>) {add = true}
      %mul3A_307 = arith.constant 2 : i32
      %mul3A_308 = arith.muli %mul3A_307, %rem3A_207 : i32
      %add3A_309 = arith.constant 1 : i32
      %add3A_310 = arith.addi %mul3A_308, %add3A_309 : i32
      %dma_start3A_311 = arith.constant 128 : i32
      %dma_start3A_312 = arith.constant 0 : i32
      %dma_start3A_313 = tpu.memref_slice %arg11[%dma_start3A_311, %dma_start3A_312] : memref<256x48xf32, #tpu.memory_space<vmem>> -> memref<128x48xf32, #tpu.memory_space<vmem>>
      %dma_start3A_314 = arith.constant 0 : i32
      %dma_start3A_315 = tpu.memref_slice %arg9[%add3A_310, %dma_start3A_314] : memref<78x128xi32, #tpu.memory_space<vmem>> -> memref<1x128xi32, #tpu.memory_space<vmem>>
      %dma_start3A_316 = tpu.memref_squeeze %dma_start3A_315 : memref<1x128xi32, #tpu.memory_space<vmem>> -> memref<128xi32, #tpu.memory_space<vmem>>
      %dma_start3A_317 = arith.constant 0 : i32
      %dma_start3A_318 = arith.constant 0 : i32
      %dma_start3A_319 = tpu.memref_slice %arg12[%dma_start3A_317, %dma_start3A_318] : memref<10240x48xf32, #tpu.memory_space<vmem_shared>> -> memref<10240x48xf32, #tpu.memory_space<vmem_shared>>
      tpu.enqueue_indirect_dma source(%dma_start3A_313 : memref<128x48xf32, #tpu.memory_space<vmem>>) target(%dma_start3A_319 : memref<10240x48xf32, #tpu.memory_space<vmem_shared>>) offsets(%dma_start3A_316 : memref<128xi32, #tpu.memory_space<vmem>>) semaphore(%arg16 : memref<!tpu.dma_semaphore, #tpu.memory_space<semaphore_mem>>) {add = true}
      %mul3A_320 = arith.constant 2 : i32
      %mul3A_321 = arith.muli %mul3A_320, %add3A_203 : i32
      %add3A_322 = arith.constant 0 : i32
      %add3A_323 = arith.addi %mul3A_321, %add3A_322 : i32
      %dma_wait3A_324 = arith.constant 0 : i32
      %dma_wait3A_325 = arith.constant 0 : i32
      %dma_wait3A_326 = tpu.memref_slice %arg10[%dma_wait3A_324, %dma_wait3A_325] : memref<256x48xf32, #tpu.memory_space<vmem>> -> memref<128x48xf32, #tpu.memory_space<vmem>>
      %dma_wait3A_327 = arith.constant 0 : i32
      %dma_wait3A_328 = tpu.memref_slice %arg9[%add3A_323, %dma_wait3A_327] : memref<78x128xi32, #tpu.memory_space<vmem>> -> memref<1x128xi32, #tpu.memory_space<vmem>>
      %dma_wait3A_329 = tpu.memref_squeeze %dma_wait3A_328 : memref<1x128xi32, #tpu.memory_space<vmem>> -> memref<128xi32, #tpu.memory_space<vmem>>
      %dma_wait3A_330 = arith.constant 0 : i32
      %dma_wait3A_331 = arith.constant 0 : i32
      %dma_wait3A_332 = tpu.memref_slice %arg12[%dma_wait3A_330, %dma_wait3A_331] : memref<10240x48xf32, #tpu.memory_space<vmem_shared>> -> memref<10240x48xf32, #tpu.memory_space<vmem_shared>>
      tpu.wait_indirect_dma semaphore(%arg15 : memref<!tpu.dma_semaphore, #tpu.memory_space<semaphore_mem>>) src(%dma_wait3A_326 : memref<128x48xf32, #tpu.memory_space<vmem>>) dst(%dma_wait3A_332 : memref<10240x48xf32, #tpu.memory_space<vmem_shared>>)
      %mul3A_333 = arith.constant 2 : i32
      %mul3A_334 = arith.muli %mul3A_333, %add3A_203 : i32
      %add3A_335 = arith.constant 1 : i32
      %add3A_336 = arith.addi %mul3A_334, %add3A_335 : i32
      %dma_wait3A_337 = arith.constant 128 : i32
      %dma_wait3A_338 = arith.constant 0 : i32
      %dma_wait3A_339 = tpu.memref_slice %arg10[%dma_wait3A_337, %dma_wait3A_338] : memref<256x48xf32, #tpu.memory_space<vmem>> -> memref<128x48xf32, #tpu.memory_space<vmem>>
      %dma_wait3A_340 = arith.constant 0 : i32
      %dma_wait3A_341 = tpu.memref_slice %arg9[%add3A_336, %dma_wait3A_340] : memref<78x128xi32, #tpu.memory_space<vmem>> -> memref<1x128xi32, #tpu.memory_space<vmem>>
      %dma_wait3A_342 = tpu.memref_squeeze %dma_wait3A_341 : memref<1x128xi32, #tpu.memory_space<vmem>> -> memref<128xi32, #tpu.memory_space<vmem>>
      %dma_wait3A_343 = arith.constant 0 : i32
      %dma_wait3A_344 = arith.constant 0 : i32
      %dma_wait3A_345 = tpu.memref_slice %arg12[%dma_wait3A_343, %dma_wait3A_344] : memref<10240x48xf32, #tpu.memory_space<vmem_shared>> -> memref<10240x48xf32, #tpu.memory_space<vmem_shared>>
      tpu.wait_indirect_dma semaphore(%arg15 : memref<!tpu.dma_semaphore, #tpu.memory_space<semaphore_mem>>) src(%dma_wait3A_339 : memref<128x48xf32, #tpu.memory_space<vmem>>) dst(%dma_wait3A_345 : memref<10240x48xf32, #tpu.memory_space<vmem_shared>>)
      %mul3A_346 = arith.constant 2 : i32
      %mul3A_347 = arith.muli %mul3A_346, %rem3A_211 : i32
      %add3A_348 = arith.constant 0 : i32
      %add3A_349 = arith.addi %mul3A_347, %add3A_348 : i32
      %dma_start3A_350 = arith.constant 0 : i32
      %dma_start3A_351 = arith.constant 0 : i32
      %dma_start3A_352 = tpu.memref_slice %arg10[%dma_start3A_350, %dma_start3A_351] : memref<256x48xf32, #tpu.memory_space<vmem>> -> memref<128x48xf32, #tpu.memory_space<vmem>>
      %dma_start3A_353 = arith.constant 0 : i32
      %dma_start3A_354 = tpu.memref_slice %arg8[%add3A_349, %dma_start3A_353] : memref<78x128xi32, #tpu.memory_space<vmem>> -> memref<1x128xi32, #tpu.memory_space<vmem>>
      %dma_start3A_355 = tpu.memref_squeeze %dma_start3A_354 : memref<1x128xi32, #tpu.memory_space<vmem>> -> memref<128xi32, #tpu.memory_space<vmem>>
      %dma_start3A_356 = arith.constant 0 : i32
      %dma_start3A_357 = arith.constant 0 : i32
      %dma_start3A_358 = tpu.memref_slice %arg2[%dma_start3A_356, %dma_start3A_357] : memref<10000x48xf32, #tpu.memory_space<hbm>> -> memref<10000x48xf32, #tpu.memory_space<hbm>>
      tpu.enqueue_indirect_dma source(%dma_start3A_358 : memref<10000x48xf32, #tpu.memory_space<hbm>>) target(%dma_start3A_352 : memref<128x48xf32, #tpu.memory_space<vmem>>) offsets(%dma_start3A_355 : memref<128xi32, #tpu.memory_space<vmem>>) semaphore(%arg13 : memref<!tpu.dma_semaphore, #tpu.memory_space<semaphore_mem>>)
      %mul3A_359 = arith.constant 2 : i32
      %mul3A_360 = arith.muli %mul3A_359, %rem3A_211 : i32
      %add3A_361 = arith.constant 1 : i32
      %add3A_362 = arith.addi %mul3A_360, %add3A_361 : i32
      %dma_start3A_363 = arith.constant 128 : i32
      %dma_start3A_364 = arith.constant 0 : i32
      %dma_start3A_365 = tpu.memref_slice %arg10[%dma_start3A_363, %dma_start3A_364] : memref<256x48xf32, #tpu.memory_space<vmem>> -> memref<128x48xf32, #tpu.memory_space<vmem>>
      %dma_start3A_366 = arith.constant 0 : i32
      %dma_start3A_367 = tpu.memref_slice %arg8[%add3A_362, %dma_start3A_366] : memref<78x128xi32, #tpu.memory_space<vmem>> -> memref<1x128xi32, #tpu.memory_space<vmem>>
      %dma_start3A_368 = tpu.memref_squeeze %dma_start3A_367 : memref<1x128xi32, #tpu.memory_space<vmem>> -> memref<128xi32, #tpu.memory_space<vmem>>
      %dma_start3A_369 = arith.constant 0 : i32
      %dma_start3A_370 = arith.constant 0 : i32
      %dma_start3A_371 = tpu.memref_slice %arg2[%dma_start3A_369, %dma_start3A_370] : memref<10000x48xf32, #tpu.memory_space<hbm>> -> memref<10000x48xf32, #tpu.memory_space<hbm>>
      tpu.enqueue_indirect_dma source(%dma_start3A_371 : memref<10000x48xf32, #tpu.memory_space<hbm>>) target(%dma_start3A_365 : memref<128x48xf32, #tpu.memory_space<vmem>>) offsets(%dma_start3A_368 : memref<128xi32, #tpu.memory_space<vmem>>) semaphore(%arg13 : memref<!tpu.dma_semaphore, #tpu.memory_space<semaphore_mem>>)
      %mul3A_372 = arith.constant 2 : i32
      %mul3A_373 = arith.muli %mul3A_372, %rem3A_207 : i32
      %add3A_374 = arith.constant 0 : i32
      %add3A_375 = arith.addi %mul3A_373, %add3A_374 : i32
      %dma_wait3A_376 = arith.constant 0 : i32
      %dma_wait3A_377 = arith.constant 0 : i32
      %dma_wait3A_378 = tpu.memref_slice %arg11[%dma_wait3A_376, %dma_wait3A_377] : memref<256x48xf32, #tpu.memory_space<vmem>> -> memref<128x48xf32, #tpu.memory_space<vmem>>
      %dma_wait3A_379 = arith.constant 0 : i32
      %dma_wait3A_380 = tpu.memref_slice %arg9[%add3A_375, %dma_wait3A_379] : memref<78x128xi32, #tpu.memory_space<vmem>> -> memref<1x128xi32, #tpu.memory_space<vmem>>
      %dma_wait3A_381 = tpu.memref_squeeze %dma_wait3A_380 : memref<1x128xi32, #tpu.memory_space<vmem>> -> memref<128xi32, #tpu.memory_space<vmem>>
      %dma_wait3A_382 = arith.constant 0 : i32
      %dma_wait3A_383 = arith.constant 0 : i32
      %dma_wait3A_384 = tpu.memref_slice %arg12[%dma_wait3A_382, %dma_wait3A_383] : memref<10240x48xf32, #tpu.memory_space<vmem_shared>> -> memref<10240x48xf32, #tpu.memory_space<vmem_shared>>
      tpu.wait_indirect_dma semaphore(%arg16 : memref<!tpu.dma_semaphore, #tpu.memory_space<semaphore_mem>>) src(%dma_wait3A_378 : memref<128x48xf32, #tpu.memory_space<vmem>>) dst(%dma_wait3A_384 : memref<10240x48xf32, #tpu.memory_space<vmem_shared>>)
      %mul3A_385 = arith.constant 2 : i32
      %mul3A_386 = arith.muli %mul3A_385, %rem3A_207 : i32
      %add3A_387 = arith.constant 1 : i32
      %add3A_388 = arith.addi %mul3A_386, %add3A_387 : i32
      %dma_wait3A_389 = arith.constant 128 : i32
      %dma_wait3A_390 = arith.constant 0 : i32
      %dma_wait3A_391 = tpu.memref_slice %arg11[%dma_wait3A_389, %dma_wait3A_390] : memref<256x48xf32, #tpu.memory_space<vmem>> -> memref<128x48xf32, #tpu.memory_space<vmem>>
      %dma_wait3A_392 = arith.constant 0 : i32
      %dma_wait3A_393 = tpu.memref_slice %arg9[%add3A_388, %dma_wait3A_392] : memref<78x128xi32, #tpu.memory_space<vmem>> -> memref<1x128xi32, #tpu.memory_space<vmem>>
      %dma_wait3A_394 = tpu.memref_squeeze %dma_wait3A_393 : memref<1x128xi32, #tpu.memory_space<vmem>> -> memref<128xi32, #tpu.memory_space<vmem>>
      %dma_wait3A_395 = arith.constant 0 : i32
      %dma_wait3A_396 = arith.constant 0 : i32
      %dma_wait3A_397 = tpu.memref_slice %arg12[%dma_wait3A_395, %dma_wait3A_396] : memref<10240x48xf32, #tpu.memory_space<vmem_shared>> -> memref<10240x48xf32, #tpu.memory_space<vmem_shared>>
      tpu.wait_indirect_dma semaphore(%arg16 : memref<!tpu.dma_semaphore, #tpu.memory_space<semaphore_mem>>) src(%dma_wait3A_391 : memref<128x48xf32, #tpu.memory_space<vmem>>) dst(%dma_wait3A_397 : memref<10240x48xf32, #tpu.memory_space<vmem_shared>>)
      %mul3A_398 = arith.constant 2 : i32
      %mul3A_399 = arith.muli %mul3A_398, %rem3A_215 : i32
      %add3A_400 = arith.constant 0 : i32
      %add3A_401 = arith.addi %mul3A_399, %add3A_400 : i32
      %dma_start3A_402 = arith.constant 0 : i32
      %dma_start3A_403 = arith.constant 0 : i32
      %dma_start3A_404 = tpu.memref_slice %arg11[%dma_start3A_402, %dma_start3A_403] : memref<256x48xf32, #tpu.memory_space<vmem>> -> memref<128x48xf32, #tpu.memory_space<vmem>>
      %dma_start3A_405 = arith.constant 0 : i32
      %dma_start3A_406 = tpu.memref_slice %arg8[%add3A_401, %dma_start3A_405] : memref<78x128xi32, #tpu.memory_space<vmem>> -> memref<1x128xi32, #tpu.memory_space<vmem>>
      %dma_start3A_407 = tpu.memref_squeeze %dma_start3A_406 : memref<1x128xi32, #tpu.memory_space<vmem>> -> memref<128xi32, #tpu.memory_space<vmem>>
      %dma_start3A_408 = arith.constant 0 : i32
      %dma_start3A_409 = arith.constant 0 : i32
      %dma_start3A_410 = tpu.memref_slice %arg2[%dma_start3A_408, %dma_start3A_409] : memref<10000x48xf32, #tpu.memory_space<hbm>> -> memref<10000x48xf32, #tpu.memory_space<hbm>>
      tpu.enqueue_indirect_dma source(%dma_start3A_410 : memref<10000x48xf32, #tpu.memory_space<hbm>>) target(%dma_start3A_404 : memref<128x48xf32, #tpu.memory_space<vmem>>) offsets(%dma_start3A_407 : memref<128xi32, #tpu.memory_space<vmem>>) semaphore(%arg14 : memref<!tpu.dma_semaphore, #tpu.memory_space<semaphore_mem>>)
      %mul3A_411 = arith.constant 2 : i32
      %mul3A_412 = arith.muli %mul3A_411, %rem3A_215 : i32
      %add3A_413 = arith.constant 1 : i32
      %add3A_414 = arith.addi %mul3A_412, %add3A_413 : i32
      %dma_start3A_415 = arith.constant 128 : i32
      %dma_start3A_416 = arith.constant 0 : i32
      %dma_start3A_417 = tpu.memref_slice %arg11[%dma_start3A_415, %dma_start3A_416] : memref<256x48xf32, #tpu.memory_space<vmem>> -> memref<128x48xf32, #tpu.memory_space<vmem>>
      %dma_start3A_418 = arith.constant 0 : i32
      %dma_start3A_419 = tpu.memref_slice %arg8[%add3A_414, %dma_start3A_418] : memref<78x128xi32, #tpu.memory_space<vmem>> -> memref<1x128xi32, #tpu.memory_space<vmem>>
      %dma_start3A_420 = tpu.memref_squeeze %dma_start3A_419 : memref<1x128xi32, #tpu.memory_space<vmem>> -> memref<128xi32, #tpu.memory_space<vmem>>
      %dma_start3A_421 = arith.constant 0 : i32
      %dma_start3A_422 = arith.constant 0 : i32
      %dma_start3A_423 = tpu.memref_slice %arg2[%dma_start3A_421, %dma_start3A_422] : memref<10000x48xf32, #tpu.memory_space<hbm>> -> memref<10000x48xf32, #tpu.memory_space<hbm>>
      tpu.enqueue_indirect_dma source(%dma_start3A_423 : memref<10000x48xf32, #tpu.memory_space<hbm>>) target(%dma_start3A_417 : memref<128x48xf32, #tpu.memory_space<vmem>>) offsets(%dma_start3A_420 : memref<128xi32, #tpu.memory_space<vmem>>) semaphore(%arg14 : memref<!tpu.dma_semaphore, #tpu.memory_space<semaphore_mem>>)
    }
    %scan3A_74 = arith.constant 19 : i32
    %dma_wait3A = arith.constant 0 : i32
    %dma_wait3A_75 = arith.constant 0 : i32
    %dma_wait3A_76 = arith.constant 0 : i32
    %dma_wait3A_77 = tpu.memref_slice %arg10[%dma_wait3A_75, %dma_wait3A_76] : memref<256x48xf32, #tpu.memory_space<vmem>> -> memref<128x48xf32, #tpu.memory_space<vmem>>
    %dma_wait3A_78 = arith.constant 0 : i32
    %dma_wait3A_79 = tpu.memref_slice %arg8[%dma_wait3A, %dma_wait3A_78] : memref<78x128xi32, #tpu.memory_space<vmem>> -> memref<1x128xi32, #tpu.memory_space<vmem>>
    %dma_wait3A_80 = tpu.memref_squeeze %dma_wait3A_79 : memref<1x128xi32, #tpu.memory_space<vmem>> -> memref<128xi32, #tpu.memory_space<vmem>>
    %dma_wait3A_81 = arith.constant 0 : i32
    %dma_wait3A_82 = arith.constant 0 : i32
    %dma_wait3A_83 = tpu.memref_slice %arg2[%dma_wait3A_81, %dma_wait3A_82] : memref<10000x48xf32, #tpu.memory_space<hbm>> -> memref<10000x48xf32, #tpu.memory_space<hbm>>
    tpu.wait_indirect_dma semaphore(%arg13 : memref<!tpu.dma_semaphore, #tpu.memory_space<semaphore_mem>>) src(%dma_wait3A_83 : memref<10000x48xf32, #tpu.memory_space<hbm>>) dst(%dma_wait3A_77 : memref<128x48xf32, #tpu.memory_space<vmem>>)
    %dma_wait3A_84 = arith.constant 1 : i32
    %dma_wait3A_85 = arith.constant 128 : i32
    %dma_wait3A_86 = arith.constant 0 : i32
    %dma_wait3A_87 = tpu.memref_slice %arg10[%dma_wait3A_85, %dma_wait3A_86] : memref<256x48xf32, #tpu.memory_space<vmem>> -> memref<128x48xf32, #tpu.memory_space<vmem>>
    %dma_wait3A_88 = arith.constant 0 : i32
    %dma_wait3A_89 = tpu.memref_slice %arg8[%dma_wait3A_84, %dma_wait3A_88] : memref<78x128xi32, #tpu.memory_space<vmem>> -> memref<1x128xi32, #tpu.memory_space<vmem>>
    %dma_wait3A_90 = tpu.memref_squeeze %dma_wait3A_89 : memref<1x128xi32, #tpu.memory_space<vmem>> -> memref<128xi32, #tpu.memory_space<vmem>>
    %dma_wait3A_91 = arith.constant 0 : i32
    %dma_wait3A_92 = arith.constant 0 : i32
    %dma_wait3A_93 = tpu.memref_slice %arg2[%dma_wait3A_91, %dma_wait3A_92] : memref<10000x48xf32, #tpu.memory_space<hbm>> -> memref<10000x48xf32, #tpu.memory_space<hbm>>
    tpu.wait_indirect_dma semaphore(%arg13 : memref<!tpu.dma_semaphore, #tpu.memory_space<semaphore_mem>>) src(%dma_wait3A_93 : memref<10000x48xf32, #tpu.memory_space<hbm>>) dst(%dma_wait3A_87 : memref<128x48xf32, #tpu.memory_space<vmem>>)
    %dma_wait3A_94 = arith.constant 2 : i32
    %dma_wait3A_95 = arith.constant 0 : i32
    %dma_wait3A_96 = arith.constant 0 : i32
    %dma_wait3A_97 = tpu.memref_slice %arg11[%dma_wait3A_95, %dma_wait3A_96] : memref<256x48xf32, #tpu.memory_space<vmem>> -> memref<128x48xf32, #tpu.memory_space<vmem>>
    %dma_wait3A_98 = arith.constant 0 : i32
    %dma_wait3A_99 = tpu.memref_slice %arg8[%dma_wait3A_94, %dma_wait3A_98] : memref<78x128xi32, #tpu.memory_space<vmem>> -> memref<1x128xi32, #tpu.memory_space<vmem>>
    %dma_wait3A_100 = tpu.memref_squeeze %dma_wait3A_99 : memref<1x128xi32, #tpu.memory_space<vmem>> -> memref<128xi32, #tpu.memory_space<vmem>>
    %dma_wait3A_101 = arith.constant 0 : i32
    %dma_wait3A_102 = arith.constant 0 : i32
    %dma_wait3A_103 = tpu.memref_slice %arg2[%dma_wait3A_101, %dma_wait3A_102] : memref<10000x48xf32, #tpu.memory_space<hbm>> -> memref<10000x48xf32, #tpu.memory_space<hbm>>
    tpu.wait_indirect_dma semaphore(%arg14 : memref<!tpu.dma_semaphore, #tpu.memory_space<semaphore_mem>>) src(%dma_wait3A_103 : memref<10000x48xf32, #tpu.memory_space<hbm>>) dst(%dma_wait3A_97 : memref<128x48xf32, #tpu.memory_space<vmem>>)
    %dma_wait3A_104 = arith.constant 3 : i32
    %dma_wait3A_105 = arith.constant 128 : i32
    %dma_wait3A_106 = arith.constant 0 : i32
    %dma_wait3A_107 = tpu.memref_slice %arg11[%dma_wait3A_105, %dma_wait3A_106] : memref<256x48xf32, #tpu.memory_space<vmem>> -> memref<128x48xf32, #tpu.memory_space<vmem>>
    %dma_wait3A_108 = arith.constant 0 : i32
    %dma_wait3A_109 = tpu.memref_slice %arg8[%dma_wait3A_104, %dma_wait3A_108] : memref<78x128xi32, #tpu.memory_space<vmem>> -> memref<1x128xi32, #tpu.memory_space<vmem>>
    %dma_wait3A_110 = tpu.memref_squeeze %dma_wait3A_109 : memref<1x128xi32, #tpu.memory_space<vmem>> -> memref<128xi32, #tpu.memory_space<vmem>>
    %dma_wait3A_111 = arith.constant 0 : i32
    %dma_wait3A_112 = arith.constant 0 : i32
    %dma_wait3A_113 = tpu.memref_slice %arg2[%dma_wait3A_111, %dma_wait3A_112] : memref<10000x48xf32, #tpu.memory_space<hbm>> -> memref<10000x48xf32, #tpu.memory_space<hbm>>
    tpu.wait_indirect_dma semaphore(%arg14 : memref<!tpu.dma_semaphore, #tpu.memory_space<semaphore_mem>>) src(%dma_wait3A_113 : memref<10000x48xf32, #tpu.memory_space<hbm>>) dst(%dma_wait3A_107 : memref<128x48xf32, #tpu.memory_space<vmem>>)
    %dma_start3A_114 = arith.constant 76 : i32
    %dma_start3A_115 = arith.constant 0 : i32
    %dma_start3A_116 = arith.constant 0 : i32
    %dma_start3A_117 = tpu.memref_slice %arg10[%dma_start3A_115, %dma_start3A_116] : memref<256x48xf32, #tpu.memory_space<vmem>> -> memref<128x48xf32, #tpu.memory_space<vmem>>
    %dma_start3A_118 = arith.constant 0 : i32
    %dma_start3A_119 = tpu.memref_slice %arg8[%dma_start3A_114, %dma_start3A_118] : memref<78x128xi32, #tpu.memory_space<vmem>> -> memref<1x128xi32, #tpu.memory_space<vmem>>
    %dma_start3A_120 = tpu.memref_squeeze %dma_start3A_119 : memref<1x128xi32, #tpu.memory_space<vmem>> -> memref<128xi32, #tpu.memory_space<vmem>>
    %dma_start3A_121 = arith.constant 0 : i32
    %dma_start3A_122 = arith.constant 0 : i32
    %dma_start3A_123 = tpu.memref_slice %arg2[%dma_start3A_121, %dma_start3A_122] : memref<10000x48xf32, #tpu.memory_space<hbm>> -> memref<10000x48xf32, #tpu.memory_space<hbm>>
    tpu.enqueue_indirect_dma source(%dma_start3A_123 : memref<10000x48xf32, #tpu.memory_space<hbm>>) target(%dma_start3A_117 : memref<128x48xf32, #tpu.memory_space<vmem>>) offsets(%dma_start3A_120 : memref<128xi32, #tpu.memory_space<vmem>>) semaphore(%arg13 : memref<!tpu.dma_semaphore, #tpu.memory_space<semaphore_mem>>)
    %dma_start3A_124 = arith.constant 77 : i32
    %dma_start3A_125 = arith.constant 128 : i32
    %dma_start3A_126 = arith.constant 0 : i32
    %dma_start3A_127 = tpu.memref_slice %arg10[%dma_start3A_125, %dma_start3A_126] : memref<256x48xf32, #tpu.memory_space<vmem>> -> memref<128x48xf32, #tpu.memory_space<vmem>>
    %dma_start3A_128 = arith.constant 0 : i32
    %dma_start3A_129 = tpu.memref_slice %arg8[%dma_start3A_124, %dma_start3A_128] : memref<78x128xi32, #tpu.memory_space<vmem>> -> memref<1x128xi32, #tpu.memory_space<vmem>>
    %dma_start3A_130 = tpu.memref_squeeze %dma_start3A_129 : memref<1x128xi32, #tpu.memory_space<vmem>> -> memref<128xi32, #tpu.memory_space<vmem>>
    %dma_start3A_131 = arith.constant 0 : i32
    %dma_start3A_132 = arith.constant 0 : i32
    %dma_start3A_133 = tpu.memref_slice %arg2[%dma_start3A_131, %dma_start3A_132] : memref<10000x48xf32, #tpu.memory_space<hbm>> -> memref<10000x48xf32, #tpu.memory_space<hbm>>
    tpu.enqueue_indirect_dma source(%dma_start3A_133 : memref<10000x48xf32, #tpu.memory_space<hbm>>) target(%dma_start3A_127 : memref<128x48xf32, #tpu.memory_space<vmem>>) offsets(%dma_start3A_130 : memref<128xi32, #tpu.memory_space<vmem>>) semaphore(%arg13 : memref<!tpu.dma_semaphore, #tpu.memory_space<semaphore_mem>>)
    %dma_wait3A_134 = arith.constant 76 : i32
    %dma_wait3A_135 = arith.constant 0 : i32
    %dma_wait3A_136 = arith.constant 0 : i32
    %dma_wait3A_137 = tpu.memref_slice %arg10[%dma_wait3A_135, %dma_wait3A_136] : memref<256x48xf32, #tpu.memory_space<vmem>> -> memref<128x48xf32, #tpu.memory_space<vmem>>
    %dma_wait3A_138 = arith.constant 0 : i32
    %dma_wait3A_139 = tpu.memref_slice %arg8[%dma_wait3A_134, %dma_wait3A_138] : memref<78x128xi32, #tpu.memory_space<vmem>> -> memref<1x128xi32, #tpu.memory_space<vmem>>
    %dma_wait3A_140 = tpu.memref_squeeze %dma_wait3A_139 : memref<1x128xi32, #tpu.memory_space<vmem>> -> memref<128xi32, #tpu.memory_space<vmem>>
    %dma_wait3A_141 = arith.constant 0 : i32
    %dma_wait3A_142 = arith.constant 0 : i32
    %dma_wait3A_143 = tpu.memref_slice %arg2[%dma_wait3A_141, %dma_wait3A_142] : memref<10000x48xf32, #tpu.memory_space<hbm>> -> memref<10000x48xf32, #tpu.memory_space<hbm>>
    tpu.wait_indirect_dma semaphore(%arg13 : memref<!tpu.dma_semaphore, #tpu.memory_space<semaphore_mem>>) src(%dma_wait3A_143 : memref<10000x48xf32, #tpu.memory_space<hbm>>) dst(%dma_wait3A_137 : memref<128x48xf32, #tpu.memory_space<vmem>>)
    %dma_wait3A_144 = arith.constant 77 : i32
    %dma_wait3A_145 = arith.constant 128 : i32
    %dma_wait3A_146 = arith.constant 0 : i32
    %dma_wait3A_147 = tpu.memref_slice %arg10[%dma_wait3A_145, %dma_wait3A_146] : memref<256x48xf32, #tpu.memory_space<vmem>> -> memref<128x48xf32, #tpu.memory_space<vmem>>
    %dma_wait3A_148 = arith.constant 0 : i32
    %dma_wait3A_149 = tpu.memref_slice %arg8[%dma_wait3A_144, %dma_wait3A_148] : memref<78x128xi32, #tpu.memory_space<vmem>> -> memref<1x128xi32, #tpu.memory_space<vmem>>
    %dma_wait3A_150 = tpu.memref_squeeze %dma_wait3A_149 : memref<1x128xi32, #tpu.memory_space<vmem>> -> memref<128xi32, #tpu.memory_space<vmem>>
    %dma_wait3A_151 = arith.constant 0 : i32
    %dma_wait3A_152 = arith.constant 0 : i32
    %dma_wait3A_153 = tpu.memref_slice %arg2[%dma_wait3A_151, %dma_wait3A_152] : memref<10000x48xf32, #tpu.memory_space<hbm>> -> memref<10000x48xf32, #tpu.memory_space<hbm>>
    tpu.wait_indirect_dma semaphore(%arg13 : memref<!tpu.dma_semaphore, #tpu.memory_space<semaphore_mem>>) src(%dma_wait3A_153 : memref<10000x48xf32, #tpu.memory_space<hbm>>) dst(%dma_wait3A_147 : memref<128x48xf32, #tpu.memory_space<vmem>>)
    %dma_start3A_154 = arith.constant 76 : i32
    %dma_start3A_155 = arith.constant 0 : i32
    %dma_start3A_156 = arith.constant 0 : i32
    %dma_start3A_157 = tpu.memref_slice %arg10[%dma_start3A_155, %dma_start3A_156] : memref<256x48xf32, #tpu.memory_space<vmem>> -> memref<128x48xf32, #tpu.memory_space<vmem>>
    %dma_start3A_158 = arith.constant 0 : i32
    %dma_start3A_159 = tpu.memref_slice %arg9[%dma_start3A_154, %dma_start3A_158] : memref<78x128xi32, #tpu.memory_space<vmem>> -> memref<1x128xi32, #tpu.memory_space<vmem>>
    %dma_start3A_160 = tpu.memref_squeeze %dma_start3A_159 : memref<1x128xi32, #tpu.memory_space<vmem>> -> memref<128xi32, #tpu.memory_space<vmem>>
    %dma_start3A_161 = arith.constant 0 : i32
    %dma_start3A_162 = arith.constant 0 : i32
    %dma_start3A_163 = tpu.memref_slice %arg12[%dma_start3A_161, %dma_start3A_162] : memref<10240x48xf32, #tpu.memory_space<vmem_shared>> -> memref<10240x48xf32, #tpu.memory_space<vmem_shared>>
    tpu.enqueue_indirect_dma source(%dma_start3A_157 : memref<128x48xf32, #tpu.memory_space<vmem>>) target(%dma_start3A_163 : memref<10240x48xf32, #tpu.memory_space<vmem_shared>>) offsets(%dma_start3A_160 : memref<128xi32, #tpu.memory_space<vmem>>) semaphore(%arg15 : memref<!tpu.dma_semaphore, #tpu.memory_space<semaphore_mem>>) {add = true}
    %dma_start3A_164 = arith.constant 77 : i32
    %dma_start3A_165 = arith.constant 128 : i32
    %dma_start3A_166 = arith.constant 0 : i32
    %dma_start3A_167 = tpu.memref_slice %arg10[%dma_start3A_165, %dma_start3A_166] : memref<256x48xf32, #tpu.memory_space<vmem>> -> memref<128x48xf32, #tpu.memory_space<vmem>>
    %dma_start3A_168 = arith.constant 0 : i32
    %dma_start3A_169 = tpu.memref_slice %arg9[%dma_start3A_164, %dma_start3A_168] : memref<78x128xi32, #tpu.memory_space<vmem>> -> memref<1x128xi32, #tpu.memory_space<vmem>>
    %dma_start3A_170 = tpu.memref_squeeze %dma_start3A_169 : memref<1x128xi32, #tpu.memory_space<vmem>> -> memref<128xi32, #tpu.memory_space<vmem>>
    %dma_start3A_171 = arith.constant 0 : i32
    %dma_start3A_172 = arith.constant 0 : i32
    %dma_start3A_173 = tpu.memref_slice %arg12[%dma_start3A_171, %dma_start3A_172] : memref<10240x48xf32, #tpu.memory_space<vmem_shared>> -> memref<10240x48xf32, #tpu.memory_space<vmem_shared>>
    tpu.enqueue_indirect_dma source(%dma_start3A_167 : memref<128x48xf32, #tpu.memory_space<vmem>>) target(%dma_start3A_173 : memref<10240x48xf32, #tpu.memory_space<vmem_shared>>) offsets(%dma_start3A_170 : memref<128xi32, #tpu.memory_space<vmem>>) semaphore(%arg15 : memref<!tpu.dma_semaphore, #tpu.memory_space<semaphore_mem>>) {add = true}
    %dma_wait3A_174 = arith.constant 76 : i32
    %dma_wait3A_175 = arith.constant 0 : i32
    %dma_wait3A_176 = arith.constant 0 : i32
    %dma_wait3A_177 = tpu.memref_slice %arg10[%dma_wait3A_175, %dma_wait3A_176] : memref<256x48xf32, #tpu.memory_space<vmem>> -> memref<128x48xf32, #tpu.memory_space<vmem>>
    %dma_wait3A_178 = arith.constant 0 : i32
    %dma_wait3A_179 = tpu.memref_slice %arg9[%dma_wait3A_174, %dma_wait3A_178] : memref<78x128xi32, #tpu.memory_space<vmem>> -> memref<1x128xi32, #tpu.memory_space<vmem>>
    %dma_wait3A_180 = tpu.memref_squeeze %dma_wait3A_179 : memref<1x128xi32, #tpu.memory_space<vmem>> -> memref<128xi32, #tpu.memory_space<vmem>>
    %dma_wait3A_181 = arith.constant 0 : i32
    %dma_wait3A_182 = arith.constant 0 : i32
    %dma_wait3A_183 = tpu.memref_slice %arg12[%dma_wait3A_181, %dma_wait3A_182] : memref<10240x48xf32, #tpu.memory_space<vmem_shared>> -> memref<10240x48xf32, #tpu.memory_space<vmem_shared>>
    tpu.wait_indirect_dma semaphore(%arg15 : memref<!tpu.dma_semaphore, #tpu.memory_space<semaphore_mem>>) src(%dma_wait3A_177 : memref<128x48xf32, #tpu.memory_space<vmem>>) dst(%dma_wait3A_183 : memref<10240x48xf32, #tpu.memory_space<vmem_shared>>)
    %dma_wait3A_184 = arith.constant 77 : i32
    %dma_wait3A_185 = arith.constant 128 : i32
    %dma_wait3A_186 = arith.constant 0 : i32
    %dma_wait3A_187 = tpu.memref_slice %arg10[%dma_wait3A_185, %dma_wait3A_186] : memref<256x48xf32, #tpu.memory_space<vmem>> -> memref<128x48xf32, #tpu.memory_space<vmem>>
    %dma_wait3A_188 = arith.constant 0 : i32
    %dma_wait3A_189 = tpu.memref_slice %arg9[%dma_wait3A_184, %dma_wait3A_188] : memref<78x128xi32, #tpu.memory_space<vmem>> -> memref<1x128xi32, #tpu.memory_space<vmem>>
    %dma_wait3A_190 = tpu.memref_squeeze %dma_wait3A_189 : memref<1x128xi32, #tpu.memory_space<vmem>> -> memref<128xi32, #tpu.memory_space<vmem>>
    %dma_wait3A_191 = arith.constant 0 : i32
    %dma_wait3A_192 = arith.constant 0 : i32
    %dma_wait3A_193 = tpu.memref_slice %arg12[%dma_wait3A_191, %dma_wait3A_192] : memref<10240x48xf32, #tpu.memory_space<vmem_shared>> -> memref<10240x48xf32, #tpu.memory_space<vmem_shared>>
    tpu.wait_indirect_dma semaphore(%arg15 : memref<!tpu.dma_semaphore, #tpu.memory_space<semaphore_mem>>) src(%dma_wait3A_187 : memref<128x48xf32, #tpu.memory_space<vmem>>) dst(%dma_wait3A_193 : memref<10240x48xf32, #tpu.memory_space<vmem_shared>>)
    %rem3A_194 = arith.constant 8 : i32
    %rem3A_195 = arith.remsi %add3A, %rem3A_194 : i32
    %eq3A = arith.constant 0 : i32
    %eq3A_196 = arith.cmpi eq, %rem3A_195, %eq3A : i32
    %convert_element_type3A = arith.extui %eq3A_196 : i1 to i32
    %cond3A = arith.constant 0 : i32
    %cond3A_197 = arith.cmpi ne, %convert_element_type3A, %cond3A : i32
    scf.if %cond3A_197 {
      %add3A_199 = arith.constant 78 : i32
      %add3A_200 = arith.addi %add3A_24, %add3A_199 : i32
      %run_scoped3A_201 = arith.constant 0 : i32
      %run_scoped3A_202 = arith.constant 0 : i32
      "tpu.region"() ({
        %run_scoped3A_226 = tpu.sem_alloc : memref<!tpu.dma_semaphore, #tpu.memory_space<semaphore_mem>>
        %dma_start3A_227 = arith.constant 0 : i32
        %dma_start3A_228 = tpu.memref_slice %arg8[%run_scoped3A_202, %dma_start3A_227] : memref<78x128xi32, #tpu.memory_space<vmem>> -> memref<1x128xi32, #tpu.memory_space<vmem>>
        %dma_start3A_229 = tpu.memref_squeeze %dma_start3A_228 : memref<1x128xi32, #tpu.memory_space<vmem>> -> memref<128xi32, #tpu.memory_space<vmem>>
        %dma_start3A_230 = arith.constant 0 : i32
        %dma_start3A_231 = tpu.memref_slice %arg6[%run_scoped3A_201, %add3A_200, %dma_start3A_230] : memref<2x2500x128xi32, #tpu.memory_space<hbm>> -> memref<1x1x128xi32, #tpu.memory_space<hbm>>
        %dma_start3A_232 = tpu.memref_squeeze %dma_start3A_231 : memref<1x1x128xi32, #tpu.memory_space<hbm>> -> memref<128xi32, #tpu.memory_space<hbm>>
        %dma_start3A_233 = arith.constant 0 : i32
        %dma_start3A_234 = tpu.memref_slice %arg8[%run_scoped3A_202, %dma_start3A_233] : memref<78x128xi32, #tpu.memory_space<vmem>> -> memref<1x128xi32, #tpu.memory_space<vmem>>
        %dma_start3A_235 = tpu.memref_squeeze %dma_start3A_234 : memref<1x128xi32, #tpu.memory_space<vmem>> -> memref<128xi32, #tpu.memory_space<vmem>>
        %dma_start3A_236 = arith.constant 0 : i32
        %dma_start3A_237 = tpu.memref_slice %arg6[%run_scoped3A_201, %add3A_200, %dma_start3A_236] : memref<2x2500x128xi32, #tpu.memory_space<hbm>> -> memref<1x1x128xi32, #tpu.memory_space<hbm>>
        %dma_start3A_238 = tpu.memref_squeeze %dma_start3A_237 : memref<1x1x128xi32, #tpu.memory_space<hbm>> -> memref<128xi32, #tpu.memory_space<hbm>>
        tpu.enqueue_dma source(%dma_start3A_238 : memref<128xi32, #tpu.memory_space<hbm>>) target(%dma_start3A_235 : memref<128xi32, #tpu.memory_space<vmem>>) target_semaphore(%run_scoped3A_226 : memref<!tpu.dma_semaphore, #tpu.memory_space<semaphore_mem>>)
        %dma_wait3A_239 = arith.constant 0 : i32
        %dma_wait3A_240 = tpu.memref_slice %arg8[%run_scoped3A_202, %dma_wait3A_239] : memref<78x128xi32, #tpu.memory_space<vmem>> -> memref<1x128xi32, #tpu.memory_space<vmem>>
        %dma_wait3A_241 = tpu.memref_squeeze %dma_wait3A_240 : memref<1x128xi32, #tpu.memory_space<vmem>> -> memref<128xi32, #tpu.memory_space<vmem>>
        %dma_wait3A_242 = arith.constant 0 : i32
        %dma_wait3A_243 = tpu.memref_slice %arg6[%run_scoped3A_201, %add3A_200, %dma_wait3A_242] : memref<2x2500x128xi32, #tpu.memory_space<hbm>> -> memref<1x1x128xi32, #tpu.memory_space<hbm>>
        %dma_wait3A_244 = tpu.memref_squeeze %dma_wait3A_243 : memref<1x1x128xi32, #tpu.memory_space<hbm>> -> memref<128xi32, #tpu.memory_space<hbm>>
        %dma_wait3A_245 = arith.constant 0 : i32
        %dma_wait3A_246 = tpu.memref_slice %arg8[%run_scoped3A_202, %dma_wait3A_245] : memref<78x128xi32, #tpu.memory_space<vmem>> -> memref<1x128xi32, #tpu.memory_space<vmem>>
        %dma_wait3A_247 = tpu.memref_squeeze %dma_wait3A_246 : memref<1x128xi32, #tpu.memory_space<vmem>> -> memref<128xi32, #tpu.memory_space<vmem>>
        %dma_wait3A_248 = arith.constant 0 : i32
        %dma_wait3A_249 = tpu.memref_slice %arg6[%run_scoped3A_201, %add3A_200, %dma_wait3A_248] : memref<2x2500x128xi32, #tpu.memory_space<hbm>> -> memref<1x1x128xi32, #tpu.memory_space<hbm>>
        %dma_wait3A_250 = tpu.memref_squeeze %dma_wait3A_249 : memref<1x1x128xi32, #tpu.memory_space<hbm>> -> memref<128xi32, #tpu.memory_space<hbm>>
        tpu.wait_dma2 semaphore(%run_scoped3A_226 : memref<!tpu.dma_semaphore, #tpu.memory_space<semaphore_mem>>) src(%dma_wait3A_250 : memref<128xi32, #tpu.memory_space<hbm>>) dst(%dma_wait3A_247 : memref<128xi32, #tpu.memory_space<vmem>>)
        tpu.yield
      }) : () -> ()
      %run_scoped3A_203 = arith.constant 1 : i32
      %run_scoped3A_204 = arith.constant 0 : i32
      "tpu.region"() ({
        %run_scoped3A_226 = tpu.sem_alloc : memref<!tpu.dma_semaphore, #tpu.memory_space<semaphore_mem>>
        %dma_start3A_227 = arith.constant 0 : i32
        %dma_start3A_228 = tpu.memref_slice %arg9[%run_scoped3A_204, %dma_start3A_227] : memref<78x128xi32, #tpu.memory_space<vmem>> -> memref<1x128xi32, #tpu.memory_space<vmem>>
        %dma_start3A_229 = tpu.memref_squeeze %dma_start3A_228 : memref<1x128xi32, #tpu.memory_space<vmem>> -> memref<128xi32, #tpu.memory_space<vmem>>
        %dma_start3A_230 = arith.constant 0 : i32
        %dma_start3A_231 = tpu.memref_slice %arg6[%run_scoped3A_203, %add3A_200, %dma_start3A_230] : memref<2x2500x128xi32, #tpu.memory_space<hbm>> -> memref<1x1x128xi32, #tpu.memory_space<hbm>>
        %dma_start3A_232 = tpu.memref_squeeze %dma_start3A_231 : memref<1x1x128xi32, #tpu.memory_space<hbm>> -> memref<128xi32, #tpu.memory_space<hbm>>
        %dma_start3A_233 = arith.constant 0 : i32
        %dma_start3A_234 = tpu.memref_slice %arg9[%run_scoped3A_204, %dma_start3A_233] : memref<78x128xi32, #tpu.memory_space<vmem>> -> memref<1x128xi32, #tpu.memory_space<vmem>>
        %dma_start3A_235 = tpu.memref_squeeze %dma_start3A_234 : memref<1x128xi32, #tpu.memory_space<vmem>> -> memref<128xi32, #tpu.memory_space<vmem>>
        %dma_start3A_236 = arith.constant 0 : i32
        %dma_start3A_237 = tpu.memref_slice %arg6[%run_scoped3A_203, %add3A_200, %dma_start3A_236] : memref<2x2500x128xi32, #tpu.memory_space<hbm>> -> memref<1x1x128xi32, #tpu.memory_space<hbm>>
        %dma_start3A_238 = tpu.memref_squeeze %dma_start3A_237 : memref<1x1x128xi32, #tpu.memory_space<hbm>> -> memref<128xi32, #tpu.memory_space<hbm>>
        tpu.enqueue_dma source(%dma_start3A_238 : memref<128xi32, #tpu.memory_space<hbm>>) target(%dma_start3A_235 : memref<128xi32, #tpu.memory_space<vmem>>) target_semaphore(%run_scoped3A_226 : memref<!tpu.dma_semaphore, #tpu.memory_space<semaphore_mem>>)
        %dma_wait3A_239 = arith.constant 0 : i32
        %dma_wait3A_240 = tpu.memref_slice %arg9[%run_scoped3A_204, %dma_wait3A_239] : memref<78x128xi32, #tpu.memory_space<vmem>> -> memref<1x128xi32, #tpu.memory_space<vmem>>
        %dma_wait3A_241 = tpu.memref_squeeze %dma_wait3A_240 : memref<1x128xi32, #tpu.memory_space<vmem>> -> memref<128xi32, #tpu.memory_space<vmem>>
        %dma_wait3A_242 = arith.constant 0 : i32
        %dma_wait3A_243 = tpu.memref_slice %arg6[%run_scoped3A_203, %add3A_200, %dma_wait3A_242] : memref<2x2500x128xi32, #tpu.memory_space<hbm>> -> memref<1x1x128xi32, #tpu.memory_space<hbm>>
        %dma_wait3A_244 = tpu.memref_squeeze %dma_wait3A_243 : memref<1x1x128xi32, #tpu.memory_space<hbm>> -> memref<128xi32, #tpu.memory_space<hbm>>
        %dma_wait3A_245 = arith.constant 0 : i32
        %dma_wait3A_246 = tpu.memref_slice %arg9[%run_scoped3A_204, %dma_wait3A_245] : memref<78x128xi32, #tpu.memory_space<vmem>> -> memref<1x128xi32, #tpu.memory_space<vmem>>
        %dma_wait3A_247 = tpu.memref_squeeze %dma_wait3A_246 : memref<1x128xi32, #tpu.memory_space<vmem>> -> memref<128xi32, #tpu.memory_space<vmem>>
        %dma_wait3A_248 = arith.constant 0 : i32
        %dma_wait3A_249 = tpu.memref_slice %arg6[%run_scoped3A_203, %add3A_200, %dma_wait3A_248] : memref<2x2500x128xi32, #tpu.memory_space<hbm>> -> memref<1x1x128xi32, #tpu.memory_space<hbm>>
        %dma_wait3A_250 = tpu.memref_squeeze %dma_wait3A_249 : memref<1x1x128xi32, #tpu.memory_space<hbm>> -> memref<128xi32, #tpu.memory_space<hbm>>
        tpu.wait_dma2 semaphore(%run_scoped3A_226 : memref<!tpu.dma_semaphore, #tpu.memory_space<semaphore_mem>>) src(%dma_wait3A_250 : memref<128xi32, #tpu.memory_space<hbm>>) dst(%dma_wait3A_247 : memref<128xi32, #tpu.memory_space<vmem>>)
        tpu.yield
      }) : () -> ()
      %dma_start3A_205 = arith.constant 0 : i32
      %dma_start3A_206 = arith.constant 0 : i32
      %dma_start3A_207 = arith.constant 0 : i32
      %dma_start3A_208 = tpu.memref_slice %arg10[%dma_start3A_206, %dma_start3A_207] : memref<256x48xf32, #tpu.memory_space<vmem>> -> memref<128x48xf32, #tpu.memory_space<vmem>>
      %dma_start3A_209 = arith.constant 0 : i32
      %dma_start3A_210 = tpu.memref_slice %arg8[%dma_start3A_205, %dma_start3A_209] : memref<78x128xi32, #tpu.memory_space<vmem>> -> memref<1x128xi32, #tpu.memory_space<vmem>>
      %dma_start3A_211 = tpu.memref_squeeze %dma_start3A_210 : memref<1x128xi32, #tpu.memory_space<vmem>> -> memref<128xi32, #tpu.memory_space<vmem>>
      %dma_start3A_212 = arith.constant 0 : i32
      %dma_start3A_213 = arith.constant 0 : i32
      %dma_start3A_214 = tpu.memref_slice %arg2[%dma_start3A_212, %dma_start3A_213] : memref<10000x48xf32, #tpu.memory_space<hbm>> -> memref<10000x48xf32, #tpu.memory_space<hbm>>
      tpu.enqueue_indirect_dma source(%dma_start3A_214 : memref<10000x48xf32, #tpu.memory_space<hbm>>) target(%dma_start3A_208 : memref<128x48xf32, #tpu.memory_space<vmem>>) offsets(%dma_start3A_211 : memref<128xi32, #tpu.memory_space<vmem>>) semaphore(%arg13 : memref<!tpu.dma_semaphore, #tpu.memory_space<semaphore_mem>>)
      %dma_wait3A_215 = arith.constant 0 : i32
      %dma_wait3A_216 = arith.constant 0 : i32
      %dma_wait3A_217 = arith.constant 0 : i32
      %dma_wait3A_218 = tpu.memref_slice %arg10[%dma_wait3A_216, %dma_wait3A_217] : memref<256x48xf32, #tpu.memory_space<vmem>> -> memref<128x48xf32, #tpu.memory_space<vmem>>
      %dma_wait3A_219 = arith.constant 0 : i32
      %dma_wait3A_220 = tpu.memref_slice %arg8[%dma_wait3A_215, %dma_wait3A_219] : memref<78x128xi32, #tpu.memory_space<vmem>> -> memref<1x128xi32, #tpu.memory_space<vmem>>
      %dma_wait3A_221 = tpu.memref_squeeze %dma_wait3A_220 : memref<1x128xi32, #tpu.memory_space<vmem>> -> memref<128xi32, #tpu.memory_space<vmem>>
      %dma_wait3A_222 = arith.constant 0 : i32
      %dma_wait3A_223 = arith.constant 0 : i32
      %dma_wait3A_224 = tpu.memref_slice %arg2[%dma_wait3A_222, %dma_wait3A_223] : memref<10000x48xf32, #tpu.memory_space<hbm>> -> memref<10000x48xf32, #tpu.memory_space<hbm>>
      tpu.wait_indirect_dma semaphore(%arg13 : memref<!tpu.dma_semaphore, #tpu.memory_space<semaphore_mem>>) src(%dma_wait3A_224 : memref<10000x48xf32, #tpu.memory_space<hbm>>) dst(%dma_wait3A_218 : memref<128x48xf32, #tpu.memory_space<vmem>>)
      %run_scoped3A_225 = arith.constant 0 : i32
      "tpu.region"() ({
        %run_scoped3A_226 = tpu.sem_alloc : memref<!tpu.dma_semaphore, #tpu.memory_space<semaphore_mem>>
        %dma_start3A_227 = arith.constant 0 : i32
        %dma_start3A_228 = arith.constant 0 : i32
        %dma_start3A_229 = tpu.memref_slice %arg10[%dma_start3A_227, %dma_start3A_228] : memref<256x48xf32, #tpu.memory_space<vmem>> -> memref<128x48xf32, #tpu.memory_space<vmem>>
        %dma_start3A_230 = arith.constant 0 : i32
        %dma_start3A_231 = tpu.memref_slice %arg9[%run_scoped3A_225, %dma_start3A_230] : memref<78x128xi32, #tpu.memory_space<vmem>> -> memref<1x128xi32, #tpu.memory_space<vmem>>
        %dma_start3A_232 = tpu.memref_squeeze %dma_start3A_231 : memref<1x128xi32, #tpu.memory_space<vmem>> -> memref<128xi32, #tpu.memory_space<vmem>>
        %dma_start3A_233 = arith.constant 0 : i32
        %dma_start3A_234 = arith.constant 0 : i32
        %dma_start3A_235 = tpu.memref_slice %arg12[%dma_start3A_233, %dma_start3A_234] : memref<10240x48xf32, #tpu.memory_space<vmem_shared>> -> memref<10240x48xf32, #tpu.memory_space<vmem_shared>>
        tpu.enqueue_indirect_dma source(%dma_start3A_229 : memref<128x48xf32, #tpu.memory_space<vmem>>) target(%dma_start3A_235 : memref<10240x48xf32, #tpu.memory_space<vmem_shared>>) offsets(%dma_start3A_232 : memref<128xi32, #tpu.memory_space<vmem>>) semaphore(%run_scoped3A_226 : memref<!tpu.dma_semaphore, #tpu.memory_space<semaphore_mem>>) {add = true}
        %dma_wait3A_236 = arith.constant 0 : i32
        %dma_wait3A_237 = arith.constant 0 : i32
        %dma_wait3A_238 = tpu.memref_slice %arg10[%dma_wait3A_236, %dma_wait3A_237] : memref<256x48xf32, #tpu.memory_space<vmem>> -> memref<128x48xf32, #tpu.memory_space<vmem>>
        %dma_wait3A_239 = arith.constant 0 : i32
        %dma_wait3A_240 = tpu.memref_slice %arg9[%run_scoped3A_225, %dma_wait3A_239] : memref<78x128xi32, #tpu.memory_space<vmem>> -> memref<1x128xi32, #tpu.memory_space<vmem>>
        %dma_wait3A_241 = tpu.memref_squeeze %dma_wait3A_240 : memref<1x128xi32, #tpu.memory_space<vmem>> -> memref<128xi32, #tpu.memory_space<vmem>>
        %dma_wait3A_242 = arith.constant 0 : i32
        %dma_wait3A_243 = arith.constant 0 : i32
        %dma_wait3A_244 = tpu.memref_slice %arg12[%dma_wait3A_242, %dma_wait3A_243] : memref<10240x48xf32, #tpu.memory_space<vmem_shared>> -> memref<10240x48xf32, #tpu.memory_space<vmem_shared>>
        tpu.wait_indirect_dma semaphore(%run_scoped3A_226 : memref<!tpu.dma_semaphore, #tpu.memory_space<semaphore_mem>>) src(%dma_wait3A_238 : memref<128x48xf32, #tpu.memory_space<vmem>>) dst(%dma_wait3A_244 : memref<10240x48xf32, #tpu.memory_space<vmem_shared>>)
        tpu.yield
      }) : () -> ()
    } else {
    }
    %barrier3A_198 = arith.constant 0 : index
    tpu.barrier barrier_id(%barrier3A_198)
    "tpu.region"() ({
      %run_scoped3A_199 = tpu.sem_alloc : memref<!tpu.dma_semaphore, #tpu.memory_space<semaphore_mem>>
      %dma_start3A_200 = arith.constant 0 : i32
      %dma_start3A_201 = tpu.memref_slice %arg7[%arg0, %mul3A_26, %dma_start3A_200] : memref<2x10240x48xf32, #tpu.memory_space<hbm>> -> memref<1x640x48xf32, #tpu.memory_space<hbm>>
      %dma_start3A_202 = tpu.memref_squeeze %dma_start3A_201 : memref<1x640x48xf32, #tpu.memory_space<hbm>> -> memref<640x48xf32, #tpu.memory_space<hbm>>
      %dma_start3A_203 = arith.constant 0 : i32
      %dma_start3A_204 = tpu.memref_slice %arg12[%mul3A_26, %dma_start3A_203] : memref<10240x48xf32, #tpu.memory_space<vmem_shared>> -> memref<640x48xf32, #tpu.memory_space<vmem_shared>>
      tpu.enqueue_dma source(%dma_start3A_204 : memref<640x48xf32, #tpu.memory_space<vmem_shared>>) target(%dma_start3A_202 : memref<640x48xf32, #tpu.memory_space<hbm>>) target_semaphore(%run_scoped3A_199 : memref<!tpu.dma_semaphore, #tpu.memory_space<semaphore_mem>>)
      %dma_wait3A_205 = arith.constant 0 : i32
      %dma_wait3A_206 = tpu.memref_slice %arg7[%arg0, %mul3A_26, %dma_wait3A_205] : memref<2x10240x48xf32, #tpu.memory_space<hbm>> -> memref<1x640x48xf32, #tpu.memory_space<hbm>>
      %dma_wait3A_207 = tpu.memref_squeeze %dma_wait3A_206 : memref<1x640x48xf32, #tpu.memory_space<hbm>> -> memref<640x48xf32, #tpu.memory_space<hbm>>
      %dma_wait3A_208 = arith.constant 0 : i32
      %dma_wait3A_209 = tpu.memref_slice %arg12[%mul3A_26, %dma_wait3A_208] : memref<10240x48xf32, #tpu.memory_space<vmem_shared>> -> memref<640x48xf32, #tpu.memory_space<vmem_shared>>
      tpu.wait_dma2 semaphore(%run_scoped3A_199 : memref<!tpu.dma_semaphore, #tpu.memory_space<semaphore_mem>>) src(%dma_wait3A_209 : memref<640x48xf32, #tpu.memory_space<vmem_shared>>) dst(%dma_wait3A_207 : memref<640x48xf32, #tpu.memory_space<hbm>>)
      tpu.yield
    }) : () -> ()
    return
  }
}

#map = affine_map<(d0, d1) -> (0, 0)>
#map1 = affine_map<(d0, d1) -> (0)>
#map2 = affine_map<(d0, d1) -> (0, 0, 0)>
module attributes {stable_mosaic.version = 14 : i64} {
  func.func @sc_segsum_d128(%arg0: i32, %arg1: i32, %arg2: memref<10000x128xf32, #tpu.memory_space<hbm>>, %arg3: memref<10240x128xf32, #tpu.memory_space<hbm>>, %arg4: memref<10240xf32, #tpu.memory_space<hbm>>, %arg5: memref<128xf32, #tpu.memory_space<hbm>>, %arg6: memref<2x2500x128xi32, #tpu.memory_space<hbm>>, %arg7: memref<2x10240x128xf32, #tpu.memory_space<hbm>>, %arg8: memref<2x10240xf32, #tpu.memory_space<hbm>>, %arg9: memref<40x128xi32, #tpu.memory_space<vmem>>, %arg10: memref<40x128xi32, #tpu.memory_space<vmem>>, %arg11: memref<128x128xf32, #tpu.memory_space<vmem>>, %arg12: memref<128x128xf32, #tpu.memory_space<vmem>>, %arg13: memref<10240x128xf32, #tpu.memory_space<vmem_shared>>, %arg14: memref<!tpu.dma_semaphore, #tpu.memory_space<semaphore_mem>>, %arg15: memref<!tpu.dma_semaphore, #tpu.memory_space<semaphore_mem>>, %arg16: memref<!tpu.dma_semaphore, #tpu.memory_space<semaphore_mem>>, %arg17: memref<!tpu.dma_semaphore, #tpu.memory_space<semaphore_mem>>, %arg18: memref<128xf32, #tpu.memory_space<vmem>>, %arg19: memref<10240xf32, #tpu.memory_space<vmem_shared>>, %arg20: memref<!tpu.dma_semaphore, #tpu.memory_space<semaphore_mem>>) attributes {dimension_semantics = [#tpu.dimension_semantics<core_parallel>, #tpu.dimension_semantics<subcore_parallel>], iteration_bounds = array<i64: 2, 16>, scalar_prefetch = 0 : i64, scratch_operands = 12 : i64, tpu.core_type = #tpu.core_type<sc_vector_subcore>, window_params = [{transform_indices = #map}, {transform_indices = #map}, {transform_indices = #map1}, {transform_indices = #map1}, {transform_indices = #map2}, {transform_indices = #map2}, {transform_indices = #map}]} {
    %mul3A = arith.constant 16 : i32
    %mul3A_0 = arith.muli %arg0, %mul3A : i32
    %add3A = arith.addi %mul3A_0, %arg1 : i32
    %mul3A_1 = arith.constant 78 : i32
    %mul3A_2 = arith.muli %mul3A_1, %add3A : i32
    %add3A_3 = arith.constant 8 : i32
    %add3A_4 = arith.addi %add3A, %add3A_3 : i32
    %sub3A = arith.constant 1 : i32
    %sub3A_5 = arith.subi %add3A_4, %sub3A : i32
    %jit3A = arith.constant 8 : i32
    %div3A = arith.divsi %sub3A_5, %jit3A : i32
    %sign3A = arith.constant 0 : i32
    %sign3A_6 = arith.cmpi sgt, %sub3A_5, %sign3A : i32
    %sign3A_7 = arith.extui %sign3A_6 : i1 to i32
    %sign3A_8 = arith.constant 0 : i32
    %sign3A_9 = arith.cmpi slt, %sub3A_5, %sign3A_8 : i32
    %sign3A_10 = arith.extui %sign3A_9 : i1 to i32
    %sign3A_11 = arith.subi %sign3A_7, %sign3A_10 : i32
    %sign3A_12 = arith.constant 0 : i32
    %sign3A_13 = arith.cmpi sgt, %jit3A, %sign3A_12 : i32
    %sign3A_14 = arith.extui %sign3A_13 : i1 to i32
    %sign3A_15 = arith.constant 0 : i32
    %sign3A_16 = arith.cmpi slt, %jit3A, %sign3A_15 : i32
    %sign3A_17 = arith.extui %sign3A_16 : i1 to i32
    %sign3A_18 = arith.subi %sign3A_14, %sign3A_17 : i32
    %ne3A = arith.cmpi ne, %sign3A_11, %sign3A_18 : i32
    %rem3A = arith.remsi %sub3A_5, %jit3A : i32
    %ne3A_19 = arith.constant 0 : i32
    %ne3A_20 = arith.cmpi ne, %rem3A, %ne3A_19 : i32
    %and3A = arith.andi %ne3A, %ne3A_20 : i1
    %sub3A_21 = arith.constant 1 : i32
    %sub3A_22 = arith.subi %div3A, %sub3A_21 : i32
    %select_n3A = arith.select %and3A, %sub3A_22, %div3A : i32
    %min3A = arith.constant 4 : i32
    %min3A_23 = arith.minsi %select_n3A, %min3A : i32
    %add3A_24 = arith.addi %mul3A_2, %min3A_23 : i32
    %mul3A_25 = arith.constant 640 : i32
    %mul3A_26 = arith.muli %arg1, %mul3A_25 : i32
    "tpu.region"() ({
      %run_scoped3A_140 = tpu.sem_alloc : memref<!tpu.dma_semaphore, #tpu.memory_space<semaphore_mem>>
      tpu.enqueue_dma source(%arg5 : memref<128xf32, #tpu.memory_space<hbm>>) target(%arg18 : memref<128xf32, #tpu.memory_space<vmem>>) target_semaphore(%run_scoped3A_140 : memref<!tpu.dma_semaphore, #tpu.memory_space<semaphore_mem>>)
      tpu.wait_dma2 semaphore(%run_scoped3A_140 : memref<!tpu.dma_semaphore, #tpu.memory_space<semaphore_mem>>) src(%arg5 : memref<128xf32, #tpu.memory_space<hbm>>) dst(%arg18 : memref<128xf32, #tpu.memory_space<vmem>>)
      tpu.yield
    }) : () -> ()
    "tpu.region"() ({
      %run_scoped3A_140 = tpu.sem_alloc : memref<!tpu.dma_semaphore, #tpu.memory_space<semaphore_mem>>
      %dma_start3A_141 = tpu.memref_slice %arg19[%mul3A_26] : memref<10240xf32, #tpu.memory_space<vmem_shared>> -> memref<640xf32, #tpu.memory_space<vmem_shared>>
      %dma_start3A_142 = tpu.memref_slice %arg4[%mul3A_26] : memref<10240xf32, #tpu.memory_space<hbm>> -> memref<640xf32, #tpu.memory_space<hbm>>
      tpu.enqueue_dma source(%dma_start3A_142 : memref<640xf32, #tpu.memory_space<hbm>>) target(%dma_start3A_141 : memref<640xf32, #tpu.memory_space<vmem_shared>>) target_semaphore(%run_scoped3A_140 : memref<!tpu.dma_semaphore, #tpu.memory_space<semaphore_mem>>)
      %dma_wait3A_143 = tpu.memref_slice %arg19[%mul3A_26] : memref<10240xf32, #tpu.memory_space<vmem_shared>> -> memref<640xf32, #tpu.memory_space<vmem_shared>>
      %dma_wait3A_144 = tpu.memref_slice %arg4[%mul3A_26] : memref<10240xf32, #tpu.memory_space<hbm>> -> memref<640xf32, #tpu.memory_space<hbm>>
      tpu.wait_dma2 semaphore(%run_scoped3A_140 : memref<!tpu.dma_semaphore, #tpu.memory_space<semaphore_mem>>) src(%dma_wait3A_144 : memref<640xf32, #tpu.memory_space<hbm>>) dst(%dma_wait3A_143 : memref<640xf32, #tpu.memory_space<vmem_shared>>)
      tpu.yield
    }) : () -> ()
    "tpu.region"() ({
      %run_scoped3A_140 = tpu.sem_alloc : memref<!tpu.dma_semaphore, #tpu.memory_space<semaphore_mem>>
      %dma_start3A_141 = arith.constant 0 : i32
      %dma_start3A_142 = tpu.memref_slice %arg13[%mul3A_26, %dma_start3A_141] : memref<10240x128xf32, #tpu.memory_space<vmem_shared>> -> memref<640x128xf32, #tpu.memory_space<vmem_shared>>
      %dma_start3A_143 = arith.constant 0 : i32
      %dma_start3A_144 = tpu.memref_slice %arg3[%mul3A_26, %dma_start3A_143] : memref<10240x128xf32, #tpu.memory_space<hbm>> -> memref<640x128xf32, #tpu.memory_space<hbm>>
      tpu.enqueue_dma source(%dma_start3A_144 : memref<640x128xf32, #tpu.memory_space<hbm>>) target(%dma_start3A_142 : memref<640x128xf32, #tpu.memory_space<vmem_shared>>) target_semaphore(%run_scoped3A_140 : memref<!tpu.dma_semaphore, #tpu.memory_space<semaphore_mem>>)
      %dma_wait3A_145 = arith.constant 0 : i32
      %dma_wait3A_146 = tpu.memref_slice %arg13[%mul3A_26, %dma_wait3A_145] : memref<10240x128xf32, #tpu.memory_space<vmem_shared>> -> memref<640x128xf32, #tpu.memory_space<vmem_shared>>
      %dma_wait3A_147 = arith.constant 0 : i32
      %dma_wait3A_148 = tpu.memref_slice %arg3[%mul3A_26, %dma_wait3A_147] : memref<10240x128xf32, #tpu.memory_space<hbm>> -> memref<640x128xf32, #tpu.memory_space<hbm>>
      tpu.wait_dma2 semaphore(%run_scoped3A_140 : memref<!tpu.dma_semaphore, #tpu.memory_space<semaphore_mem>>) src(%dma_wait3A_148 : memref<640x128xf32, #tpu.memory_space<hbm>>) dst(%dma_wait3A_146 : memref<640x128xf32, #tpu.memory_space<vmem_shared>>)
      tpu.yield
    }) : () -> ()
    %barrier3A = arith.constant 0 : index
    tpu.barrier barrier_id(%barrier3A)
    %add3A_27 = arith.constant 0 : i32
    %add3A_28 = arith.addi %add3A_24, %add3A_27 : i32
    %run_scoped3A = arith.constant 0 : i32
    "tpu.region"() ({
      %run_scoped3A_140 = tpu.sem_alloc : memref<!tpu.dma_semaphore, #tpu.memory_space<semaphore_mem>>
      %dma_start3A_141 = arith.constant 0 : i32
      %dma_start3A_142 = arith.constant 0 : i32
      %dma_start3A_143 = tpu.memref_slice %arg9[%dma_start3A_141, %dma_start3A_142] : memref<40x128xi32, #tpu.memory_space<vmem>> -> memref<40x128xi32, #tpu.memory_space<vmem>>
      %dma_start3A_144 = arith.constant 0 : i32
      %dma_start3A_145 = tpu.memref_slice %arg6[%run_scoped3A, %add3A_28, %dma_start3A_144] : memref<2x2500x128xi32, #tpu.memory_space<hbm>> -> memref<1x40x128xi32, #tpu.memory_space<hbm>>
      %dma_start3A_146 = tpu.memref_squeeze %dma_start3A_145 : memref<1x40x128xi32, #tpu.memory_space<hbm>> -> memref<40x128xi32, #tpu.memory_space<hbm>>
      %dma_start3A_147 = arith.constant 0 : i32
      %dma_start3A_148 = arith.constant 0 : i32
      %dma_start3A_149 = tpu.memref_slice %arg9[%dma_start3A_147, %dma_start3A_148] : memref<40x128xi32, #tpu.memory_space<vmem>> -> memref<40x128xi32, #tpu.memory_space<vmem>>
      %dma_start3A_150 = arith.constant 0 : i32
      %dma_start3A_151 = tpu.memref_slice %arg6[%run_scoped3A, %add3A_28, %dma_start3A_150] : memref<2x2500x128xi32, #tpu.memory_space<hbm>> -> memref<1x40x128xi32, #tpu.memory_space<hbm>>
      %dma_start3A_152 = tpu.memref_squeeze %dma_start3A_151 : memref<1x40x128xi32, #tpu.memory_space<hbm>> -> memref<40x128xi32, #tpu.memory_space<hbm>>
      tpu.enqueue_dma source(%dma_start3A_152 : memref<40x128xi32, #tpu.memory_space<hbm>>) target(%dma_start3A_149 : memref<40x128xi32, #tpu.memory_space<vmem>>) target_semaphore(%run_scoped3A_140 : memref<!tpu.dma_semaphore, #tpu.memory_space<semaphore_mem>>)
      %dma_wait3A_153 = arith.constant 0 : i32
      %dma_wait3A_154 = arith.constant 0 : i32
      %dma_wait3A_155 = tpu.memref_slice %arg9[%dma_wait3A_153, %dma_wait3A_154] : memref<40x128xi32, #tpu.memory_space<vmem>> -> memref<40x128xi32, #tpu.memory_space<vmem>>
      %dma_wait3A_156 = arith.constant 0 : i32
      %dma_wait3A_157 = tpu.memref_slice %arg6[%run_scoped3A, %add3A_28, %dma_wait3A_156] : memref<2x2500x128xi32, #tpu.memory_space<hbm>> -> memref<1x40x128xi32, #tpu.memory_space<hbm>>
      %dma_wait3A_158 = tpu.memref_squeeze %dma_wait3A_157 : memref<1x40x128xi32, #tpu.memory_space<hbm>> -> memref<40x128xi32, #tpu.memory_space<hbm>>
      %dma_wait3A_159 = arith.constant 0 : i32
      %dma_wait3A_160 = arith.constant 0 : i32
      %dma_wait3A_161 = tpu.memref_slice %arg9[%dma_wait3A_159, %dma_wait3A_160] : memref<40x128xi32, #tpu.memory_space<vmem>> -> memref<40x128xi32, #tpu.memory_space<vmem>>
      %dma_wait3A_162 = arith.constant 0 : i32
      %dma_wait3A_163 = tpu.memref_slice %arg6[%run_scoped3A, %add3A_28, %dma_wait3A_162] : memref<2x2500x128xi32, #tpu.memory_space<hbm>> -> memref<1x40x128xi32, #tpu.memory_space<hbm>>
      %dma_wait3A_164 = tpu.memref_squeeze %dma_wait3A_163 : memref<1x40x128xi32, #tpu.memory_space<hbm>> -> memref<40x128xi32, #tpu.memory_space<hbm>>
      tpu.wait_dma2 semaphore(%run_scoped3A_140 : memref<!tpu.dma_semaphore, #tpu.memory_space<semaphore_mem>>) src(%dma_wait3A_164 : memref<40x128xi32, #tpu.memory_space<hbm>>) dst(%dma_wait3A_161 : memref<40x128xi32, #tpu.memory_space<vmem>>)
      tpu.yield
    }) : () -> ()
    %add3A_29 = arith.constant 0 : i32
    %add3A_30 = arith.addi %add3A_24, %add3A_29 : i32
    %run_scoped3A_31 = arith.constant 1 : i32
    "tpu.region"() ({
      %run_scoped3A_140 = tpu.sem_alloc : memref<!tpu.dma_semaphore, #tpu.memory_space<semaphore_mem>>
      %dma_start3A_141 = arith.constant 0 : i32
      %dma_start3A_142 = arith.constant 0 : i32
      %dma_start3A_143 = tpu.memref_slice %arg10[%dma_start3A_141, %dma_start3A_142] : memref<40x128xi32, #tpu.memory_space<vmem>> -> memref<40x128xi32, #tpu.memory_space<vmem>>
      %dma_start3A_144 = arith.constant 0 : i32
      %dma_start3A_145 = tpu.memref_slice %arg6[%run_scoped3A_31, %add3A_30, %dma_start3A_144] : memref<2x2500x128xi32, #tpu.memory_space<hbm>> -> memref<1x40x128xi32, #tpu.memory_space<hbm>>
      %dma_start3A_146 = tpu.memref_squeeze %dma_start3A_145 : memref<1x40x128xi32, #tpu.memory_space<hbm>> -> memref<40x128xi32, #tpu.memory_space<hbm>>
      %dma_start3A_147 = arith.constant 0 : i32
      %dma_start3A_148 = arith.constant 0 : i32
      %dma_start3A_149 = tpu.memref_slice %arg10[%dma_start3A_147, %dma_start3A_148] : memref<40x128xi32, #tpu.memory_space<vmem>> -> memref<40x128xi32, #tpu.memory_space<vmem>>
      %dma_start3A_150 = arith.constant 0 : i32
      %dma_start3A_151 = tpu.memref_slice %arg6[%run_scoped3A_31, %add3A_30, %dma_start3A_150] : memref<2x2500x128xi32, #tpu.memory_space<hbm>> -> memref<1x40x128xi32, #tpu.memory_space<hbm>>
      %dma_start3A_152 = tpu.memref_squeeze %dma_start3A_151 : memref<1x40x128xi32, #tpu.memory_space<hbm>> -> memref<40x128xi32, #tpu.memory_space<hbm>>
      tpu.enqueue_dma source(%dma_start3A_152 : memref<40x128xi32, #tpu.memory_space<hbm>>) target(%dma_start3A_149 : memref<40x128xi32, #tpu.memory_space<vmem>>) target_semaphore(%run_scoped3A_140 : memref<!tpu.dma_semaphore, #tpu.memory_space<semaphore_mem>>)
      %dma_wait3A_153 = arith.constant 0 : i32
      %dma_wait3A_154 = arith.constant 0 : i32
      %dma_wait3A_155 = tpu.memref_slice %arg10[%dma_wait3A_153, %dma_wait3A_154] : memref<40x128xi32, #tpu.memory_space<vmem>> -> memref<40x128xi32, #tpu.memory_space<vmem>>
      %dma_wait3A_156 = arith.constant 0 : i32
      %dma_wait3A_157 = tpu.memref_slice %arg6[%run_scoped3A_31, %add3A_30, %dma_wait3A_156] : memref<2x2500x128xi32, #tpu.memory_space<hbm>> -> memref<1x40x128xi32, #tpu.memory_space<hbm>>
      %dma_wait3A_158 = tpu.memref_squeeze %dma_wait3A_157 : memref<1x40x128xi32, #tpu.memory_space<hbm>> -> memref<40x128xi32, #tpu.memory_space<hbm>>
      %dma_wait3A_159 = arith.constant 0 : i32
      %dma_wait3A_160 = arith.constant 0 : i32
      %dma_wait3A_161 = tpu.memref_slice %arg10[%dma_wait3A_159, %dma_wait3A_160] : memref<40x128xi32, #tpu.memory_space<vmem>> -> memref<40x128xi32, #tpu.memory_space<vmem>>
      %dma_wait3A_162 = arith.constant 0 : i32
      %dma_wait3A_163 = tpu.memref_slice %arg6[%run_scoped3A_31, %add3A_30, %dma_wait3A_162] : memref<2x2500x128xi32, #tpu.memory_space<hbm>> -> memref<1x40x128xi32, #tpu.memory_space<hbm>>
      %dma_wait3A_164 = tpu.memref_squeeze %dma_wait3A_163 : memref<1x40x128xi32, #tpu.memory_space<hbm>> -> memref<40x128xi32, #tpu.memory_space<hbm>>
      tpu.wait_dma2 semaphore(%run_scoped3A_140 : memref<!tpu.dma_semaphore, #tpu.memory_space<semaphore_mem>>) src(%dma_wait3A_164 : memref<40x128xi32, #tpu.memory_space<hbm>>) dst(%dma_wait3A_161 : memref<40x128xi32, #tpu.memory_space<vmem>>)
      tpu.yield
    }) : () -> ()
    %dma_start3A = arith.constant 0 : i32
    %dma_start3A_32 = arith.constant 0 : i32
    %dma_start3A_33 = arith.constant 0 : i32
    %dma_start3A_34 = tpu.memref_slice %arg11[%dma_start3A_32, %dma_start3A_33] : memref<128x128xf32, #tpu.memory_space<vmem>> -> memref<128x128xf32, #tpu.memory_space<vmem>>
    %dma_start3A_35 = arith.constant 0 : i32
    %dma_start3A_36 = tpu.memref_slice %arg9[%dma_start3A, %dma_start3A_35] : memref<40x128xi32, #tpu.memory_space<vmem>> -> memref<1x128xi32, #tpu.memory_space<vmem>>
    %dma_start3A_37 = tpu.memref_squeeze %dma_start3A_36 : memref<1x128xi32, #tpu.memory_space<vmem>> -> memref<128xi32, #tpu.memory_space<vmem>>
    %dma_start3A_38 = arith.constant 0 : i32
    %dma_start3A_39 = arith.constant 0 : i32
    %dma_start3A_40 = tpu.memref_slice %arg2[%dma_start3A_38, %dma_start3A_39] : memref<10000x128xf32, #tpu.memory_space<hbm>> -> memref<10000x128xf32, #tpu.memory_space<hbm>>
    tpu.enqueue_indirect_dma source(%dma_start3A_40 : memref<10000x128xf32, #tpu.memory_space<hbm>>) target(%dma_start3A_34 : memref<128x128xf32, #tpu.memory_space<vmem>>) offsets(%dma_start3A_37 : memref<128xi32, #tpu.memory_space<vmem>>) semaphore(%arg14 : memref<!tpu.dma_semaphore, #tpu.memory_space<semaphore_mem>>)
    %dma_start3A_41 = arith.constant 1 : i32
    %dma_start3A_42 = arith.constant 0 : i32
    %dma_start3A_43 = arith.constant 0 : i32
    %dma_start3A_44 = tpu.memref_slice %arg12[%dma_start3A_42, %dma_start3A_43] : memref<128x128xf32, #tpu.memory_space<vmem>> -> memref<128x128xf32, #tpu.memory_space<vmem>>
    %dma_start3A_45 = arith.constant 0 : i32
    %dma_start3A_46 = tpu.memref_slice %arg9[%dma_start3A_41, %dma_start3A_45] : memref<40x128xi32, #tpu.memory_space<vmem>> -> memref<1x128xi32, #tpu.memory_space<vmem>>
    %dma_start3A_47 = tpu.memref_squeeze %dma_start3A_46 : memref<1x128xi32, #tpu.memory_space<vmem>> -> memref<128xi32, #tpu.memory_space<vmem>>
    %dma_start3A_48 = arith.constant 0 : i32
    %dma_start3A_49 = arith.constant 0 : i32
    %dma_start3A_50 = tpu.memref_slice %arg2[%dma_start3A_48, %dma_start3A_49] : memref<10000x128xf32, #tpu.memory_space<hbm>> -> memref<10000x128xf32, #tpu.memory_space<hbm>>
    tpu.enqueue_indirect_dma source(%dma_start3A_50 : memref<10000x128xf32, #tpu.memory_space<hbm>>) target(%dma_start3A_44 : memref<128x128xf32, #tpu.memory_space<vmem>>) offsets(%dma_start3A_47 : memref<128xi32, #tpu.memory_space<vmem>>) semaphore(%arg15 : memref<!tpu.dma_semaphore, #tpu.memory_space<semaphore_mem>>)
    %scan3A = arith.constant 0 : i32
    %scan3A_51 = arith.constant 20 : i32
    %scan3A_52 = arith.addi %scan3A, %scan3A_51 : i32
    %scan3A_53 = arith.constant 1 : i32
    scf.for %scan3A_140 = %scan3A to %scan3A_52 step %scan3A_53  : i32 {
      %mul3A_141 = arith.constant 2 : i32
      %mul3A_142 = arith.muli %scan3A_140, %mul3A_141 : i32
      %add3A_143 = arith.constant 0 : i32
      %add3A_144 = arith.addi %add3A_143, %mul3A_142 : i32
      %add3A_145 = arith.constant 1 : i32
      %add3A_146 = arith.addi %add3A_144, %add3A_145 : i32
      %rem3A_147 = arith.constant 40 : i32
      %rem3A_148 = arith.remsi %add3A_146, %rem3A_147 : i32
      %add3A_149 = arith.constant 2 : i32
      %add3A_150 = arith.addi %add3A_144, %add3A_149 : i32
      %rem3A_151 = arith.constant 40 : i32
      %rem3A_152 = arith.remsi %add3A_150, %rem3A_151 : i32
      %add3A_153 = arith.constant 3 : i32
      %add3A_154 = arith.addi %add3A_144, %add3A_153 : i32
      %rem3A_155 = arith.constant 40 : i32
      %rem3A_156 = arith.remsi %add3A_154, %rem3A_155 : i32
      %mul3A_157 = arith.constant 1 : i32
      %mul3A_158 = arith.muli %mul3A_157, %add3A_144 : i32
      %add3A_159 = arith.constant 0 : i32
      %add3A_160 = arith.addi %mul3A_158, %add3A_159 : i32
      %dma_wait3A_161 = arith.constant 0 : i32
      %dma_wait3A_162 = arith.constant 0 : i32
      %dma_wait3A_163 = tpu.memref_slice %arg11[%dma_wait3A_161, %dma_wait3A_162] : memref<128x128xf32, #tpu.memory_space<vmem>> -> memref<128x128xf32, #tpu.memory_space<vmem>>
      %dma_wait3A_164 = arith.constant 0 : i32
      %dma_wait3A_165 = tpu.memref_slice %arg9[%add3A_160, %dma_wait3A_164] : memref<40x128xi32, #tpu.memory_space<vmem>> -> memref<1x128xi32, #tpu.memory_space<vmem>>
      %dma_wait3A_166 = tpu.memref_squeeze %dma_wait3A_165 : memref<1x128xi32, #tpu.memory_space<vmem>> -> memref<128xi32, #tpu.memory_space<vmem>>
      %dma_wait3A_167 = arith.constant 0 : i32
      %dma_wait3A_168 = arith.constant 0 : i32
      %dma_wait3A_169 = tpu.memref_slice %arg2[%dma_wait3A_167, %dma_wait3A_168] : memref<10000x128xf32, #tpu.memory_space<hbm>> -> memref<10000x128xf32, #tpu.memory_space<hbm>>
      tpu.wait_indirect_dma semaphore(%arg14 : memref<!tpu.dma_semaphore, #tpu.memory_space<semaphore_mem>>) src(%dma_wait3A_169 : memref<10000x128xf32, #tpu.memory_space<hbm>>) dst(%dma_wait3A_163 : memref<128x128xf32, #tpu.memory_space<vmem>>)
      %mul3A_170 = arith.constant 1 : i32
      %mul3A_171 = arith.muli %mul3A_170, %add3A_144 : i32
      %add3A_172 = arith.constant 0 : i32
      %add3A_173 = arith.addi %mul3A_171, %add3A_172 : i32
      %dma_start3A_174 = arith.constant 0 : i32
      %dma_start3A_175 = arith.constant 0 : i32
      %dma_start3A_176 = tpu.memref_slice %arg11[%dma_start3A_174, %dma_start3A_175] : memref<128x128xf32, #tpu.memory_space<vmem>> -> memref<128x128xf32, #tpu.memory_space<vmem>>
      %dma_start3A_177 = arith.constant 0 : i32
      %dma_start3A_178 = tpu.memref_slice %arg10[%add3A_173, %dma_start3A_177] : memref<40x128xi32, #tpu.memory_space<vmem>> -> memref<1x128xi32, #tpu.memory_space<vmem>>
      %dma_start3A_179 = tpu.memref_squeeze %dma_start3A_178 : memref<1x128xi32, #tpu.memory_space<vmem>> -> memref<128xi32, #tpu.memory_space<vmem>>
      %dma_start3A_180 = arith.constant 0 : i32
      %dma_start3A_181 = arith.constant 0 : i32
      %dma_start3A_182 = tpu.memref_slice %arg13[%dma_start3A_180, %dma_start3A_181] : memref<10240x128xf32, #tpu.memory_space<vmem_shared>> -> memref<10240x128xf32, #tpu.memory_space<vmem_shared>>
      tpu.enqueue_indirect_dma source(%dma_start3A_176 : memref<128x128xf32, #tpu.memory_space<vmem>>) target(%dma_start3A_182 : memref<10240x128xf32, #tpu.memory_space<vmem_shared>>) offsets(%dma_start3A_179 : memref<128xi32, #tpu.memory_space<vmem>>) semaphore(%arg16 : memref<!tpu.dma_semaphore, #tpu.memory_space<semaphore_mem>>) {add = true}
      %mul3A_183 = arith.constant 1 : i32
      %mul3A_184 = arith.muli %mul3A_183, %add3A_144 : i32
      %add3A_185 = arith.constant 0 : i32
      %add3A_186 = arith.addi %mul3A_184, %add3A_185 : i32
      %dma_start3A_187 = arith.constant 0 : i32
      %dma_start3A_188 = tpu.memref_slice %arg10[%add3A_186, %dma_start3A_187] : memref<40x128xi32, #tpu.memory_space<vmem>> -> memref<1x128xi32, #tpu.memory_space<vmem>>
      %dma_start3A_189 = tpu.memref_squeeze %dma_start3A_188 : memref<1x128xi32, #tpu.memory_space<vmem>> -> memref<128xi32, #tpu.memory_space<vmem>>
      %dma_start3A_190 = arith.constant 0 : i32
      %dma_start3A_191 = tpu.memref_slice %arg19[%dma_start3A_190] : memref<10240xf32, #tpu.memory_space<vmem_shared>> -> memref<10240xf32, #tpu.memory_space<vmem_shared>>
      tpu.enqueue_indirect_dma source(%arg18 : memref<128xf32, #tpu.memory_space<vmem>>) target(%dma_start3A_191 : memref<10240xf32, #tpu.memory_space<vmem_shared>>) offsets(%dma_start3A_189 : memref<128xi32, #tpu.memory_space<vmem>>) semaphore(%arg20 : memref<!tpu.dma_semaphore, #tpu.memory_space<semaphore_mem>>) {add = true}
      %mul3A_192 = arith.constant 1 : i32
      %mul3A_193 = arith.muli %mul3A_192, %rem3A_148 : i32
      %add3A_194 = arith.constant 0 : i32
      %add3A_195 = arith.addi %mul3A_193, %add3A_194 : i32
      %dma_wait3A_196 = arith.constant 0 : i32
      %dma_wait3A_197 = arith.constant 0 : i32
      %dma_wait3A_198 = tpu.memref_slice %arg12[%dma_wait3A_196, %dma_wait3A_197] : memref<128x128xf32, #tpu.memory_space<vmem>> -> memref<128x128xf32, #tpu.memory_space<vmem>>
      %dma_wait3A_199 = arith.constant 0 : i32
      %dma_wait3A_200 = tpu.memref_slice %arg9[%add3A_195, %dma_wait3A_199] : memref<40x128xi32, #tpu.memory_space<vmem>> -> memref<1x128xi32, #tpu.memory_space<vmem>>
      %dma_wait3A_201 = tpu.memref_squeeze %dma_wait3A_200 : memref<1x128xi32, #tpu.memory_space<vmem>> -> memref<128xi32, #tpu.memory_space<vmem>>
      %dma_wait3A_202 = arith.constant 0 : i32
      %dma_wait3A_203 = arith.constant 0 : i32
      %dma_wait3A_204 = tpu.memref_slice %arg2[%dma_wait3A_202, %dma_wait3A_203] : memref<10000x128xf32, #tpu.memory_space<hbm>> -> memref<10000x128xf32, #tpu.memory_space<hbm>>
      tpu.wait_indirect_dma semaphore(%arg15 : memref<!tpu.dma_semaphore, #tpu.memory_space<semaphore_mem>>) src(%dma_wait3A_204 : memref<10000x128xf32, #tpu.memory_space<hbm>>) dst(%dma_wait3A_198 : memref<128x128xf32, #tpu.memory_space<vmem>>)
      %mul3A_205 = arith.constant 1 : i32
      %mul3A_206 = arith.muli %mul3A_205, %rem3A_148 : i32
      %add3A_207 = arith.constant 0 : i32
      %add3A_208 = arith.addi %mul3A_206, %add3A_207 : i32
      %dma_start3A_209 = arith.constant 0 : i32
      %dma_start3A_210 = arith.constant 0 : i32
      %dma_start3A_211 = tpu.memref_slice %arg12[%dma_start3A_209, %dma_start3A_210] : memref<128x128xf32, #tpu.memory_space<vmem>> -> memref<128x128xf32, #tpu.memory_space<vmem>>
      %dma_start3A_212 = arith.constant 0 : i32
      %dma_start3A_213 = tpu.memref_slice %arg10[%add3A_208, %dma_start3A_212] : memref<40x128xi32, #tpu.memory_space<vmem>> -> memref<1x128xi32, #tpu.memory_space<vmem>>
      %dma_start3A_214 = tpu.memref_squeeze %dma_start3A_213 : memref<1x128xi32, #tpu.memory_space<vmem>> -> memref<128xi32, #tpu.memory_space<vmem>>
      %dma_start3A_215 = arith.constant 0 : i32
      %dma_start3A_216 = arith.constant 0 : i32
      %dma_start3A_217 = tpu.memref_slice %arg13[%dma_start3A_215, %dma_start3A_216] : memref<10240x128xf32, #tpu.memory_space<vmem_shared>> -> memref<10240x128xf32, #tpu.memory_space<vmem_shared>>
      tpu.enqueue_indirect_dma source(%dma_start3A_211 : memref<128x128xf32, #tpu.memory_space<vmem>>) target(%dma_start3A_217 : memref<10240x128xf32, #tpu.memory_space<vmem_shared>>) offsets(%dma_start3A_214 : memref<128xi32, #tpu.memory_space<vmem>>) semaphore(%arg17 : memref<!tpu.dma_semaphore, #tpu.memory_space<semaphore_mem>>) {add = true}
      %mul3A_218 = arith.constant 1 : i32
      %mul3A_219 = arith.muli %mul3A_218, %rem3A_148 : i32
      %add3A_220 = arith.constant 0 : i32
      %add3A_221 = arith.addi %mul3A_219, %add3A_220 : i32
      %dma_start3A_222 = arith.constant 0 : i32
      %dma_start3A_223 = tpu.memref_slice %arg10[%add3A_221, %dma_start3A_222] : memref<40x128xi32, #tpu.memory_space<vmem>> -> memref<1x128xi32, #tpu.memory_space<vmem>>
      %dma_start3A_224 = tpu.memref_squeeze %dma_start3A_223 : memref<1x128xi32, #tpu.memory_space<vmem>> -> memref<128xi32, #tpu.memory_space<vmem>>
      %dma_start3A_225 = arith.constant 0 : i32
      %dma_start3A_226 = tpu.memref_slice %arg19[%dma_start3A_225] : memref<10240xf32, #tpu.memory_space<vmem_shared>> -> memref<10240xf32, #tpu.memory_space<vmem_shared>>
      tpu.enqueue_indirect_dma source(%arg18 : memref<128xf32, #tpu.memory_space<vmem>>) target(%dma_start3A_226 : memref<10240xf32, #tpu.memory_space<vmem_shared>>) offsets(%dma_start3A_224 : memref<128xi32, #tpu.memory_space<vmem>>) semaphore(%arg20 : memref<!tpu.dma_semaphore, #tpu.memory_space<semaphore_mem>>) {add = true}
      %mul3A_227 = arith.constant 1 : i32
      %mul3A_228 = arith.muli %mul3A_227, %add3A_144 : i32
      %add3A_229 = arith.constant 0 : i32
      %add3A_230 = arith.addi %mul3A_228, %add3A_229 : i32
      %dma_wait3A_231 = arith.constant 0 : i32
      %dma_wait3A_232 = arith.constant 0 : i32
      %dma_wait3A_233 = tpu.memref_slice %arg11[%dma_wait3A_231, %dma_wait3A_232] : memref<128x128xf32, #tpu.memory_space<vmem>> -> memref<128x128xf32, #tpu.memory_space<vmem>>
      %dma_wait3A_234 = arith.constant 0 : i32
      %dma_wait3A_235 = tpu.memref_slice %arg10[%add3A_230, %dma_wait3A_234] : memref<40x128xi32, #tpu.memory_space<vmem>> -> memref<1x128xi32, #tpu.memory_space<vmem>>
      %dma_wait3A_236 = tpu.memref_squeeze %dma_wait3A_235 : memref<1x128xi32, #tpu.memory_space<vmem>> -> memref<128xi32, #tpu.memory_space<vmem>>
      %dma_wait3A_237 = arith.constant 0 : i32
      %dma_wait3A_238 = arith.constant 0 : i32
      %dma_wait3A_239 = tpu.memref_slice %arg13[%dma_wait3A_237, %dma_wait3A_238] : memref<10240x128xf32, #tpu.memory_space<vmem_shared>> -> memref<10240x128xf32, #tpu.memory_space<vmem_shared>>
      tpu.wait_indirect_dma semaphore(%arg16 : memref<!tpu.dma_semaphore, #tpu.memory_space<semaphore_mem>>) src(%dma_wait3A_233 : memref<128x128xf32, #tpu.memory_space<vmem>>) dst(%dma_wait3A_239 : memref<10240x128xf32, #tpu.memory_space<vmem_shared>>)
      %mul3A_240 = arith.constant 1 : i32
      %mul3A_241 = arith.muli %mul3A_240, %rem3A_152 : i32
      %add3A_242 = arith.constant 0 : i32
      %add3A_243 = arith.addi %mul3A_241, %add3A_242 : i32
      %dma_start3A_244 = arith.constant 0 : i32
      %dma_start3A_245 = arith.constant 0 : i32
      %dma_start3A_246 = tpu.memref_slice %arg11[%dma_start3A_244, %dma_start3A_245] : memref<128x128xf32, #tpu.memory_space<vmem>> -> memref<128x128xf32, #tpu.memory_space<vmem>>
      %dma_start3A_247 = arith.constant 0 : i32
      %dma_start3A_248 = tpu.memref_slice %arg9[%add3A_243, %dma_start3A_247] : memref<40x128xi32, #tpu.memory_space<vmem>> -> memref<1x128xi32, #tpu.memory_space<vmem>>
      %dma_start3A_249 = tpu.memref_squeeze %dma_start3A_248 : memref<1x128xi32, #tpu.memory_space<vmem>> -> memref<128xi32, #tpu.memory_space<vmem>>
      %dma_start3A_250 = arith.constant 0 : i32
      %dma_start3A_251 = arith.constant 0 : i32
      %dma_start3A_252 = tpu.memref_slice %arg2[%dma_start3A_250, %dma_start3A_251] : memref<10000x128xf32, #tpu.memory_space<hbm>> -> memref<10000x128xf32, #tpu.memory_space<hbm>>
      tpu.enqueue_indirect_dma source(%dma_start3A_252 : memref<10000x128xf32, #tpu.memory_space<hbm>>) target(%dma_start3A_246 : memref<128x128xf32, #tpu.memory_space<vmem>>) offsets(%dma_start3A_249 : memref<128xi32, #tpu.memory_space<vmem>>) semaphore(%arg14 : memref<!tpu.dma_semaphore, #tpu.memory_space<semaphore_mem>>)
      %mul3A_253 = arith.constant 1 : i32
      %mul3A_254 = arith.muli %mul3A_253, %rem3A_148 : i32
      %add3A_255 = arith.constant 0 : i32
      %add3A_256 = arith.addi %mul3A_254, %add3A_255 : i32
      %dma_wait3A_257 = arith.constant 0 : i32
      %dma_wait3A_258 = arith.constant 0 : i32
      %dma_wait3A_259 = tpu.memref_slice %arg12[%dma_wait3A_257, %dma_wait3A_258] : memref<128x128xf32, #tpu.memory_space<vmem>> -> memref<128x128xf32, #tpu.memory_space<vmem>>
      %dma_wait3A_260 = arith.constant 0 : i32
      %dma_wait3A_261 = tpu.memref_slice %arg10[%add3A_256, %dma_wait3A_260] : memref<40x128xi32, #tpu.memory_space<vmem>> -> memref<1x128xi32, #tpu.memory_space<vmem>>
      %dma_wait3A_262 = tpu.memref_squeeze %dma_wait3A_261 : memref<1x128xi32, #tpu.memory_space<vmem>> -> memref<128xi32, #tpu.memory_space<vmem>>
      %dma_wait3A_263 = arith.constant 0 : i32
      %dma_wait3A_264 = arith.constant 0 : i32
      %dma_wait3A_265 = tpu.memref_slice %arg13[%dma_wait3A_263, %dma_wait3A_264] : memref<10240x128xf32, #tpu.memory_space<vmem_shared>> -> memref<10240x128xf32, #tpu.memory_space<vmem_shared>>
      tpu.wait_indirect_dma semaphore(%arg17 : memref<!tpu.dma_semaphore, #tpu.memory_space<semaphore_mem>>) src(%dma_wait3A_259 : memref<128x128xf32, #tpu.memory_space<vmem>>) dst(%dma_wait3A_265 : memref<10240x128xf32, #tpu.memory_space<vmem_shared>>)
      %mul3A_266 = arith.constant 1 : i32
      %mul3A_267 = arith.muli %mul3A_266, %rem3A_156 : i32
      %add3A_268 = arith.constant 0 : i32
      %add3A_269 = arith.addi %mul3A_267, %add3A_268 : i32
      %dma_start3A_270 = arith.constant 0 : i32
      %dma_start3A_271 = arith.constant 0 : i32
      %dma_start3A_272 = tpu.memref_slice %arg12[%dma_start3A_270, %dma_start3A_271] : memref<128x128xf32, #tpu.memory_space<vmem>> -> memref<128x128xf32, #tpu.memory_space<vmem>>
      %dma_start3A_273 = arith.constant 0 : i32
      %dma_start3A_274 = tpu.memref_slice %arg9[%add3A_269, %dma_start3A_273] : memref<40x128xi32, #tpu.memory_space<vmem>> -> memref<1x128xi32, #tpu.memory_space<vmem>>
      %dma_start3A_275 = tpu.memref_squeeze %dma_start3A_274 : memref<1x128xi32, #tpu.memory_space<vmem>> -> memref<128xi32, #tpu.memory_space<vmem>>
      %dma_start3A_276 = arith.constant 0 : i32
      %dma_start3A_277 = arith.constant 0 : i32
      %dma_start3A_278 = tpu.memref_slice %arg2[%dma_start3A_276, %dma_start3A_277] : memref<10000x128xf32, #tpu.memory_space<hbm>> -> memref<10000x128xf32, #tpu.memory_space<hbm>>
      tpu.enqueue_indirect_dma source(%dma_start3A_278 : memref<10000x128xf32, #tpu.memory_space<hbm>>) target(%dma_start3A_272 : memref<128x128xf32, #tpu.memory_space<vmem>>) offsets(%dma_start3A_275 : memref<128xi32, #tpu.memory_space<vmem>>) semaphore(%arg15 : memref<!tpu.dma_semaphore, #tpu.memory_space<semaphore_mem>>)
    }
    %scan3A_54 = arith.constant 20 : i32
    %dma_wait3A = arith.constant 0 : i32
    %dma_wait3A_55 = arith.constant 0 : i32
    %dma_wait3A_56 = arith.constant 0 : i32
    %dma_wait3A_57 = tpu.memref_slice %arg11[%dma_wait3A_55, %dma_wait3A_56] : memref<128x128xf32, #tpu.memory_space<vmem>> -> memref<128x128xf32, #tpu.memory_space<vmem>>
    %dma_wait3A_58 = arith.constant 0 : i32
    %dma_wait3A_59 = tpu.memref_slice %arg9[%dma_wait3A, %dma_wait3A_58] : memref<40x128xi32, #tpu.memory_space<vmem>> -> memref<1x128xi32, #tpu.memory_space<vmem>>
    %dma_wait3A_60 = tpu.memref_squeeze %dma_wait3A_59 : memref<1x128xi32, #tpu.memory_space<vmem>> -> memref<128xi32, #tpu.memory_space<vmem>>
    %dma_wait3A_61 = arith.constant 0 : i32
    %dma_wait3A_62 = arith.constant 0 : i32
    %dma_wait3A_63 = tpu.memref_slice %arg2[%dma_wait3A_61, %dma_wait3A_62] : memref<10000x128xf32, #tpu.memory_space<hbm>> -> memref<10000x128xf32, #tpu.memory_space<hbm>>
    tpu.wait_indirect_dma semaphore(%arg14 : memref<!tpu.dma_semaphore, #tpu.memory_space<semaphore_mem>>) src(%dma_wait3A_63 : memref<10000x128xf32, #tpu.memory_space<hbm>>) dst(%dma_wait3A_57 : memref<128x128xf32, #tpu.memory_space<vmem>>)
    %dma_wait3A_64 = arith.constant 1 : i32
    %dma_wait3A_65 = arith.constant 0 : i32
    %dma_wait3A_66 = arith.constant 0 : i32
    %dma_wait3A_67 = tpu.memref_slice %arg12[%dma_wait3A_65, %dma_wait3A_66] : memref<128x128xf32, #tpu.memory_space<vmem>> -> memref<128x128xf32, #tpu.memory_space<vmem>>
    %dma_wait3A_68 = arith.constant 0 : i32
    %dma_wait3A_69 = tpu.memref_slice %arg9[%dma_wait3A_64, %dma_wait3A_68] : memref<40x128xi32, #tpu.memory_space<vmem>> -> memref<1x128xi32, #tpu.memory_space<vmem>>
    %dma_wait3A_70 = tpu.memref_squeeze %dma_wait3A_69 : memref<1x128xi32, #tpu.memory_space<vmem>> -> memref<128xi32, #tpu.memory_space<vmem>>
    %dma_wait3A_71 = arith.constant 0 : i32
    %dma_wait3A_72 = arith.constant 0 : i32
    %dma_wait3A_73 = tpu.memref_slice %arg2[%dma_wait3A_71, %dma_wait3A_72] : memref<10000x128xf32, #tpu.memory_space<hbm>> -> memref<10000x128xf32, #tpu.memory_space<hbm>>
    tpu.wait_indirect_dma semaphore(%arg15 : memref<!tpu.dma_semaphore, #tpu.memory_space<semaphore_mem>>) src(%dma_wait3A_73 : memref<10000x128xf32, #tpu.memory_space<hbm>>) dst(%dma_wait3A_67 : memref<128x128xf32, #tpu.memory_space<vmem>>)
    %scan3A_74 = arith.constant 0 : i32
    %scan3A_75 = arith.constant 40 : i32
    %scan3A_76 = arith.addi %scan3A_74, %scan3A_75 : i32
    %scan3A_77 = arith.constant 1 : i32
    scf.for %scan3A_140 = %scan3A_74 to %scan3A_76 step %scan3A_77  : i32 {
      %mul3A_141 = arith.constant 1 : i32
      %mul3A_142 = arith.muli %scan3A_140, %mul3A_141 : i32
      %add3A_143 = arith.constant 0 : i32
      %add3A_144 = arith.addi %add3A_143, %mul3A_142 : i32
      %dma_wait3A_145 = arith.constant 0 : i32
      %dma_wait3A_146 = arith.constant 0 : i32
      %dma_wait3A_147 = tpu.memref_slice %arg10[%dma_wait3A_145, %dma_wait3A_146] : memref<40x128xi32, #tpu.memory_space<vmem>> -> memref<1x128xi32, #tpu.memory_space<vmem>>
      %dma_wait3A_148 = tpu.memref_squeeze %dma_wait3A_147 : memref<1x128xi32, #tpu.memory_space<vmem>> -> memref<128xi32, #tpu.memory_space<vmem>>
      %dma_wait3A_149 = arith.constant 0 : i32
      %dma_wait3A_150 = tpu.memref_slice %arg19[%dma_wait3A_149] : memref<10240xf32, #tpu.memory_space<vmem_shared>> -> memref<10240xf32, #tpu.memory_space<vmem_shared>>
      tpu.wait_indirect_dma semaphore(%arg20 : memref<!tpu.dma_semaphore, #tpu.memory_space<semaphore_mem>>) src(%arg18 : memref<128xf32, #tpu.memory_space<vmem>>) dst(%dma_wait3A_150 : memref<10240xf32, #tpu.memory_space<vmem_shared>>)
    }
    %scan3A_78 = arith.constant 40 : i32
    %add3A_79 = arith.constant 40 : i32
    %add3A_80 = arith.addi %add3A_24, %add3A_79 : i32
    %run_scoped3A_81 = arith.constant 0 : i32
    "tpu.region"() ({
      %run_scoped3A_140 = tpu.sem_alloc : memref<!tpu.dma_semaphore, #tpu.memory_space<semaphore_mem>>
      %dma_start3A_141 = arith.constant 0 : i32
      %dma_start3A_142 = arith.constant 0 : i32
      %dma_start3A_143 = tpu.memref_slice %arg9[%dma_start3A_141, %dma_start3A_142] : memref<40x128xi32, #tpu.memory_space<vmem>> -> memref<38x128xi32, #tpu.memory_space<vmem>>
      %dma_start3A_144 = arith.constant 0 : i32
      %dma_start3A_145 = tpu.memref_slice %arg6[%run_scoped3A_81, %add3A_80, %dma_start3A_144] : memref<2x2500x128xi32, #tpu.memory_space<hbm>> -> memref<1x38x128xi32, #tpu.memory_space<hbm>>
      %dma_start3A_146 = tpu.memref_squeeze %dma_start3A_145 : memref<1x38x128xi32, #tpu.memory_space<hbm>> -> memref<38x128xi32, #tpu.memory_space<hbm>>
      %dma_start3A_147 = arith.constant 0 : i32
      %dma_start3A_148 = arith.constant 0 : i32
      %dma_start3A_149 = tpu.memref_slice %arg9[%dma_start3A_147, %dma_start3A_148] : memref<40x128xi32, #tpu.memory_space<vmem>> -> memref<38x128xi32, #tpu.memory_space<vmem>>
      %dma_start3A_150 = arith.constant 0 : i32
      %dma_start3A_151 = tpu.memref_slice %arg6[%run_scoped3A_81, %add3A_80, %dma_start3A_150] : memref<2x2500x128xi32, #tpu.memory_space<hbm>> -> memref<1x38x128xi32, #tpu.memory_space<hbm>>
      %dma_start3A_152 = tpu.memref_squeeze %dma_start3A_151 : memref<1x38x128xi32, #tpu.memory_space<hbm>> -> memref<38x128xi32, #tpu.memory_space<hbm>>
      tpu.enqueue_dma source(%dma_start3A_152 : memref<38x128xi32, #tpu.memory_space<hbm>>) target(%dma_start3A_149 : memref<38x128xi32, #tpu.memory_space<vmem>>) target_semaphore(%run_scoped3A_140 : memref<!tpu.dma_semaphore, #tpu.memory_space<semaphore_mem>>)
      %dma_wait3A_153 = arith.constant 0 : i32
      %dma_wait3A_154 = arith.constant 0 : i32
      %dma_wait3A_155 = tpu.memref_slice %arg9[%dma_wait3A_153, %dma_wait3A_154] : memref<40x128xi32, #tpu.memory_space<vmem>> -> memref<38x128xi32, #tpu.memory_space<vmem>>
      %dma_wait3A_156 = arith.constant 0 : i32
      %dma_wait3A_157 = tpu.memref_slice %arg6[%run_scoped3A_81, %add3A_80, %dma_wait3A_156] : memref<2x2500x128xi32, #tpu.memory_space<hbm>> -> memref<1x38x128xi32, #tpu.memory_space<hbm>>
      %dma_wait3A_158 = tpu.memref_squeeze %dma_wait3A_157 : memref<1x38x128xi32, #tpu.memory_space<hbm>> -> memref<38x128xi32, #tpu.memory_space<hbm>>
      %dma_wait3A_159 = arith.constant 0 : i32
      %dma_wait3A_160 = arith.constant 0 : i32
      %dma_wait3A_161 = tpu.memref_slice %arg9[%dma_wait3A_159, %dma_wait3A_160] : memref<40x128xi32, #tpu.memory_space<vmem>> -> memref<38x128xi32, #tpu.memory_space<vmem>>
      %dma_wait3A_162 = arith.constant 0 : i32
      %dma_wait3A_163 = tpu.memref_slice %arg6[%run_scoped3A_81, %add3A_80, %dma_wait3A_162] : memref<2x2500x128xi32, #tpu.memory_space<hbm>> -> memref<1x38x128xi32, #tpu.memory_space<hbm>>
      %dma_wait3A_164 = tpu.memref_squeeze %dma_wait3A_163 : memref<1x38x128xi32, #tpu.memory_space<hbm>> -> memref<38x128xi32, #tpu.memory_space<hbm>>
      tpu.wait_dma2 semaphore(%run_scoped3A_140 : memref<!tpu.dma_semaphore, #tpu.memory_space<semaphore_mem>>) src(%dma_wait3A_164 : memref<38x128xi32, #tpu.memory_space<hbm>>) dst(%dma_wait3A_161 : memref<38x128xi32, #tpu.memory_space<vmem>>)
      tpu.yield
    }) : () -> ()
    %add3A_82 = arith.constant 40 : i32
    %add3A_83 = arith.addi %add3A_24, %add3A_82 : i32
    %run_scoped3A_84 = arith.constant 1 : i32
    "tpu.region"() ({
      %run_scoped3A_140 = tpu.sem_alloc : memref<!tpu.dma_semaphore, #tpu.memory_space<semaphore_mem>>
      %dma_start3A_141 = arith.constant 0 : i32
      %dma_start3A_142 = arith.constant 0 : i32
      %dma_start3A_143 = tpu.memref_slice %arg10[%dma_start3A_141, %dma_start3A_142] : memref<40x128xi32, #tpu.memory_space<vmem>> -> memref<38x128xi32, #tpu.memory_space<vmem>>
      %dma_start3A_144 = arith.constant 0 : i32
      %dma_start3A_145 = tpu.memref_slice %arg6[%run_scoped3A_84, %add3A_83, %dma_start3A_144] : memref<2x2500x128xi32, #tpu.memory_space<hbm>> -> memref<1x38x128xi32, #tpu.memory_space<hbm>>
      %dma_start3A_146 = tpu.memref_squeeze %dma_start3A_145 : memref<1x38x128xi32, #tpu.memory_space<hbm>> -> memref<38x128xi32, #tpu.memory_space<hbm>>
      %dma_start3A_147 = arith.constant 0 : i32
      %dma_start3A_148 = arith.constant 0 : i32
      %dma_start3A_149 = tpu.memref_slice %arg10[%dma_start3A_147, %dma_start3A_148] : memref<40x128xi32, #tpu.memory_space<vmem>> -> memref<38x128xi32, #tpu.memory_space<vmem>>
      %dma_start3A_150 = arith.constant 0 : i32
      %dma_start3A_151 = tpu.memref_slice %arg6[%run_scoped3A_84, %add3A_83, %dma_start3A_150] : memref<2x2500x128xi32, #tpu.memory_space<hbm>> -> memref<1x38x128xi32, #tpu.memory_space<hbm>>
      %dma_start3A_152 = tpu.memref_squeeze %dma_start3A_151 : memref<1x38x128xi32, #tpu.memory_space<hbm>> -> memref<38x128xi32, #tpu.memory_space<hbm>>
      tpu.enqueue_dma source(%dma_start3A_152 : memref<38x128xi32, #tpu.memory_space<hbm>>) target(%dma_start3A_149 : memref<38x128xi32, #tpu.memory_space<vmem>>) target_semaphore(%run_scoped3A_140 : memref<!tpu.dma_semaphore, #tpu.memory_space<semaphore_mem>>)
      %dma_wait3A_153 = arith.constant 0 : i32
      %dma_wait3A_154 = arith.constant 0 : i32
      %dma_wait3A_155 = tpu.memref_slice %arg10[%dma_wait3A_153, %dma_wait3A_154] : memref<40x128xi32, #tpu.memory_space<vmem>> -> memref<38x128xi32, #tpu.memory_space<vmem>>
      %dma_wait3A_156 = arith.constant 0 : i32
      %dma_wait3A_157 = tpu.memref_slice %arg6[%run_scoped3A_84, %add3A_83, %dma_wait3A_156] : memref<2x2500x128xi32, #tpu.memory_space<hbm>> -> memref<1x38x128xi32, #tpu.memory_space<hbm>>
      %dma_wait3A_158 = tpu.memref_squeeze %dma_wait3A_157 : memref<1x38x128xi32, #tpu.memory_space<hbm>> -> memref<38x128xi32, #tpu.memory_space<hbm>>
      %dma_wait3A_159 = arith.constant 0 : i32
      %dma_wait3A_160 = arith.constant 0 : i32
      %dma_wait3A_161 = tpu.memref_slice %arg10[%dma_wait3A_159, %dma_wait3A_160] : memref<40x128xi32, #tpu.memory_space<vmem>> -> memref<38x128xi32, #tpu.memory_space<vmem>>
      %dma_wait3A_162 = arith.constant 0 : i32
      %dma_wait3A_163 = tpu.memref_slice %arg6[%run_scoped3A_84, %add3A_83, %dma_wait3A_162] : memref<2x2500x128xi32, #tpu.memory_space<hbm>> -> memref<1x38x128xi32, #tpu.memory_space<hbm>>
      %dma_wait3A_164 = tpu.memref_squeeze %dma_wait3A_163 : memref<1x38x128xi32, #tpu.memory_space<hbm>> -> memref<38x128xi32, #tpu.memory_space<hbm>>
      tpu.wait_dma2 semaphore(%run_scoped3A_140 : memref<!tpu.dma_semaphore, #tpu.memory_space<semaphore_mem>>) src(%dma_wait3A_164 : memref<38x128xi32, #tpu.memory_space<hbm>>) dst(%dma_wait3A_161 : memref<38x128xi32, #tpu.memory_space<vmem>>)
      tpu.yield
    }) : () -> ()
    %dma_start3A_85 = arith.constant 0 : i32
    %dma_start3A_86 = arith.constant 0 : i32
    %dma_start3A_87 = arith.constant 0 : i32
    %dma_start3A_88 = tpu.memref_slice %arg11[%dma_start3A_86, %dma_start3A_87] : memref<128x128xf32, #tpu.memory_space<vmem>> -> memref<128x128xf32, #tpu.memory_space<vmem>>
    %dma_start3A_89 = arith.constant 0 : i32
    %dma_start3A_90 = tpu.memref_slice %arg9[%dma_start3A_85, %dma_start3A_89] : memref<40x128xi32, #tpu.memory_space<vmem>> -> memref<1x128xi32, #tpu.memory_space<vmem>>
    %dma_start3A_91 = tpu.memref_squeeze %dma_start3A_90 : memref<1x128xi32, #tpu.memory_space<vmem>> -> memref<128xi32, #tpu.memory_space<vmem>>
    %dma_start3A_92 = arith.constant 0 : i32
    %dma_start3A_93 = arith.constant 0 : i32
    %dma_start3A_94 = tpu.memref_slice %arg2[%dma_start3A_92, %dma_start3A_93] : memref<10000x128xf32, #tpu.memory_space<hbm>> -> memref<10000x128xf32, #tpu.memory_space<hbm>>
    tpu.enqueue_indirect_dma source(%dma_start3A_94 : memref<10000x128xf32, #tpu.memory_space<hbm>>) target(%dma_start3A_88 : memref<128x128xf32, #tpu.memory_space<vmem>>) offsets(%dma_start3A_91 : memref<128xi32, #tpu.memory_space<vmem>>) semaphore(%arg14 : memref<!tpu.dma_semaphore, #tpu.memory_space<semaphore_mem>>)
    %dma_start3A_95 = arith.constant 1 : i32
    %dma_start3A_96 = arith.constant 0 : i32
    %dma_start3A_97 = arith.constant 0 : i32
    %dma_start3A_98 = tpu.memref_slice %arg12[%dma_start3A_96, %dma_start3A_97] : memref<128x128xf32, #tpu.memory_space<vmem>> -> memref<128x128xf32, #tpu.memory_space<vmem>>
    %dma_start3A_99 = arith.constant 0 : i32
    %dma_start3A_100 = tpu.memref_slice %arg9[%dma_start3A_95, %dma_start3A_99] : memref<40x128xi32, #tpu.memory_space<vmem>> -> memref<1x128xi32, #tpu.memory_space<vmem>>
    %dma_start3A_101 = tpu.memref_squeeze %dma_start3A_100 : memref<1x128xi32, #tpu.memory_space<vmem>> -> memref<128xi32, #tpu.memory_space<vmem>>
    %dma_start3A_102 = arith.constant 0 : i32
    %dma_start3A_103 = arith.constant 0 : i32
    %dma_start3A_104 = tpu.memref_slice %arg2[%dma_start3A_102, %dma_start3A_103] : memref<10000x128xf32, #tpu.memory_space<hbm>> -> memref<10000x128xf32, #tpu.memory_space<hbm>>
    tpu.enqueue_indirect_dma source(%dma_start3A_104 : memref<10000x128xf32, #tpu.memory_space<hbm>>) target(%dma_start3A_98 : memref<128x128xf32, #tpu.memory_space<vmem>>) offsets(%dma_start3A_101 : memref<128xi32, #tpu.memory_space<vmem>>) semaphore(%arg15 : memref<!tpu.dma_semaphore, #tpu.memory_space<semaphore_mem>>)
    %scan3A_105 = arith.constant 0 : i32
    %scan3A_106 = arith.constant 19 : i32
    %scan3A_107 = arith.addi %scan3A_105, %scan3A_106 : i32
    %scan3A_108 = arith.constant 1 : i32
    scf.for %scan3A_140 = %scan3A_105 to %scan3A_107 step %scan3A_108  : i32 {
      %mul3A_141 = arith.constant 2 : i32
      %mul3A_142 = arith.muli %scan3A_140, %mul3A_141 : i32
      %add3A_143 = arith.constant 0 : i32
      %add3A_144 = arith.addi %add3A_143, %mul3A_142 : i32
      %add3A_145 = arith.constant 1 : i32
      %add3A_146 = arith.addi %add3A_144, %add3A_145 : i32
      %rem3A_147 = arith.constant 38 : i32
      %rem3A_148 = arith.remsi %add3A_146, %rem3A_147 : i32
      %add3A_149 = arith.constant 2 : i32
      %add3A_150 = arith.addi %add3A_144, %add3A_149 : i32
      %rem3A_151 = arith.constant 38 : i32
      %rem3A_152 = arith.remsi %add3A_150, %rem3A_151 : i32
      %add3A_153 = arith.constant 3 : i32
      %add3A_154 = arith.addi %add3A_144, %add3A_153 : i32
      %rem3A_155 = arith.constant 38 : i32
      %rem3A_156 = arith.remsi %add3A_154, %rem3A_155 : i32
      %mul3A_157 = arith.constant 1 : i32
      %mul3A_158 = arith.muli %mul3A_157, %add3A_144 : i32
      %add3A_159 = arith.constant 0 : i32
      %add3A_160 = arith.addi %mul3A_158, %add3A_159 : i32
      %dma_wait3A_161 = arith.constant 0 : i32
      %dma_wait3A_162 = arith.constant 0 : i32
      %dma_wait3A_163 = tpu.memref_slice %arg11[%dma_wait3A_161, %dma_wait3A_162] : memref<128x128xf32, #tpu.memory_space<vmem>> -> memref<128x128xf32, #tpu.memory_space<vmem>>
      %dma_wait3A_164 = arith.constant 0 : i32
      %dma_wait3A_165 = tpu.memref_slice %arg9[%add3A_160, %dma_wait3A_164] : memref<40x128xi32, #tpu.memory_space<vmem>> -> memref<1x128xi32, #tpu.memory_space<vmem>>
      %dma_wait3A_166 = tpu.memref_squeeze %dma_wait3A_165 : memref<1x128xi32, #tpu.memory_space<vmem>> -> memref<128xi32, #tpu.memory_space<vmem>>
      %dma_wait3A_167 = arith.constant 0 : i32
      %dma_wait3A_168 = arith.constant 0 : i32
      %dma_wait3A_169 = tpu.memref_slice %arg2[%dma_wait3A_167, %dma_wait3A_168] : memref<10000x128xf32, #tpu.memory_space<hbm>> -> memref<10000x128xf32, #tpu.memory_space<hbm>>
      tpu.wait_indirect_dma semaphore(%arg14 : memref<!tpu.dma_semaphore, #tpu.memory_space<semaphore_mem>>) src(%dma_wait3A_169 : memref<10000x128xf32, #tpu.memory_space<hbm>>) dst(%dma_wait3A_163 : memref<128x128xf32, #tpu.memory_space<vmem>>)
      %mul3A_170 = arith.constant 1 : i32
      %mul3A_171 = arith.muli %mul3A_170, %add3A_144 : i32
      %add3A_172 = arith.constant 0 : i32
      %add3A_173 = arith.addi %mul3A_171, %add3A_172 : i32
      %dma_start3A_174 = arith.constant 0 : i32
      %dma_start3A_175 = arith.constant 0 : i32
      %dma_start3A_176 = tpu.memref_slice %arg11[%dma_start3A_174, %dma_start3A_175] : memref<128x128xf32, #tpu.memory_space<vmem>> -> memref<128x128xf32, #tpu.memory_space<vmem>>
      %dma_start3A_177 = arith.constant 0 : i32
      %dma_start3A_178 = tpu.memref_slice %arg10[%add3A_173, %dma_start3A_177] : memref<40x128xi32, #tpu.memory_space<vmem>> -> memref<1x128xi32, #tpu.memory_space<vmem>>
      %dma_start3A_179 = tpu.memref_squeeze %dma_start3A_178 : memref<1x128xi32, #tpu.memory_space<vmem>> -> memref<128xi32, #tpu.memory_space<vmem>>
      %dma_start3A_180 = arith.constant 0 : i32
      %dma_start3A_181 = arith.constant 0 : i32
      %dma_start3A_182 = tpu.memref_slice %arg13[%dma_start3A_180, %dma_start3A_181] : memref<10240x128xf32, #tpu.memory_space<vmem_shared>> -> memref<10240x128xf32, #tpu.memory_space<vmem_shared>>
      tpu.enqueue_indirect_dma source(%dma_start3A_176 : memref<128x128xf32, #tpu.memory_space<vmem>>) target(%dma_start3A_182 : memref<10240x128xf32, #tpu.memory_space<vmem_shared>>) offsets(%dma_start3A_179 : memref<128xi32, #tpu.memory_space<vmem>>) semaphore(%arg16 : memref<!tpu.dma_semaphore, #tpu.memory_space<semaphore_mem>>) {add = true}
      %mul3A_183 = arith.constant 1 : i32
      %mul3A_184 = arith.muli %mul3A_183, %add3A_144 : i32
      %add3A_185 = arith.constant 0 : i32
      %add3A_186 = arith.addi %mul3A_184, %add3A_185 : i32
      %dma_start3A_187 = arith.constant 0 : i32
      %dma_start3A_188 = tpu.memref_slice %arg10[%add3A_186, %dma_start3A_187] : memref<40x128xi32, #tpu.memory_space<vmem>> -> memref<1x128xi32, #tpu.memory_space<vmem>>
      %dma_start3A_189 = tpu.memref_squeeze %dma_start3A_188 : memref<1x128xi32, #tpu.memory_space<vmem>> -> memref<128xi32, #tpu.memory_space<vmem>>
      %dma_start3A_190 = arith.constant 0 : i32
      %dma_start3A_191 = tpu.memref_slice %arg19[%dma_start3A_190] : memref<10240xf32, #tpu.memory_space<vmem_shared>> -> memref<10240xf32, #tpu.memory_space<vmem_shared>>
      tpu.enqueue_indirect_dma source(%arg18 : memref<128xf32, #tpu.memory_space<vmem>>) target(%dma_start3A_191 : memref<10240xf32, #tpu.memory_space<vmem_shared>>) offsets(%dma_start3A_189 : memref<128xi32, #tpu.memory_space<vmem>>) semaphore(%arg20 : memref<!tpu.dma_semaphore, #tpu.memory_space<semaphore_mem>>) {add = true}
      %mul3A_192 = arith.constant 1 : i32
      %mul3A_193 = arith.muli %mul3A_192, %rem3A_148 : i32
      %add3A_194 = arith.constant 0 : i32
      %add3A_195 = arith.addi %mul3A_193, %add3A_194 : i32
      %dma_wait3A_196 = arith.constant 0 : i32
      %dma_wait3A_197 = arith.constant 0 : i32
      %dma_wait3A_198 = tpu.memref_slice %arg12[%dma_wait3A_196, %dma_wait3A_197] : memref<128x128xf32, #tpu.memory_space<vmem>> -> memref<128x128xf32, #tpu.memory_space<vmem>>
      %dma_wait3A_199 = arith.constant 0 : i32
      %dma_wait3A_200 = tpu.memref_slice %arg9[%add3A_195, %dma_wait3A_199] : memref<40x128xi32, #tpu.memory_space<vmem>> -> memref<1x128xi32, #tpu.memory_space<vmem>>
      %dma_wait3A_201 = tpu.memref_squeeze %dma_wait3A_200 : memref<1x128xi32, #tpu.memory_space<vmem>> -> memref<128xi32, #tpu.memory_space<vmem>>
      %dma_wait3A_202 = arith.constant 0 : i32
      %dma_wait3A_203 = arith.constant 0 : i32
      %dma_wait3A_204 = tpu.memref_slice %arg2[%dma_wait3A_202, %dma_wait3A_203] : memref<10000x128xf32, #tpu.memory_space<hbm>> -> memref<10000x128xf32, #tpu.memory_space<hbm>>
      tpu.wait_indirect_dma semaphore(%arg15 : memref<!tpu.dma_semaphore, #tpu.memory_space<semaphore_mem>>) src(%dma_wait3A_204 : memref<10000x128xf32, #tpu.memory_space<hbm>>) dst(%dma_wait3A_198 : memref<128x128xf32, #tpu.memory_space<vmem>>)
      %mul3A_205 = arith.constant 1 : i32
      %mul3A_206 = arith.muli %mul3A_205, %rem3A_148 : i32
      %add3A_207 = arith.constant 0 : i32
      %add3A_208 = arith.addi %mul3A_206, %add3A_207 : i32
      %dma_start3A_209 = arith.constant 0 : i32
      %dma_start3A_210 = arith.constant 0 : i32
      %dma_start3A_211 = tpu.memref_slice %arg12[%dma_start3A_209, %dma_start3A_210] : memref<128x128xf32, #tpu.memory_space<vmem>> -> memref<128x128xf32, #tpu.memory_space<vmem>>
      %dma_start3A_212 = arith.constant 0 : i32
      %dma_start3A_213 = tpu.memref_slice %arg10[%add3A_208, %dma_start3A_212] : memref<40x128xi32, #tpu.memory_space<vmem>> -> memref<1x128xi32, #tpu.memory_space<vmem>>
      %dma_start3A_214 = tpu.memref_squeeze %dma_start3A_213 : memref<1x128xi32, #tpu.memory_space<vmem>> -> memref<128xi32, #tpu.memory_space<vmem>>
      %dma_start3A_215 = arith.constant 0 : i32
      %dma_start3A_216 = arith.constant 0 : i32
      %dma_start3A_217 = tpu.memref_slice %arg13[%dma_start3A_215, %dma_start3A_216] : memref<10240x128xf32, #tpu.memory_space<vmem_shared>> -> memref<10240x128xf32, #tpu.memory_space<vmem_shared>>
      tpu.enqueue_indirect_dma source(%dma_start3A_211 : memref<128x128xf32, #tpu.memory_space<vmem>>) target(%dma_start3A_217 : memref<10240x128xf32, #tpu.memory_space<vmem_shared>>) offsets(%dma_start3A_214 : memref<128xi32, #tpu.memory_space<vmem>>) semaphore(%arg17 : memref<!tpu.dma_semaphore, #tpu.memory_space<semaphore_mem>>) {add = true}
      %mul3A_218 = arith.constant 1 : i32
      %mul3A_219 = arith.muli %mul3A_218, %rem3A_148 : i32
      %add3A_220 = arith.constant 0 : i32
      %add3A_221 = arith.addi %mul3A_219, %add3A_220 : i32
      %dma_start3A_222 = arith.constant 0 : i32
      %dma_start3A_223 = tpu.memref_slice %arg10[%add3A_221, %dma_start3A_222] : memref<40x128xi32, #tpu.memory_space<vmem>> -> memref<1x128xi32, #tpu.memory_space<vmem>>
      %dma_start3A_224 = tpu.memref_squeeze %dma_start3A_223 : memref<1x128xi32, #tpu.memory_space<vmem>> -> memref<128xi32, #tpu.memory_space<vmem>>
      %dma_start3A_225 = arith.constant 0 : i32
      %dma_start3A_226 = tpu.memref_slice %arg19[%dma_start3A_225] : memref<10240xf32, #tpu.memory_space<vmem_shared>> -> memref<10240xf32, #tpu.memory_space<vmem_shared>>
      tpu.enqueue_indirect_dma source(%arg18 : memref<128xf32, #tpu.memory_space<vmem>>) target(%dma_start3A_226 : memref<10240xf32, #tpu.memory_space<vmem_shared>>) offsets(%dma_start3A_224 : memref<128xi32, #tpu.memory_space<vmem>>) semaphore(%arg20 : memref<!tpu.dma_semaphore, #tpu.memory_space<semaphore_mem>>) {add = true}
      %mul3A_227 = arith.constant 1 : i32
      %mul3A_228 = arith.muli %mul3A_227, %add3A_144 : i32
      %add3A_229 = arith.constant 0 : i32
      %add3A_230 = arith.addi %mul3A_228, %add3A_229 : i32
      %dma_wait3A_231 = arith.constant 0 : i32
      %dma_wait3A_232 = arith.constant 0 : i32
      %dma_wait3A_233 = tpu.memref_slice %arg11[%dma_wait3A_231, %dma_wait3A_232] : memref<128x128xf32, #tpu.memory_space<vmem>> -> memref<128x128xf32, #tpu.memory_space<vmem>>
      %dma_wait3A_234 = arith.constant 0 : i32
      %dma_wait3A_235 = tpu.memref_slice %arg10[%add3A_230, %dma_wait3A_234] : memref<40x128xi32, #tpu.memory_space<vmem>> -> memref<1x128xi32, #tpu.memory_space<vmem>>
      %dma_wait3A_236 = tpu.memref_squeeze %dma_wait3A_235 : memref<1x128xi32, #tpu.memory_space<vmem>> -> memref<128xi32, #tpu.memory_space<vmem>>
      %dma_wait3A_237 = arith.constant 0 : i32
      %dma_wait3A_238 = arith.constant 0 : i32
      %dma_wait3A_239 = tpu.memref_slice %arg13[%dma_wait3A_237, %dma_wait3A_238] : memref<10240x128xf32, #tpu.memory_space<vmem_shared>> -> memref<10240x128xf32, #tpu.memory_space<vmem_shared>>
      tpu.wait_indirect_dma semaphore(%arg16 : memref<!tpu.dma_semaphore, #tpu.memory_space<semaphore_mem>>) src(%dma_wait3A_233 : memref<128x128xf32, #tpu.memory_space<vmem>>) dst(%dma_wait3A_239 : memref<10240x128xf32, #tpu.memory_space<vmem_shared>>)
      %mul3A_240 = arith.constant 1 : i32
      %mul3A_241 = arith.muli %mul3A_240, %rem3A_152 : i32
      %add3A_242 = arith.constant 0 : i32
      %add3A_243 = arith.addi %mul3A_241, %add3A_242 : i32
      %dma_start3A_244 = arith.constant 0 : i32
      %dma_start3A_245 = arith.constant 0 : i32
      %dma_start3A_246 = tpu.memref_slice %arg11[%dma_start3A_244, %dma_start3A_245] : memref<128x128xf32, #tpu.memory_space<vmem>> -> memref<128x128xf32, #tpu.memory_space<vmem>>
      %dma_start3A_247 = arith.constant 0 : i32
      %dma_start3A_248 = tpu.memref_slice %arg9[%add3A_243, %dma_start3A_247] : memref<40x128xi32, #tpu.memory_space<vmem>> -> memref<1x128xi32, #tpu.memory_space<vmem>>
      %dma_start3A_249 = tpu.memref_squeeze %dma_start3A_248 : memref<1x128xi32, #tpu.memory_space<vmem>> -> memref<128xi32, #tpu.memory_space<vmem>>
      %dma_start3A_250 = arith.constant 0 : i32
      %dma_start3A_251 = arith.constant 0 : i32
      %dma_start3A_252 = tpu.memref_slice %arg2[%dma_start3A_250, %dma_start3A_251] : memref<10000x128xf32, #tpu.memory_space<hbm>> -> memref<10000x128xf32, #tpu.memory_space<hbm>>
      tpu.enqueue_indirect_dma source(%dma_start3A_252 : memref<10000x128xf32, #tpu.memory_space<hbm>>) target(%dma_start3A_246 : memref<128x128xf32, #tpu.memory_space<vmem>>) offsets(%dma_start3A_249 : memref<128xi32, #tpu.memory_space<vmem>>) semaphore(%arg14 : memref<!tpu.dma_semaphore, #tpu.memory_space<semaphore_mem>>)
      %mul3A_253 = arith.constant 1 : i32
      %mul3A_254 = arith.muli %mul3A_253, %rem3A_148 : i32
      %add3A_255 = arith.constant 0 : i32
      %add3A_256 = arith.addi %mul3A_254, %add3A_255 : i32
      %dma_wait3A_257 = arith.constant 0 : i32
      %dma_wait3A_258 = arith.constant 0 : i32
      %dma_wait3A_259 = tpu.memref_slice %arg12[%dma_wait3A_257, %dma_wait3A_258] : memref<128x128xf32, #tpu.memory_space<vmem>> -> memref<128x128xf32, #tpu.memory_space<vmem>>
      %dma_wait3A_260 = arith.constant 0 : i32
      %dma_wait3A_261 = tpu.memref_slice %arg10[%add3A_256, %dma_wait3A_260] : memref<40x128xi32, #tpu.memory_space<vmem>> -> memref<1x128xi32, #tpu.memory_space<vmem>>
      %dma_wait3A_262 = tpu.memref_squeeze %dma_wait3A_261 : memref<1x128xi32, #tpu.memory_space<vmem>> -> memref<128xi32, #tpu.memory_space<vmem>>
      %dma_wait3A_263 = arith.constant 0 : i32
      %dma_wait3A_264 = arith.constant 0 : i32
      %dma_wait3A_265 = tpu.memref_slice %arg13[%dma_wait3A_263, %dma_wait3A_264] : memref<10240x128xf32, #tpu.memory_space<vmem_shared>> -> memref<10240x128xf32, #tpu.memory_space<vmem_shared>>
      tpu.wait_indirect_dma semaphore(%arg17 : memref<!tpu.dma_semaphore, #tpu.memory_space<semaphore_mem>>) src(%dma_wait3A_259 : memref<128x128xf32, #tpu.memory_space<vmem>>) dst(%dma_wait3A_265 : memref<10240x128xf32, #tpu.memory_space<vmem_shared>>)
      %mul3A_266 = arith.constant 1 : i32
      %mul3A_267 = arith.muli %mul3A_266, %rem3A_156 : i32
      %add3A_268 = arith.constant 0 : i32
      %add3A_269 = arith.addi %mul3A_267, %add3A_268 : i32
      %dma_start3A_270 = arith.constant 0 : i32
      %dma_start3A_271 = arith.constant 0 : i32
      %dma_start3A_272 = tpu.memref_slice %arg12[%dma_start3A_270, %dma_start3A_271] : memref<128x128xf32, #tpu.memory_space<vmem>> -> memref<128x128xf32, #tpu.memory_space<vmem>>
      %dma_start3A_273 = arith.constant 0 : i32
      %dma_start3A_274 = tpu.memref_slice %arg9[%add3A_269, %dma_start3A_273] : memref<40x128xi32, #tpu.memory_space<vmem>> -> memref<1x128xi32, #tpu.memory_space<vmem>>
      %dma_start3A_275 = tpu.memref_squeeze %dma_start3A_274 : memref<1x128xi32, #tpu.memory_space<vmem>> -> memref<128xi32, #tpu.memory_space<vmem>>
      %dma_start3A_276 = arith.constant 0 : i32
      %dma_start3A_277 = arith.constant 0 : i32
      %dma_start3A_278 = tpu.memref_slice %arg2[%dma_start3A_276, %dma_start3A_277] : memref<10000x128xf32, #tpu.memory_space<hbm>> -> memref<10000x128xf32, #tpu.memory_space<hbm>>
      tpu.enqueue_indirect_dma source(%dma_start3A_278 : memref<10000x128xf32, #tpu.memory_space<hbm>>) target(%dma_start3A_272 : memref<128x128xf32, #tpu.memory_space<vmem>>) offsets(%dma_start3A_275 : memref<128xi32, #tpu.memory_space<vmem>>) semaphore(%arg15 : memref<!tpu.dma_semaphore, #tpu.memory_space<semaphore_mem>>)
    }
    %scan3A_109 = arith.constant 19 : i32
    %dma_wait3A_110 = arith.constant 0 : i32
    %dma_wait3A_111 = arith.constant 0 : i32
    %dma_wait3A_112 = arith.constant 0 : i32
    %dma_wait3A_113 = tpu.memref_slice %arg11[%dma_wait3A_111, %dma_wait3A_112] : memref<128x128xf32, #tpu.memory_space<vmem>> -> memref<128x128xf32, #tpu.memory_space<vmem>>
    %dma_wait3A_114 = arith.constant 0 : i32
    %dma_wait3A_115 = tpu.memref_slice %arg9[%dma_wait3A_110, %dma_wait3A_114] : memref<40x128xi32, #tpu.memory_space<vmem>> -> memref<1x128xi32, #tpu.memory_space<vmem>>
    %dma_wait3A_116 = tpu.memref_squeeze %dma_wait3A_115 : memref<1x128xi32, #tpu.memory_space<vmem>> -> memref<128xi32, #tpu.memory_space<vmem>>
    %dma_wait3A_117 = arith.constant 0 : i32
    %dma_wait3A_118 = arith.constant 0 : i32
    %dma_wait3A_119 = tpu.memref_slice %arg2[%dma_wait3A_117, %dma_wait3A_118] : memref<10000x128xf32, #tpu.memory_space<hbm>> -> memref<10000x128xf32, #tpu.memory_space<hbm>>
    tpu.wait_indirect_dma semaphore(%arg14 : memref<!tpu.dma_semaphore, #tpu.memory_space<semaphore_mem>>) src(%dma_wait3A_119 : memref<10000x128xf32, #tpu.memory_space<hbm>>) dst(%dma_wait3A_113 : memref<128x128xf32, #tpu.memory_space<vmem>>)
    %dma_wait3A_120 = arith.constant 1 : i32
    %dma_wait3A_121 = arith.constant 0 : i32
    %dma_wait3A_122 = arith.constant 0 : i32
    %dma_wait3A_123 = tpu.memref_slice %arg12[%dma_wait3A_121, %dma_wait3A_122] : memref<128x128xf32, #tpu.memory_space<vmem>> -> memref<128x128xf32, #tpu.memory_space<vmem>>
    %dma_wait3A_124 = arith.constant 0 : i32
    %dma_wait3A_125 = tpu.memref_slice %arg9[%dma_wait3A_120, %dma_wait3A_124] : memref<40x128xi32, #tpu.memory_space<vmem>> -> memref<1x128xi32, #tpu.memory_space<vmem>>
    %dma_wait3A_126 = tpu.memref_squeeze %dma_wait3A_125 : memref<1x128xi32, #tpu.memory_space<vmem>> -> memref<128xi32, #tpu.memory_space<vmem>>
    %dma_wait3A_127 = arith.constant 0 : i32
    %dma_wait3A_128 = arith.constant 0 : i32
    %dma_wait3A_129 = tpu.memref_slice %arg2[%dma_wait3A_127, %dma_wait3A_128] : memref<10000x128xf32, #tpu.memory_space<hbm>> -> memref<10000x128xf32, #tpu.memory_space<hbm>>
    tpu.wait_indirect_dma semaphore(%arg15 : memref<!tpu.dma_semaphore, #tpu.memory_space<semaphore_mem>>) src(%dma_wait3A_129 : memref<10000x128xf32, #tpu.memory_space<hbm>>) dst(%dma_wait3A_123 : memref<128x128xf32, #tpu.memory_space<vmem>>)
    %scan3A_130 = arith.constant 0 : i32
    %scan3A_131 = arith.constant 38 : i32
    %scan3A_132 = arith.addi %scan3A_130, %scan3A_131 : i32
    %scan3A_133 = arith.constant 1 : i32
    scf.for %scan3A_140 = %scan3A_130 to %scan3A_132 step %scan3A_133  : i32 {
      %mul3A_141 = arith.constant 1 : i32
      %mul3A_142 = arith.muli %scan3A_140, %mul3A_141 : i32
      %add3A_143 = arith.constant 0 : i32
      %add3A_144 = arith.addi %add3A_143, %mul3A_142 : i32
      %dma_wait3A_145 = arith.constant 0 : i32
      %dma_wait3A_146 = arith.constant 0 : i32
      %dma_wait3A_147 = tpu.memref_slice %arg10[%dma_wait3A_145, %dma_wait3A_146] : memref<40x128xi32, #tpu.memory_space<vmem>> -> memref<1x128xi32, #tpu.memory_space<vmem>>
      %dma_wait3A_148 = tpu.memref_squeeze %dma_wait3A_147 : memref<1x128xi32, #tpu.memory_space<vmem>> -> memref<128xi32, #tpu.memory_space<vmem>>
      %dma_wait3A_149 = arith.constant 0 : i32
      %dma_wait3A_150 = tpu.memref_slice %arg19[%dma_wait3A_149] : memref<10240xf32, #tpu.memory_space<vmem_shared>> -> memref<10240xf32, #tpu.memory_space<vmem_shared>>
      tpu.wait_indirect_dma semaphore(%arg20 : memref<!tpu.dma_semaphore, #tpu.memory_space<semaphore_mem>>) src(%arg18 : memref<128xf32, #tpu.memory_space<vmem>>) dst(%dma_wait3A_150 : memref<10240xf32, #tpu.memory_space<vmem_shared>>)
    }
    %scan3A_134 = arith.constant 38 : i32
    %rem3A_135 = arith.constant 8 : i32
    %rem3A_136 = arith.remsi %add3A, %rem3A_135 : i32
    %eq3A = arith.constant 0 : i32
    %eq3A_137 = arith.cmpi eq, %rem3A_136, %eq3A : i32
    %convert_element_type3A = arith.extui %eq3A_137 : i1 to i32
    %cond3A = arith.constant 0 : i32
    %cond3A_138 = arith.cmpi ne, %convert_element_type3A, %cond3A : i32
    scf.if %cond3A_138 {
      %add3A_140 = arith.constant 78 : i32
      %add3A_141 = arith.addi %add3A_24, %add3A_140 : i32
      %run_scoped3A_142 = arith.constant 0 : i32
      %run_scoped3A_143 = arith.constant 0 : i32
      "tpu.region"() ({
        %run_scoped3A_168 = tpu.sem_alloc : memref<!tpu.dma_semaphore, #tpu.memory_space<semaphore_mem>>
        %dma_start3A_169 = arith.constant 0 : i32
        %dma_start3A_170 = tpu.memref_slice %arg9[%run_scoped3A_143, %dma_start3A_169] : memref<40x128xi32, #tpu.memory_space<vmem>> -> memref<1x128xi32, #tpu.memory_space<vmem>>
        %dma_start3A_171 = tpu.memref_squeeze %dma_start3A_170 : memref<1x128xi32, #tpu.memory_space<vmem>> -> memref<128xi32, #tpu.memory_space<vmem>>
        %dma_start3A_172 = arith.constant 0 : i32
        %dma_start3A_173 = tpu.memref_slice %arg6[%run_scoped3A_142, %add3A_141, %dma_start3A_172] : memref<2x2500x128xi32, #tpu.memory_space<hbm>> -> memref<1x1x128xi32, #tpu.memory_space<hbm>>
        %dma_start3A_174 = tpu.memref_squeeze %dma_start3A_173 : memref<1x1x128xi32, #tpu.memory_space<hbm>> -> memref<128xi32, #tpu.memory_space<hbm>>
        %dma_start3A_175 = arith.constant 0 : i32
        %dma_start3A_176 = tpu.memref_slice %arg9[%run_scoped3A_143, %dma_start3A_175] : memref<40x128xi32, #tpu.memory_space<vmem>> -> memref<1x128xi32, #tpu.memory_space<vmem>>
        %dma_start3A_177 = tpu.memref_squeeze %dma_start3A_176 : memref<1x128xi32, #tpu.memory_space<vmem>> -> memref<128xi32, #tpu.memory_space<vmem>>
        %dma_start3A_178 = arith.constant 0 : i32
        %dma_start3A_179 = tpu.memref_slice %arg6[%run_scoped3A_142, %add3A_141, %dma_start3A_178] : memref<2x2500x128xi32, #tpu.memory_space<hbm>> -> memref<1x1x128xi32, #tpu.memory_space<hbm>>
        %dma_start3A_180 = tpu.memref_squeeze %dma_start3A_179 : memref<1x1x128xi32, #tpu.memory_space<hbm>> -> memref<128xi32, #tpu.memory_space<hbm>>
        tpu.enqueue_dma source(%dma_start3A_180 : memref<128xi32, #tpu.memory_space<hbm>>) target(%dma_start3A_177 : memref<128xi32, #tpu.memory_space<vmem>>) target_semaphore(%run_scoped3A_168 : memref<!tpu.dma_semaphore, #tpu.memory_space<semaphore_mem>>)
        %dma_wait3A_181 = arith.constant 0 : i32
        %dma_wait3A_182 = tpu.memref_slice %arg9[%run_scoped3A_143, %dma_wait3A_181] : memref<40x128xi32, #tpu.memory_space<vmem>> -> memref<1x128xi32, #tpu.memory_space<vmem>>
        %dma_wait3A_183 = tpu.memref_squeeze %dma_wait3A_182 : memref<1x128xi32, #tpu.memory_space<vmem>> -> memref<128xi32, #tpu.memory_space<vmem>>
        %dma_wait3A_184 = arith.constant 0 : i32
        %dma_wait3A_185 = tpu.memref_slice %arg6[%run_scoped3A_142, %add3A_141, %dma_wait3A_184] : memref<2x2500x128xi32, #tpu.memory_space<hbm>> -> memref<1x1x128xi32, #tpu.memory_space<hbm>>
        %dma_wait3A_186 = tpu.memref_squeeze %dma_wait3A_185 : memref<1x1x128xi32, #tpu.memory_space<hbm>> -> memref<128xi32, #tpu.memory_space<hbm>>
        %dma_wait3A_187 = arith.constant 0 : i32
        %dma_wait3A_188 = tpu.memref_slice %arg9[%run_scoped3A_143, %dma_wait3A_187] : memref<40x128xi32, #tpu.memory_space<vmem>> -> memref<1x128xi32, #tpu.memory_space<vmem>>
        %dma_wait3A_189 = tpu.memref_squeeze %dma_wait3A_188 : memref<1x128xi32, #tpu.memory_space<vmem>> -> memref<128xi32, #tpu.memory_space<vmem>>
        %dma_wait3A_190 = arith.constant 0 : i32
        %dma_wait3A_191 = tpu.memref_slice %arg6[%run_scoped3A_142, %add3A_141, %dma_wait3A_190] : memref<2x2500x128xi32, #tpu.memory_space<hbm>> -> memref<1x1x128xi32, #tpu.memory_space<hbm>>
        %dma_wait3A_192 = tpu.memref_squeeze %dma_wait3A_191 : memref<1x1x128xi32, #tpu.memory_space<hbm>> -> memref<128xi32, #tpu.memory_space<hbm>>
        tpu.wait_dma2 semaphore(%run_scoped3A_168 : memref<!tpu.dma_semaphore, #tpu.memory_space<semaphore_mem>>) src(%dma_wait3A_192 : memref<128xi32, #tpu.memory_space<hbm>>) dst(%dma_wait3A_189 : memref<128xi32, #tpu.memory_space<vmem>>)
        tpu.yield
      }) : () -> ()
      %run_scoped3A_144 = arith.constant 1 : i32
      %run_scoped3A_145 = arith.constant 0 : i32
      "tpu.region"() ({
        %run_scoped3A_168 = tpu.sem_alloc : memref<!tpu.dma_semaphore, #tpu.memory_space<semaphore_mem>>
        %dma_start3A_169 = arith.constant 0 : i32
        %dma_start3A_170 = tpu.memref_slice %arg10[%run_scoped3A_145, %dma_start3A_169] : memref<40x128xi32, #tpu.memory_space<vmem>> -> memref<1x128xi32, #tpu.memory_space<vmem>>
        %dma_start3A_171 = tpu.memref_squeeze %dma_start3A_170 : memref<1x128xi32, #tpu.memory_space<vmem>> -> memref<128xi32, #tpu.memory_space<vmem>>
        %dma_start3A_172 = arith.constant 0 : i32
        %dma_start3A_173 = tpu.memref_slice %arg6[%run_scoped3A_144, %add3A_141, %dma_start3A_172] : memref<2x2500x128xi32, #tpu.memory_space<hbm>> -> memref<1x1x128xi32, #tpu.memory_space<hbm>>
        %dma_start3A_174 = tpu.memref_squeeze %dma_start3A_173 : memref<1x1x128xi32, #tpu.memory_space<hbm>> -> memref<128xi32, #tpu.memory_space<hbm>>
        %dma_start3A_175 = arith.constant 0 : i32
        %dma_start3A_176 = tpu.memref_slice %arg10[%run_scoped3A_145, %dma_start3A_175] : memref<40x128xi32, #tpu.memory_space<vmem>> -> memref<1x128xi32, #tpu.memory_space<vmem>>
        %dma_start3A_177 = tpu.memref_squeeze %dma_start3A_176 : memref<1x128xi32, #tpu.memory_space<vmem>> -> memref<128xi32, #tpu.memory_space<vmem>>
        %dma_start3A_178 = arith.constant 0 : i32
        %dma_start3A_179 = tpu.memref_slice %arg6[%run_scoped3A_144, %add3A_141, %dma_start3A_178] : memref<2x2500x128xi32, #tpu.memory_space<hbm>> -> memref<1x1x128xi32, #tpu.memory_space<hbm>>
        %dma_start3A_180 = tpu.memref_squeeze %dma_start3A_179 : memref<1x1x128xi32, #tpu.memory_space<hbm>> -> memref<128xi32, #tpu.memory_space<hbm>>
        tpu.enqueue_dma source(%dma_start3A_180 : memref<128xi32, #tpu.memory_space<hbm>>) target(%dma_start3A_177 : memref<128xi32, #tpu.memory_space<vmem>>) target_semaphore(%run_scoped3A_168 : memref<!tpu.dma_semaphore, #tpu.memory_space<semaphore_mem>>)
        %dma_wait3A_181 = arith.constant 0 : i32
        %dma_wait3A_182 = tpu.memref_slice %arg10[%run_scoped3A_145, %dma_wait3A_181] : memref<40x128xi32, #tpu.memory_space<vmem>> -> memref<1x128xi32, #tpu.memory_space<vmem>>
        %dma_wait3A_183 = tpu.memref_squeeze %dma_wait3A_182 : memref<1x128xi32, #tpu.memory_space<vmem>> -> memref<128xi32, #tpu.memory_space<vmem>>
        %dma_wait3A_184 = arith.constant 0 : i32
        %dma_wait3A_185 = tpu.memref_slice %arg6[%run_scoped3A_144, %add3A_141, %dma_wait3A_184] : memref<2x2500x128xi32, #tpu.memory_space<hbm>> -> memref<1x1x128xi32, #tpu.memory_space<hbm>>
        %dma_wait3A_186 = tpu.memref_squeeze %dma_wait3A_185 : memref<1x1x128xi32, #tpu.memory_space<hbm>> -> memref<128xi32, #tpu.memory_space<hbm>>
        %dma_wait3A_187 = arith.constant 0 : i32
        %dma_wait3A_188 = tpu.memref_slice %arg10[%run_scoped3A_145, %dma_wait3A_187] : memref<40x128xi32, #tpu.memory_space<vmem>> -> memref<1x128xi32, #tpu.memory_space<vmem>>
        %dma_wait3A_189 = tpu.memref_squeeze %dma_wait3A_188 : memref<1x128xi32, #tpu.memory_space<vmem>> -> memref<128xi32, #tpu.memory_space<vmem>>
        %dma_wait3A_190 = arith.constant 0 : i32
        %dma_wait3A_191 = tpu.memref_slice %arg6[%run_scoped3A_144, %add3A_141, %dma_wait3A_190] : memref<2x2500x128xi32, #tpu.memory_space<hbm>> -> memref<1x1x128xi32, #tpu.memory_space<hbm>>
        %dma_wait3A_192 = tpu.memref_squeeze %dma_wait3A_191 : memref<1x1x128xi32, #tpu.memory_space<hbm>> -> memref<128xi32, #tpu.memory_space<hbm>>
        tpu.wait_dma2 semaphore(%run_scoped3A_168 : memref<!tpu.dma_semaphore, #tpu.memory_space<semaphore_mem>>) src(%dma_wait3A_192 : memref<128xi32, #tpu.memory_space<hbm>>) dst(%dma_wait3A_189 : memref<128xi32, #tpu.memory_space<vmem>>)
        tpu.yield
      }) : () -> ()
      %dma_start3A_146 = arith.constant 0 : i32
      %dma_start3A_147 = arith.constant 0 : i32
      %dma_start3A_148 = arith.constant 0 : i32
      %dma_start3A_149 = tpu.memref_slice %arg11[%dma_start3A_147, %dma_start3A_148] : memref<128x128xf32, #tpu.memory_space<vmem>> -> memref<128x128xf32, #tpu.memory_space<vmem>>
      %dma_start3A_150 = arith.constant 0 : i32
      %dma_start3A_151 = tpu.memref_slice %arg9[%dma_start3A_146, %dma_start3A_150] : memref<40x128xi32, #tpu.memory_space<vmem>> -> memref<1x128xi32, #tpu.memory_space<vmem>>
      %dma_start3A_152 = tpu.memref_squeeze %dma_start3A_151 : memref<1x128xi32, #tpu.memory_space<vmem>> -> memref<128xi32, #tpu.memory_space<vmem>>
      %dma_start3A_153 = arith.constant 0 : i32
      %dma_start3A_154 = arith.constant 0 : i32
      %dma_start3A_155 = tpu.memref_slice %arg2[%dma_start3A_153, %dma_start3A_154] : memref<10000x128xf32, #tpu.memory_space<hbm>> -> memref<10000x128xf32, #tpu.memory_space<hbm>>
      tpu.enqueue_indirect_dma source(%dma_start3A_155 : memref<10000x128xf32, #tpu.memory_space<hbm>>) target(%dma_start3A_149 : memref<128x128xf32, #tpu.memory_space<vmem>>) offsets(%dma_start3A_152 : memref<128xi32, #tpu.memory_space<vmem>>) semaphore(%arg14 : memref<!tpu.dma_semaphore, #tpu.memory_space<semaphore_mem>>)
      %dma_wait3A_156 = arith.constant 0 : i32
      %dma_wait3A_157 = arith.constant 0 : i32
      %dma_wait3A_158 = arith.constant 0 : i32
      %dma_wait3A_159 = tpu.memref_slice %arg11[%dma_wait3A_157, %dma_wait3A_158] : memref<128x128xf32, #tpu.memory_space<vmem>> -> memref<128x128xf32, #tpu.memory_space<vmem>>
      %dma_wait3A_160 = arith.constant 0 : i32
      %dma_wait3A_161 = tpu.memref_slice %arg9[%dma_wait3A_156, %dma_wait3A_160] : memref<40x128xi32, #tpu.memory_space<vmem>> -> memref<1x128xi32, #tpu.memory_space<vmem>>
      %dma_wait3A_162 = tpu.memref_squeeze %dma_wait3A_161 : memref<1x128xi32, #tpu.memory_space<vmem>> -> memref<128xi32, #tpu.memory_space<vmem>>
      %dma_wait3A_163 = arith.constant 0 : i32
      %dma_wait3A_164 = arith.constant 0 : i32
      %dma_wait3A_165 = tpu.memref_slice %arg2[%dma_wait3A_163, %dma_wait3A_164] : memref<10000x128xf32, #tpu.memory_space<hbm>> -> memref<10000x128xf32, #tpu.memory_space<hbm>>
      tpu.wait_indirect_dma semaphore(%arg14 : memref<!tpu.dma_semaphore, #tpu.memory_space<semaphore_mem>>) src(%dma_wait3A_165 : memref<10000x128xf32, #tpu.memory_space<hbm>>) dst(%dma_wait3A_159 : memref<128x128xf32, #tpu.memory_space<vmem>>)
      %run_scoped3A_166 = arith.constant 0 : i32
      "tpu.region"() ({
        %run_scoped3A_168 = tpu.sem_alloc : memref<!tpu.dma_semaphore, #tpu.memory_space<semaphore_mem>>
        %dma_start3A_169 = arith.constant 0 : i32
        %dma_start3A_170 = arith.constant 0 : i32
        %dma_start3A_171 = tpu.memref_slice %arg11[%dma_start3A_169, %dma_start3A_170] : memref<128x128xf32, #tpu.memory_space<vmem>> -> memref<128x128xf32, #tpu.memory_space<vmem>>
        %dma_start3A_172 = arith.constant 0 : i32
        %dma_start3A_173 = tpu.memref_slice %arg10[%run_scoped3A_166, %dma_start3A_172] : memref<40x128xi32, #tpu.memory_space<vmem>> -> memref<1x128xi32, #tpu.memory_space<vmem>>
        %dma_start3A_174 = tpu.memref_squeeze %dma_start3A_173 : memref<1x128xi32, #tpu.memory_space<vmem>> -> memref<128xi32, #tpu.memory_space<vmem>>
        %dma_start3A_175 = arith.constant 0 : i32
        %dma_start3A_176 = arith.constant 0 : i32
        %dma_start3A_177 = tpu.memref_slice %arg13[%dma_start3A_175, %dma_start3A_176] : memref<10240x128xf32, #tpu.memory_space<vmem_shared>> -> memref<10240x128xf32, #tpu.memory_space<vmem_shared>>
        tpu.enqueue_indirect_dma source(%dma_start3A_171 : memref<128x128xf32, #tpu.memory_space<vmem>>) target(%dma_start3A_177 : memref<10240x128xf32, #tpu.memory_space<vmem_shared>>) offsets(%dma_start3A_174 : memref<128xi32, #tpu.memory_space<vmem>>) semaphore(%run_scoped3A_168 : memref<!tpu.dma_semaphore, #tpu.memory_space<semaphore_mem>>) {add = true}
        %dma_wait3A_178 = arith.constant 0 : i32
        %dma_wait3A_179 = arith.constant 0 : i32
        %dma_wait3A_180 = tpu.memref_slice %arg11[%dma_wait3A_178, %dma_wait3A_179] : memref<128x128xf32, #tpu.memory_space<vmem>> -> memref<128x128xf32, #tpu.memory_space<vmem>>
        %dma_wait3A_181 = arith.constant 0 : i32
        %dma_wait3A_182 = tpu.memref_slice %arg10[%run_scoped3A_166, %dma_wait3A_181] : memref<40x128xi32, #tpu.memory_space<vmem>> -> memref<1x128xi32, #tpu.memory_space<vmem>>
        %dma_wait3A_183 = tpu.memref_squeeze %dma_wait3A_182 : memref<1x128xi32, #tpu.memory_space<vmem>> -> memref<128xi32, #tpu.memory_space<vmem>>
        %dma_wait3A_184 = arith.constant 0 : i32
        %dma_wait3A_185 = arith.constant 0 : i32
        %dma_wait3A_186 = tpu.memref_slice %arg13[%dma_wait3A_184, %dma_wait3A_185] : memref<10240x128xf32, #tpu.memory_space<vmem_shared>> -> memref<10240x128xf32, #tpu.memory_space<vmem_shared>>
        tpu.wait_indirect_dma semaphore(%run_scoped3A_168 : memref<!tpu.dma_semaphore, #tpu.memory_space<semaphore_mem>>) src(%dma_wait3A_180 : memref<128x128xf32, #tpu.memory_space<vmem>>) dst(%dma_wait3A_186 : memref<10240x128xf32, #tpu.memory_space<vmem_shared>>)
        tpu.yield
      }) : () -> ()
      %run_scoped3A_167 = arith.constant 0 : i32
      "tpu.region"() ({
        %run_scoped3A_168 = tpu.sem_alloc : memref<!tpu.dma_semaphore, #tpu.memory_space<semaphore_mem>>
        %dma_start3A_169 = arith.constant 0 : i32
        %dma_start3A_170 = tpu.memref_slice %arg10[%run_scoped3A_167, %dma_start3A_169] : memref<40x128xi32, #tpu.memory_space<vmem>> -> memref<1x128xi32, #tpu.memory_space<vmem>>
        %dma_start3A_171 = tpu.memref_squeeze %dma_start3A_170 : memref<1x128xi32, #tpu.memory_space<vmem>> -> memref<128xi32, #tpu.memory_space<vmem>>
        %dma_start3A_172 = arith.constant 0 : i32
        %dma_start3A_173 = tpu.memref_slice %arg19[%dma_start3A_172] : memref<10240xf32, #tpu.memory_space<vmem_shared>> -> memref<10240xf32, #tpu.memory_space<vmem_shared>>
        tpu.enqueue_indirect_dma source(%arg18 : memref<128xf32, #tpu.memory_space<vmem>>) target(%dma_start3A_173 : memref<10240xf32, #tpu.memory_space<vmem_shared>>) offsets(%dma_start3A_171 : memref<128xi32, #tpu.memory_space<vmem>>) semaphore(%run_scoped3A_168 : memref<!tpu.dma_semaphore, #tpu.memory_space<semaphore_mem>>) {add = true}
        %dma_wait3A_174 = arith.constant 0 : i32
        %dma_wait3A_175 = tpu.memref_slice %arg10[%run_scoped3A_167, %dma_wait3A_174] : memref<40x128xi32, #tpu.memory_space<vmem>> -> memref<1x128xi32, #tpu.memory_space<vmem>>
        %dma_wait3A_176 = tpu.memref_squeeze %dma_wait3A_175 : memref<1x128xi32, #tpu.memory_space<vmem>> -> memref<128xi32, #tpu.memory_space<vmem>>
        %dma_wait3A_177 = arith.constant 0 : i32
        %dma_wait3A_178 = tpu.memref_slice %arg19[%dma_wait3A_177] : memref<10240xf32, #tpu.memory_space<vmem_shared>> -> memref<10240xf32, #tpu.memory_space<vmem_shared>>
        tpu.wait_indirect_dma semaphore(%run_scoped3A_168 : memref<!tpu.dma_semaphore, #tpu.memory_space<semaphore_mem>>) src(%arg18 : memref<128xf32, #tpu.memory_space<vmem>>) dst(%dma_wait3A_178 : memref<10240xf32, #tpu.memory_space<vmem_shared>>)
        tpu.yield
      }) : () -> ()
    } else {
    }
    %barrier3A_139 = arith.constant 0 : index
    tpu.barrier barrier_id(%barrier3A_139)
    "tpu.region"() ({
      %run_scoped3A_140 = tpu.sem_alloc : memref<!tpu.dma_semaphore, #tpu.memory_space<semaphore_mem>>
      %dma_start3A_141 = arith.constant 0 : i32
      %dma_start3A_142 = tpu.memref_slice %arg7[%arg0, %mul3A_26, %dma_start3A_141] : memref<2x10240x128xf32, #tpu.memory_space<hbm>> -> memref<1x640x128xf32, #tpu.memory_space<hbm>>
      %dma_start3A_143 = tpu.memref_squeeze %dma_start3A_142 : memref<1x640x128xf32, #tpu.memory_space<hbm>> -> memref<640x128xf32, #tpu.memory_space<hbm>>
      %dma_start3A_144 = arith.constant 0 : i32
      %dma_start3A_145 = tpu.memref_slice %arg13[%mul3A_26, %dma_start3A_144] : memref<10240x128xf32, #tpu.memory_space<vmem_shared>> -> memref<640x128xf32, #tpu.memory_space<vmem_shared>>
      tpu.enqueue_dma source(%dma_start3A_145 : memref<640x128xf32, #tpu.memory_space<vmem_shared>>) target(%dma_start3A_143 : memref<640x128xf32, #tpu.memory_space<hbm>>) target_semaphore(%run_scoped3A_140 : memref<!tpu.dma_semaphore, #tpu.memory_space<semaphore_mem>>)
      %dma_wait3A_146 = arith.constant 0 : i32
      %dma_wait3A_147 = tpu.memref_slice %arg7[%arg0, %mul3A_26, %dma_wait3A_146] : memref<2x10240x128xf32, #tpu.memory_space<hbm>> -> memref<1x640x128xf32, #tpu.memory_space<hbm>>
      %dma_wait3A_148 = tpu.memref_squeeze %dma_wait3A_147 : memref<1x640x128xf32, #tpu.memory_space<hbm>> -> memref<640x128xf32, #tpu.memory_space<hbm>>
      %dma_wait3A_149 = arith.constant 0 : i32
      %dma_wait3A_150 = tpu.memref_slice %arg13[%mul3A_26, %dma_wait3A_149] : memref<10240x128xf32, #tpu.memory_space<vmem_shared>> -> memref<640x128xf32, #tpu.memory_space<vmem_shared>>
      tpu.wait_dma2 semaphore(%run_scoped3A_140 : memref<!tpu.dma_semaphore, #tpu.memory_space<semaphore_mem>>) src(%dma_wait3A_150 : memref<640x128xf32, #tpu.memory_space<vmem_shared>>) dst(%dma_wait3A_148 : memref<640x128xf32, #tpu.memory_space<hbm>>)
      tpu.yield
    }) : () -> ()
    "tpu.region"() ({
      %run_scoped3A_140 = tpu.sem_alloc : memref<!tpu.dma_semaphore, #tpu.memory_space<semaphore_mem>>
      %dma_start3A_141 = tpu.memref_slice %arg8[%arg0, %mul3A_26] : memref<2x10240xf32, #tpu.memory_space<hbm>> -> memref<1x640xf32, #tpu.memory_space<hbm>>
      %dma_start3A_142 = tpu.memref_squeeze %dma_start3A_141 : memref<1x640xf32, #tpu.memory_space<hbm>> -> memref<640xf32, #tpu.memory_space<hbm>>
      %dma_start3A_143 = tpu.memref_slice %arg19[%mul3A_26] : memref<10240xf32, #tpu.memory_space<vmem_shared>> -> memref<640xf32, #tpu.memory_space<vmem_shared>>
      tpu.enqueue_dma source(%dma_start3A_143 : memref<640xf32, #tpu.memory_space<vmem_shared>>) target(%dma_start3A_142 : memref<640xf32, #tpu.memory_space<hbm>>) target_semaphore(%run_scoped3A_140 : memref<!tpu.dma_semaphore, #tpu.memory_space<semaphore_mem>>)
      %dma_wait3A_144 = tpu.memref_slice %arg8[%arg0, %mul3A_26] : memref<2x10240xf32, #tpu.memory_space<hbm>> -> memref<1x640xf32, #tpu.memory_space<hbm>>
      %dma_wait3A_145 = tpu.memref_squeeze %dma_wait3A_144 : memref<1x640xf32, #tpu.memory_space<hbm>> -> memref<640xf32, #tpu.memory_space<hbm>>
      %dma_wait3A_146 = tpu.memref_slice %arg19[%mul3A_26] : memref<10240xf32, #tpu.memory_space<vmem_shared>> -> memref<640xf32, #tpu.memory_space<vmem_shared>>
      tpu.wait_dma2 semaphore(%run_scoped3A_140 : memref<!tpu.dma_semaphore, #tpu.memory_space<semaphore_mem>>) src(%dma_wait3A_146 : memref<640xf32, #tpu.memory_space<vmem_shared>>) dst(%dma_wait3A_145 : memref<640xf32, #tpu.memory_space<hbm>>)
      tpu.yield
    }) : () -> ()
    return
  }
}

module attributes {stable_mosaic.version = 14 : i64} {
  func.func @_tc1_body(%arg0: i32, %arg1: memref<5000x128xf32, #tpu.memory_space<vmem>>, %arg2: memref<2x5000x128xf32, #tpu.memory_space<vmem>>, %arg3: memref<2x5000x1xf32, #tpu.memory_space<vmem>>, %arg4: memref<128x128xf32, #tpu.memory_space<vmem>>, %arg5: memref<128x128xf32, #tpu.memory_space<vmem>>, %arg6: memref<1x128xf32, #tpu.memory_space<vmem>>, %arg7: memref<128x48xf32, #tpu.memory_space<vmem>>, %arg8: memref<5000x128xf32, #tpu.memory_space<vmem>>, %arg9: memref<5000x48xf32, #tpu.memory_space<vmem>>) attributes {dimension_semantics = [#tpu.dimension_semantics<arbitrary>], iteration_bounds = array<i64: 2>, scalar_prefetch = 0 : i64, scratch_operands = 0 : i64, tpu.core_type = #tpu.core_type<tc>, window_params = [{transform_indices = @transform_0, window_bounds = array<i64: 5000, 128>}, {transform_indices = @transform_1, window_bounds = array<i64: 2, 5000, 128>}, {transform_indices = @transform_2, window_bounds = array<i64: 2, 5000, 1>}, {pipeline_mode = #tpu.pipeline_mode<synchronous>, transform_indices = @transform_3, window_bounds = array<i64: 128, 128>}, {pipeline_mode = #tpu.pipeline_mode<synchronous>, transform_indices = @transform_4, window_bounds = array<i64: 128, 128>}, {pipeline_mode = #tpu.pipeline_mode<synchronous>, transform_indices = @transform_5, window_bounds = array<i64: 1, 128>}, {pipeline_mode = #tpu.pipeline_mode<synchronous>, transform_indices = @transform_6, window_bounds = array<i64: 128, 48>}, {transform_indices = @transform_7, window_bounds = array<i64: 5000, 128>}, {transform_indices = @transform_8, window_bounds = array<i64: 5000, 48>}]} {
    %get3A = arith.constant 0 : index
    %get3A_0 = arith.constant 0 : index
    %get3A_1 = arith.constant 0 : index
    %get3A_2 = vector.load %arg3[%get3A, %get3A_0, %get3A_1] : memref<2x5000x1xf32, #tpu.memory_space<vmem>>, vector<1x5000x1xf32>
    %get3A_3 = vector.shape_cast %get3A_2 : vector<1x5000x1xf32> to vector<5000xf32>
    %get3A_4 = arith.constant 1 : index
    %get3A_5 = arith.constant 0 : index
    %get3A_6 = arith.constant 0 : index
    %get3A_7 = vector.load %arg3[%get3A_4, %get3A_5, %get3A_6] : memref<2x5000x1xf32, #tpu.memory_space<vmem>>, vector<1x5000x1xf32>
    %get3A_8 = vector.shape_cast %get3A_7 : vector<1x5000x1xf32> to vector<5000xf32>
    %add3A = arith.addf %get3A_3, %get3A_8 : vector<5000xf32>
    %max3A = arith.constant 1.000000e+00 : f32
    %max3A_9 = vector.broadcast %max3A : f32 to vector<5000xf32>
    %max3A_10 = arith.maximumf %add3A, %max3A_9 : vector<5000xf32>
    %get3A_11 = arith.constant 0 : index
    %get3A_12 = arith.constant 0 : index
    %get3A_13 = arith.constant 0 : index
    %get3A_14 = vector.load %arg2[%get3A_11, %get3A_12, %get3A_13] : memref<2x5000x128xf32, #tpu.memory_space<vmem>>, vector<1x5000x128xf32>
    %get3A_15 = vector.shape_cast %get3A_14 : vector<1x5000x128xf32> to vector<5000x128xf32>
    %get3A_16 = arith.constant 1 : index
    %get3A_17 = arith.constant 0 : index
    %get3A_18 = arith.constant 0 : index
    %get3A_19 = vector.load %arg2[%get3A_16, %get3A_17, %get3A_18] : memref<2x5000x128xf32, #tpu.memory_space<vmem>>, vector<1x5000x128xf32>
    %get3A_20 = vector.shape_cast %get3A_19 : vector<1x5000x128xf32> to vector<5000x128xf32>
    %add3A_21 = arith.addf %get3A_15, %get3A_20 : vector<5000x128xf32>
    %broadcast_in_dim3A = vector.shape_cast %max3A_10 : vector<5000xf32> to vector<5000x1xf32>
    %div3A = vector.broadcast %broadcast_in_dim3A : vector<5000x1xf32> to vector<5000x128xf32>
    %div3A_22 = arith.divf %add3A_21, %div3A : vector<5000x128xf32>
    %get3A_23 = arith.constant 0 : index
    %get3A_24 = arith.constant 0 : index
    %get3A_25 = vector.load %arg1[%get3A_23, %get3A_24] : memref<5000x128xf32, #tpu.memory_space<vmem>>, vector<5000x128xf32>
    %get3A_26 = arith.constant 0 : index
    %get3A_27 = arith.constant 0 : index
    %get3A_28 = vector.load %arg4[%get3A_26, %get3A_27] : memref<128x128xf32, #tpu.memory_space<vmem>>, vector<128x128xf32>
    %dot_general3A = arith.constant dense<0.000000e+00> : vector<5000x128xf32>
    %dot_general3A_29 = tpu.matmul %get3A_25, %get3A_28, %dot_general3A {dimension_numbers = #tpu.dot_dimension_numbers<[1], [0], [0], [1], [0, 0, 1, 1], [], []>, transpose_lhs_hint = false} : vector<5000x128xf32>, vector<128x128xf32>, vector<5000x128xf32> -> vector<5000x128xf32>
    %get3A_30 = arith.constant 0 : index
    %get3A_31 = arith.constant 0 : index
    %get3A_32 = vector.load %arg5[%get3A_30, %get3A_31] : memref<128x128xf32, #tpu.memory_space<vmem>>, vector<128x128xf32>
    %dot_general3A_33 = arith.constant dense<0.000000e+00> : vector<5000x128xf32>
    %dot_general3A_34 = tpu.matmul %div3A_22, %get3A_32, %dot_general3A_33 {dimension_numbers = #tpu.dot_dimension_numbers<[1], [0], [0], [1], [0, 0, 1, 1], [], []>, transpose_lhs_hint = false} : vector<5000x128xf32>, vector<128x128xf32>, vector<5000x128xf32> -> vector<5000x128xf32>
    %add3A_35 = arith.addf %dot_general3A_29, %dot_general3A_34 : vector<5000x128xf32>
    %get3A_36 = arith.constant 0 : index
    %get3A_37 = arith.constant 0 : index
    %get3A_38 = vector.load %arg6[%get3A_36, %get3A_37] : memref<1x128xf32, #tpu.memory_space<vmem>>, vector<1x128xf32>
    %add3A_39 = vector.broadcast %get3A_38 : vector<1x128xf32> to vector<5000x128xf32>
    %add3A_40 = arith.addf %add3A_35, %add3A_39 : vector<5000x128xf32>
    %max3A_41 = arith.constant 0.000000e+00 : f32
    %max3A_42 = vector.broadcast %max3A_41 : f32 to vector<5000x128xf32>
    %max3A_43 = arith.maximumf %add3A_40, %max3A_42 : vector<5000x128xf32>
    %swap3A = arith.constant 0 : index
    %swap3A_44 = arith.constant 0 : index
    %swap3A_45 = vector.load %arg8[%swap3A, %swap3A_44] : memref<5000x128xf32, #tpu.memory_space<vmem>>, vector<5000x128xf32>
    tpu.vector_store %arg8[%swap3A, %swap3A_44], %max3A_43 {strides = array<i32>} : memref<5000x128xf32, #tpu.memory_space<vmem>>, vector<5000x128xf32>,
    %get3A_46 = arith.constant 0 : index
    %get3A_47 = arith.constant 0 : index
    %get3A_48 = vector.load %arg7[%get3A_46, %get3A_47] : memref<128x48xf32, #tpu.memory_space<vmem>>, vector<128x48xf32>
    %dot_general3A_49 = arith.constant dense<0.000000e+00> : vector<5000x48xf32>
    %dot_general3A_50 = tpu.matmul %max3A_43, %get3A_48, %dot_general3A_49 {dimension_numbers = #tpu.dot_dimension_numbers<[1], [0], [0], [1], [0, 0, 1, 1], [], []>, transpose_lhs_hint = false} : vector<5000x128xf32>, vector<128x48xf32>, vector<5000x48xf32> -> vector<5000x48xf32>
    %swap3A_51 = arith.constant 0 : index
    %swap3A_52 = arith.constant 0 : index
    %swap3A_53 = vector.load %arg9[%swap3A_51, %swap3A_52] : memref<5000x48xf32, #tpu.memory_space<vmem>>, vector<5000x48xf32>
    tpu.vector_store %arg9[%swap3A_51, %swap3A_52], %dot_general3A_50 {strides = array<i32>} : memref<5000x48xf32, #tpu.memory_space<vmem>>, vector<5000x48xf32>,
    return
  }
  func.func @transform_0(%arg0: i32) -> (i32, i32) {
    %c0_i32 = arith.constant 0 : i32
    %c0_i32_0 = arith.constant 0 : i32
    return %arg0, %c0_i32 : i32, i32
  }
  func.func @transform_1(%arg0: i32) -> (i32, i32, i32) {
    %c0_i32 = arith.constant 0 : i32
    %c0_i32_0 = arith.constant 0 : i32
    %c0_i32_1 = arith.constant 0 : i32
    return %c0_i32, %arg0, %c0_i32_0 : i32, i32, i32
  }
  func.func @transform_2(%arg0: i32) -> (i32, i32, i32) {
    %c0_i32 = arith.constant 0 : i32
    %c0_i32_0 = arith.constant 0 : i32
    %c0_i32_1 = arith.constant 0 : i32
    return %c0_i32, %arg0, %c0_i32_0 : i32, i32, i32
  }
  func.func @transform_3(%arg0: i32) -> (i32, i32) {
    %c0_i32 = arith.constant 0 : i32
    %c0_i32_0 = arith.constant 0 : i32
    %c0_i32_1 = arith.constant 0 : i32
    return %c0_i32, %c0_i32_0 : i32, i32
  }
  func.func @transform_4(%arg0: i32) -> (i32, i32) {
    %c0_i32 = arith.constant 0 : i32
    %c0_i32_0 = arith.constant 0 : i32
    %c0_i32_1 = arith.constant 0 : i32
    return %c0_i32, %c0_i32_0 : i32, i32
  }
  func.func @transform_5(%arg0: i32) -> (i32, i32) {
    %c0_i32 = arith.constant 0 : i32
    %c0_i32_0 = arith.constant 0 : i32
    %c0_i32_1 = arith.constant 0 : i32
    return %c0_i32, %c0_i32_0 : i32, i32
  }
  func.func @transform_6(%arg0: i32) -> (i32, i32) {
    %c0_i32 = arith.constant 0 : i32
    %c0_i32_0 = arith.constant 0 : i32
    %c0_i32_1 = arith.constant 0 : i32
    return %c0_i32, %c0_i32_0 : i32, i32
  }
  func.func @transform_7(%arg0: i32) -> (i32, i32) {
    %c0_i32 = arith.constant 0 : i32
    %c0_i32_0 = arith.constant 0 : i32
    return %arg0, %c0_i32 : i32, i32
  }
  func.func @transform_8(%arg0: i32) -> (i32, i32) {
    %c0_i32 = arith.constant 0 : i32
    %c0_i32_0 = arith.constant 0 : i32
    return %arg0, %c0_i32 : i32, i32
  }
}

module attributes {stable_mosaic.version = 14 : i64} {
  func.func @_tc2_body(%arg0: i32, %arg1: memref<5000x128xf32, #tpu.memory_space<vmem>>, %arg2: memref<2x5000x48xf32, #tpu.memory_space<vmem>>, %arg3: memref<2x5000x1xf32, #tpu.memory_space<vmem>>, %arg4: memref<128x48xf32, #tpu.memory_space<vmem>>, %arg5: memref<1x48xf32, #tpu.memory_space<vmem>>, %arg6: memref<5000x48xf32, #tpu.memory_space<vmem>>) attributes {dimension_semantics = [#tpu.dimension_semantics<arbitrary>], iteration_bounds = array<i64: 2>, scalar_prefetch = 0 : i64, scratch_operands = 0 : i64, tpu.core_type = #tpu.core_type<tc>, window_params = [{transform_indices = @transform_0, window_bounds = array<i64: 5000, 128>}, {transform_indices = @transform_1, window_bounds = array<i64: 2, 5000, 48>}, {transform_indices = @transform_2, window_bounds = array<i64: 2, 5000, 1>}, {pipeline_mode = #tpu.pipeline_mode<synchronous>, transform_indices = @transform_3, window_bounds = array<i64: 128, 48>}, {pipeline_mode = #tpu.pipeline_mode<synchronous>, transform_indices = @transform_4, window_bounds = array<i64: 1, 48>}, {transform_indices = @transform_5, window_bounds = array<i64: 5000, 48>}]} {
    %get3A = arith.constant 0 : index
    %get3A_0 = arith.constant 0 : index
    %get3A_1 = arith.constant 0 : index
    %get3A_2 = vector.load %arg3[%get3A, %get3A_0, %get3A_1] : memref<2x5000x1xf32, #tpu.memory_space<vmem>>, vector<1x5000x1xf32>
    %get3A_3 = vector.shape_cast %get3A_2 : vector<1x5000x1xf32> to vector<5000xf32>
    %get3A_4 = arith.constant 1 : index
    %get3A_5 = arith.constant 0 : index
    %get3A_6 = arith.constant 0 : index
    %get3A_7 = vector.load %arg3[%get3A_4, %get3A_5, %get3A_6] : memref<2x5000x1xf32, #tpu.memory_space<vmem>>, vector<1x5000x1xf32>
    %get3A_8 = vector.shape_cast %get3A_7 : vector<1x5000x1xf32> to vector<5000xf32>
    %add3A = arith.addf %get3A_3, %get3A_8 : vector<5000xf32>
    %max3A = arith.constant 1.000000e+00 : f32
    %max3A_9 = vector.broadcast %max3A : f32 to vector<5000xf32>
    %max3A_10 = arith.maximumf %add3A, %max3A_9 : vector<5000xf32>
    %get3A_11 = arith.constant 0 : index
    %get3A_12 = arith.constant 0 : index
    %get3A_13 = arith.constant 0 : index
    %get3A_14 = vector.load %arg2[%get3A_11, %get3A_12, %get3A_13] : memref<2x5000x48xf32, #tpu.memory_space<vmem>>, vector<1x5000x48xf32>
    %get3A_15 = vector.shape_cast %get3A_14 : vector<1x5000x48xf32> to vector<5000x48xf32>
    %get3A_16 = arith.constant 1 : index
    %get3A_17 = arith.constant 0 : index
    %get3A_18 = arith.constant 0 : index
    %get3A_19 = vector.load %arg2[%get3A_16, %get3A_17, %get3A_18] : memref<2x5000x48xf32, #tpu.memory_space<vmem>>, vector<1x5000x48xf32>
    %get3A_20 = vector.shape_cast %get3A_19 : vector<1x5000x48xf32> to vector<5000x48xf32>
    %add3A_21 = arith.addf %get3A_15, %get3A_20 : vector<5000x48xf32>
    %broadcast_in_dim3A = vector.shape_cast %max3A_10 : vector<5000xf32> to vector<5000x1xf32>
    %div3A = vector.broadcast %broadcast_in_dim3A : vector<5000x1xf32> to vector<5000x48xf32>
    %div3A_22 = arith.divf %add3A_21, %div3A : vector<5000x48xf32>
    %get3A_23 = arith.constant 0 : index
    %get3A_24 = arith.constant 0 : index
    %get3A_25 = vector.load %arg1[%get3A_23, %get3A_24] : memref<5000x128xf32, #tpu.memory_space<vmem>>, vector<5000x128xf32>
    %get3A_26 = arith.constant 0 : index
    %get3A_27 = arith.constant 0 : index
    %get3A_28 = vector.load %arg4[%get3A_26, %get3A_27] : memref<128x48xf32, #tpu.memory_space<vmem>>, vector<128x48xf32>
    %dot_general3A = arith.constant dense<0.000000e+00> : vector<5000x48xf32>
    %dot_general3A_29 = tpu.matmul %get3A_25, %get3A_28, %dot_general3A {dimension_numbers = #tpu.dot_dimension_numbers<[1], [0], [0], [1], [0, 0, 1, 1], [], []>, transpose_lhs_hint = false} : vector<5000x128xf32>, vector<128x48xf32>, vector<5000x48xf32> -> vector<5000x48xf32>
    %add3A_30 = arith.addf %dot_general3A_29, %div3A_22 : vector<5000x48xf32>
    %get3A_31 = arith.constant 0 : index
    %get3A_32 = arith.constant 0 : index
    %get3A_33 = vector.load %arg5[%get3A_31, %get3A_32] : memref<1x48xf32, #tpu.memory_space<vmem>>, vector<1x48xf32>
    %add3A_34 = vector.broadcast %get3A_33 : vector<1x48xf32> to vector<5000x48xf32>
    %add3A_35 = arith.addf %add3A_30, %add3A_34 : vector<5000x48xf32>
    %swap3A = arith.constant 0 : index
    %swap3A_36 = arith.constant 0 : index
    %swap3A_37 = vector.load %arg6[%swap3A, %swap3A_36] : memref<5000x48xf32, #tpu.memory_space<vmem>>, vector<5000x48xf32>
    tpu.vector_store %arg6[%swap3A, %swap3A_36], %add3A_35 {strides = array<i32>} : memref<5000x48xf32, #tpu.memory_space<vmem>>, vector<5000x48xf32>,
    return
  }
  func.func @transform_0(%arg0: i32) -> (i32, i32) {
    %c0_i32 = arith.constant 0 : i32
    %c0_i32_0 = arith.constant 0 : i32
    return %arg0, %c0_i32 : i32, i32
  }
  func.func @transform_1(%arg0: i32) -> (i32, i32, i32) {
    %c0_i32 = arith.constant 0 : i32
    %c0_i32_0 = arith.constant 0 : i32
    %c0_i32_1 = arith.constant 0 : i32
    return %c0_i32, %arg0, %c0_i32_0 : i32, i32, i32
  }
  func.func @transform_2(%arg0: i32) -> (i32, i32, i32) {
    %c0_i32 = arith.constant 0 : i32
    %c0_i32_0 = arith.constant 0 : i32
    %c0_i32_1 = arith.constant 0 : i32
    return %c0_i32, %arg0, %c0_i32_0 : i32, i32, i32
  }
  func.func @transform_3(%arg0: i32) -> (i32, i32) {
    %c0_i32 = arith.constant 0 : i32
    %c0_i32_0 = arith.constant 0 : i32
    %c0_i32_1 = arith.constant 0 : i32
    return %c0_i32, %c0_i32_0 : i32, i32
  }
  func.func @transform_4(%arg0: i32) -> (i32, i32) {
    %c0_i32 = arith.constant 0 : i32
    %c0_i32_0 = arith.constant 0 : i32
    %c0_i32_1 = arith.constant 0 : i32
    return %c0_i32, %c0_i32_0 : i32, i32
  }
  func.func @transform_5(%arg0: i32) -> (i32, i32) {
    %c0_i32 = arith.constant 0 : i32
    %c0_i32_0 = arith.constant 0 : i32
    return %arg0, %c0_i32 : i32, i32
  }
}

</mosaic_0001>

<sc_bundles>
// kernel: sc_segsum_d128.3.cloned.1.call-start
scs
__scs_entry_jumppad:
0x0: {  	(pc) =	sbr.rel $0x88, $3  }
0x1: {  	(tag) =	ssettag $0x0;
	lr =	simm.s32 $0x1  }
0x2: {  	[smem:$0x3F99] =	sst lr;
	_ =	strace $0xD0000000  }
0x3: {  	_ = 	snop  }
0x4: {  	_ = 	snop  }
0x5: {  	_ = 	snop  }
0x6: {  	_ = 	snop  }
0x7: {  	_ = 	snop  }
__scs_overlays_trampoline_lowered:
0x8: {  	[smem:$0x3FA8] =	sst s0  }
0x9: {  	[smem:$0x3FA9] =	sst s1  }
0xa: {  	[smem:$0x3FAA] =	sst s2  }
0xb: {  	[smem:$0x3FAB] =	sst s3  }
0xc: {  	[smem:$0x3FAC] =	sst s4  }
0xd: {  	[smem:$0x3FAD] =	sst s5  }
0xe: {  	[smem:$0x3FAE] =	sst s6  }
0xf: {  	[smem:$0x3FAF] =	sst s7  }
0x10: {  	[smem:$0x3FB0] =	sst s8  }
0x11: {  	[smem:$0x3FB1] =	sst s9;
	s0 =	simm.s32 @!p0 $0x0  }
0x12: {  	s1 =	sld [smem:$0x3F97];
	s0 =	simm.s32 @p0 $0x1  }
0x13: {  	[smem:$0x3FB2] =	sst s0;
	s0 =	simm.s32 @!p1 $0x0  }
0x14: {  	s2 =	sld [smem:$0x3F96];
	s0 =	simm.s32 @p1 $0x1  }
0x15: {  	[smem:$0x3FB3] =	sst s0;
	s0 =	simm.s32 @!p2 $0x0  }
0x16: {  	s3 =	sld [smem:$0x3FDB];
	s0 =	simm.s32 @p2 $0x1  }
0x17: {  	s4 =	simm.s32 $0x1BF5;
	[smem:$0x3FB5] =	sst s0  }
0x18: {  	s0 =	sld [smem:$0x3F98];
	_ =	swait.ge [sflag:s4], $0x0  }
0x19: {  	s7 =	sld [smem:$0x3F99]  }
0x1a: {  	s8 =	sadd.s32 $0xFFFFE003, lr  }
0x1b: {  	s9 =	sadd.s32 $0xFFFFFEF7, lr;
	s5 =	simm.s32 $0xFFFFFFFF;
	p2 =	slt.u32 s8, $0xFFFFF086  }
0x1c: {  	p1 =	slt.u32 s9, $0xF7A;
	s5 =	simm.s32 @!p2 $0x0  }
0x1d: {  	s5 =	simm.s32 @p1 $0x1;
	p0 =	seq.s32 s7, s2  }
0x1e: {  	s7 =	smul.u32 @!p0 $0xF7A, s2;
	p2 =	seq.s32 @!p0 s5, $0x0  }
0x1f: {  	s9 =	smul.u32 $0xF7A, s1;
	s8 =	simm.s32 @!p0 $0x1BF5;
	p2 =	por !p2, p0  }
0x20: {  	[sflag:s8] =	ssyncset.s32 @!p0 $0xFFFFF086;
	s6 =	sadd.s32 @!p0 s3, s7;
	s7 =	simm.s32 @!p0 $0x108  }
0x21: {  	s3 =	sadd.s32 s3, s9;
	s6 =	sadd.s32 @!p0 $0x88, s6;
	s7 =	simm.s32 @p2 $0x1082  }
0x22: {  	[simem:s7], [sflag:s8] =	dma.local @!p0 [hbm:s6], $0xF7A  }
0x23: {  	s9 =	sor.u32 $0xD0000000, s2;
	s6 =	simm.s32 $0x108;
	_ =	swait.ge @!p0 [sflag:s8], $0x0  }
0x24: {  	s3 =	sadd.s32 $0x88, s3;
	s6 =	simm.s32 @!p1 $0x1082;
	[sflag:s4] =	ssyncset.s32 $0xFFFFF086  }
0x25: {  	[simem:s6], [sflag:s4] =	dma.local [hbm:s3], $0xF7A  }
0x26: {  	[smem:$0x3F99] =	sst s1;
	(tag) =	ssettag s2;
	_ =	strace s9  }
0x27: {  	s1 =	sld [smem:$0x3FA9]  }
0x28: {  	s2 =	sld [smem:$0x3FAA]  }
0x29: {  	s4 =	sld [smem:$0x3FAC]  }
0x2a: {  	p0 =	seq.s32 s5, $0x0;
	s5 =	sld [smem:$0x3FAD]  }
0x2b: {  	s6 =	sld [smem:$0x3FAE]  }
0x2c: {  	s7 =	sld [smem:$0x3FAF]  }
0x2d: {  	s3 =	simm.s32 $0x108;
	s8 =	sld [smem:$0x3FB0]  }
0x2e: {  	s3 =	simm.s32 @!p0 $0x1082;
	s9 =	sld [smem:$0x3FB1]  }
0x2f: {  	lr =	sadd.s32 s0, s3;
	s0 =	sld [smem:$0x3FA8]  }
0x30: {  	s3 =	sld [smem:$0x3FAB]  }
0x31: {  	[smem:$0x3FB4] =	sst s10  }
0x32: {  	s10 =	sld [smem:$0x3FB2];
	_ =	sdelay $0x3  }
0x33: {  	p0 =	seq.s32 s10, $0x1;
	s10 =	sld [smem:$0x3FB4];
	_ =	sdelay $0x3  }
0x34: {  	[smem:$0x3FB4] =	sst s10  }
0x35: {  	s10 =	sld [smem:$0x3FB3];
	_ =	sdelay $0x3  }
0x36: {  	p1 =	seq.s32 s10, $0x1;
	s10 =	sld [smem:$0x3FB4];
	_ =	sdelay $0x3  }
0x37: {  	[smem:$0x3FB4] =	sst s10  }
0x38: {  	s10 =	sld [smem:$0x3FB5]  }
0x39: {  	_ = 	snop;
	(pc) =	sbr.ind lr, $3  }
0x3a: {  	_ = 	snop  }
0x3b: {  	_ = 	snop  }
0x3c: {  	p2 =	seq.s32 s10, $0x1;
	s10 =	sld [smem:$0x3FB4]  }
0x3d: {  	_ =	shalt  }
0x3e: {  	_ =	shalt  }
0x3f: {  	_ =	shalt  }
0x40: {  	_ =	shalt  }
0x41: {  	_ =	shalt  }
0x42: {  	_ =	shalt  }
0x43: {  	_ =	shalt  }
0x44: {  	_ =	shalt  }
0x45: {  	_ =	shalt  }
0x46: {  	_ =	shalt  }
0x47: {  	_ =	shalt  }
0x48: {  	_ =	shalt  }
0x49: {  	_ =	shalt  }
0x4a: {  	_ =	shalt  }
0x4b: {  	_ =	shalt  }
0x4c: {  	_ =	shalt  }
0x4d: {  	_ =	shalt  }
0x4e: {  	_ =	shalt  }
0x4f: {  	_ =	shalt  }
0x50: {  	_ =	shalt  }
0x51: {  	_ =	shalt  }
0x52: {  	_ =	shalt  }
0x53: {  	_ =	shalt  }
0x54: {  	_ =	shalt  }
0x55: {  	_ =	shalt  }
0x56: {  	_ =	shalt  }
0x57: {  	_ =	shalt  }
0x58: {  	_ =	shalt  }
0x59: {  	_ =	shalt  }
0x5a: {  	_ =	shalt  }
0x5b: {  	_ =	shalt  }
0x5c: {  	_ =	shalt  }
0x5d: {  	_ =	shalt  }
0x5e: {  	_ =	shalt  }
0x5f: {  	_ =	shalt  }
0x60: {  	_ =	shalt  }
0x61: {  	_ =	shalt  }
0x62: {  	_ =	shalt  }
0x63: {  	_ =	shalt  }
0x64: {  	_ =	shalt  }
0x65: {  	_ =	shalt  }
0x66: {  	_ =	shalt  }
0x67: {  	_ =	shalt  }
0x68: {  	_ =	shalt  }
0x69: {  	_ =	shalt  }
0x6a: {  	_ =	shalt  }
0x6b: {  	_ =	shalt  }
0x6c: {  	_ =	shalt  }
0x6d: {  	_ =	shalt  }
0x6e: {  	_ =	shalt  }
0x6f: {  	_ =	shalt  }
0x70: {  	_ =	shalt  }
0x71: {  	_ =	shalt  }
0x72: {  	_ =	shalt  }
0x73: {  	_ =	shalt  }
0x74: {  	_ =	shalt  }
0x75: {  	_ =	shalt  }
0x76: {  	_ =	shalt  }
0x77: {  	_ =	shalt  }
0x78: {  	_ =	shalt  }
0x79: {  	_ =	shalt  }
0x7a: {  	_ =	shalt  }
0x7b: {  	_ =	shalt  }
0x7c: {  	_ =	shalt  }
0x7d: {  	_ =	shalt  }
0x7e: {  	_ =	shalt  }
0x7f: {  	_ =	shalt  }
0x80: {  	_ =	shalt  }
0x81: {  	_ =	shalt  }
0x82: {  	_ =	shalt  }
0x83: {  	_ =	shalt  }
0x84: {  	_ =	shalt  }
0x85: {  	_ =	shalt  }
0x86: {  	_ =	shalt  }
0x87: {  	_ =	shalt  }
.Lfunc_end0:
.L_simem_size_0:
called_computation_lowered:
.L_overlay_start_0:
0x88: {  	s2 =	sld [smem:$0x3FD9]  }
0x89: {  	s3 =	sld [smem:$0x3FFE];
	_ =	sdelay $0x1  }
0x8a: {  	s1 =	srdreg.scid  }
0x8b: {  	s0 =	sand.u32 $0x1, s1  }
0x8c: {  	s17 =	sshll.u32 s0, $0xA;
	s2 =	sadd.s32 s3, s2  }
0x8d: {  	s2 =	sadd.s32 s2, s17  }
0x8e: {  	[smem:$0x3FC0] =	sst s2  }
0x8f: {  	_ = 	snop  }
0x90: {  	s2 =	sld [smem:$0x3FC9]  }
0x91: {  	s18 =	sld [smem:$0x3FD0];
	(tm) =	ssettm $0x1  }
0x92: {  	s4 =	sld [smem:$0x3FFB];
	_ =	sdelay $0x3  }
0x93: {  	_ =	strace s4  }
0x94: {  	s4 =	sld [smem:$0x3FFC];
	_ =	sdelay $0x3  }
0x95: {  	_ =	strace s4  }
0x96: {  	s4 =	sld [smem:$0x3FFD];
	_ =	sdelay $0x3  }
0x97: {  	_ =	strace s4  }
0x98: {  	_ =	strace $0x8FFFFFFF  }
0x99: {  	s19 =	sld [smem:$0x3FDB];
	_ =	sdelay $0x1  }
0x9a: {  	s5 =	simm.s32 $_scs_section_size  }
0x9b: {  	s6 =	simm.s32 $_size__tile_overlayer_lowered;
	s7 =	simm.s32 $_tile_overlayer_lowered  }
0x9c: {  	s22 =	simm.s32 $0x1BFF;
	s21 =	sshll.u32 s7, $0x1;
	s4 =	sadd.s32 s5, s19  }
0x9d: {  	s8 =	simm.s32 $0x0;
	s20 =	sshll.u32 s6, $0x1;
	s6 =	sadd.s32 s21, s4  }
0x9e: {  	[timem:s8], [sflag:s22] =	dma.local [hbm:s6], s20  }
0x9f: {  	_ =	swait.ge [sflag:s22], s20  }
0xa0: {  	s5 =	ssub.s32 $0x0, s20;
	[sflag:s22] =	ssyncset.done $0x0  }
0xa1: {  	[sflag:s22] =	ssyncadd.s32 s5;
	_ =	sdelay $0x1  }
0xa2: {  	s23 =	simm.s32 $0x1B8B  }
0xa3: {  	_ =	swait.ge [sflag:s23], $0x1  }
0xa4: {  	[sflag:s23] =	ssyncset.done $0x0  }
0xa5: {  	s25 =	simm.s32 $0x1B8E;
	s24 =	sld [smem:$0x3FFE];
	[sflag:s23] =	ssyncadd.s32 $0xFFFFFFFF  }
0xa6: {  	s26 =	simm.s32 $execute0_lowered;
	[smem:$0x3FD2] =	sst s25  }
0xa7: {  	s6 =	sshll.u32 s26, $0x1;
	_ =	strace $0x80000046;
	[dreg:$0x1] =	wrdreg $0xFFFFFFFF  }
0xa8: {  	s28 =	simm.s32 $_size_execute0_lowered;
	s4 =	sadd.s32 s4, s6;
	[dreg:$0x0] =	wrdreg $0x0  }
0xa9: {  	s6 =	sshll.u32 s28, $0x1;
	[dreg:$0x2] =	wrdreg s4  }
0xaa: {  	[dreg:$0x3] =	wrdreg s6  }
0xab: {  	[dreg:$0x4] =	wrdreg $0xC0  }
0xac: {  	_ =	task [dreg:s8], $0x5FFFF  }
0xad: {  	[dreg:$0x1] =	wrdreg $0xFFFFFFFF  }
0xae: {  	[dreg:$0x0] =	wrdreg $0x60  }
0xaf: {  	[dreg:$0x2] =	wrdreg s2  }
0xb0: {  	[dreg:$0x3] =	wrdreg s24  }
0xb1: {  	[dreg:$0x4] =	wrdreg s18  }
0xb2: {  	[dreg:$0x5] =	wrdreg $0x1E8800  }
0xb3: {  	[dreg:$0x6] =	wrdreg $0xA8000  }
0xb4: {  	[dreg:$0x7] =	wrdreg $0x9  }
0xb5: {  	_ =	task.clear_ibuf [dreg:s8], $0x8FFFF;
	_ =	strace $0x90000046  }
0xb6: {  	s29 =	simm.s32 $0x9;
	_ =	strace $0x80000048  }
0xb7: {  	_ =	swait.ge [sflag:s29], $0x1  }
0xb8: {  	[sflag:s29] =	ssyncadd.s32 $0xFFFFFFFF  }
0xb9: {  	_ =	strace $0x90000048  }
0xba: {  	_ =	sfence  }
0xbb: {  	s30 =	sld [smem:$0x0];
	_ =	sdelay $0x2  }
0xbc: {  	s31 =	sshll.u32 s1, $0xD;
	s1 =	sshrl.u32 s1, $0x2  }
0xbd: {  	s3 =	sand.u32 $0x4000, s31;
	s1 =	sadd.s32 s1, s30  }
0xbe: {  	s0 =	sor.u32 s3, s0;
	s1 =	sshll.u32 s1, $0x11  }
0xbf: {  	s0 =	sor.u32 s1, s0  }
0xc0: {  	s0 =	sadd.s32 $0x8F2B, s0  }
0xc1: {  	[sflag:s0] =	ssyncadd.remote.s32 $0x1  }
0xc2: {  	_ =	sfence.sel $0xFFFF  }
0xc3: {  	[dreg:$0x0] =	wrdreg $0xFFFFFFFF;
	(pc) =	sbr.abs _section_cstart, $3  }
0xc4: {  	[dreg:$0x1] =	wrdreg $0xFFFFFFFF  }
0xc5: {  	_ =	task.clear_ibuf [dreg:s8], $0x2FFFF;
	_ =	strace $0x9FFFFFFF  }
0xc6: {  	(tm) =	ssettm $0x7FFFFFFF  }
0xc7: {  	_ =	shalt  }
tec
execute0_lowered:
.L_overlay_start_1:
0x0: {  	(tag) =	ssettag $0x1  }
0x1: {  	s1 =	rddreg [dreg:$0x0]  }
0x2: {  	s0 =	rddreg [dreg:$0x1]  }
0x3: {  	s2 =	rddreg [dreg:$0x2]  }
0x4: {  	s3 =	rddreg [dreg:$0x3]  }
0x5: {  	s4 =	rddreg [dreg:$0x4]  }
0x6: {  	s17 =	stileid.u32;
	s5 =	simm.s32 $0x0;
	s8 =	srdreg.scid  }
0x7: {  	s28 =	simm.s32 $0x2;
	s29 =	simm.s32 $0x3;
	s30 =	simm.s32 $0x4  }
0x8: {  	s31 =	simm.s32 $0x2700;
	s6 =	smul.u32 $0x14000, s17;
	[smem:$0x7FF] =	sst s5  }
0x9: {  	s7 =	smul.u32 $0x280, s17;
	s8 =	sand.u32 $0x1, s8;
	s12 =	sadd.s32 $0x16200, s0  }
0xa: {  	s13 =	sadd.s32 $0x2200, s0;
	s25 =	sand.u32 $0x7, s17;
	_ =	strace $0x80000047  }
0xb: {  	s11 =	sshll.u32 s8, $0x4;
	[dreg:$0x6] =	wrdreg s12;
	s15 =	smul.u32 $0x140000, s8  }
0xc: {  	p0 =	sne.s32 s25, $0x0;
	s25 =	simm.s32 $0x6800;
	s9 =	sshrl.u32 s6, $0x3  }
0xd: {  	s10 =	sshrl.u32 s7, $0x3;
	s11 =	sor.u32 s17, s11;
	s18 =	sadd.s32 s7, s3  }
0xe: {  	s9 =	sadd.s32 s9, s0;
	s10 =	sadd.s32 s10, s0;
	s14 =	smul.u32 $0x4E, s11  }
0xf: {  	s11 =	sadd.s32 $0x7, s11;
	s12 =	sadd.s32 s6, s15;
	s15 =	ssub.s32 $0x2, s8  }
0x10: {  	[dreg:$0x7] =	wrdreg s18;
	s6 =	sadd.s32 s6, s4;
	s8 =	smul.u32 $0x2800, s8  }
0x11: {  	s11 =	sshrl.u32 s11, $0x3;
	s12 =	sshrl.u32 s12, $0x3;
	s16 =	sshrl.u32 s15, $0x1  }
0x12: {  	s10 =	sadd.s32 $0x15C00, s10;
	[dreg:$0x9] =	wrdreg s6;
	s9 =	sadd.s32 $0x16400, s9  }
0x13: {  	s11 =	sadd.s32 s14, s11;
	s0 =	sadd.s32 s12, s0;
	[dreg:$0x8] =	wrdreg s10  }
0x14: {  	s16 =	ssub.s32 s15, s16;
	[dreg:$0xa] =	wrdreg s9;
	s7 =	sadd.s32 s7, s8  }
0x15: {  	s8 =	simm.s32 $0x0;
	s11 =	sshll.u32 s11, $0x4;
	s7 =	sshrl.u32 s7, $0x3  }
0x16: {  	s17 =	sadd.s32 $0x3E400, s0;
	s0 =	simm.s32 $0x2780;
	s19 =	sand.u32 $0x1FFFFFF0, s11  }
0x17: {  	s21 =	sadd.s32 s13, s11;
	s18 =	sadd.s32 s2, s7;
	s20 =	sadd.s32 s13, s19  }
0x18: {  	s2 =	simm.s32 $0x5;
	[dreg:$0xb] =	wrdreg s21;
	s22 =	sadd.s32 $0x9C40, s20  }
0x19: {  	s7 =	simm.s32 $0x2680;
	s23 =	sadd.s32 $0x280, s20;
	[dreg:$0xc] =	wrdreg s22  }
0x1a: {  	s19 =	smax.u32 s16, $0x1;
	s24 =	sadd.s32 $0x9EC0, s20;
	[dreg:$0xd] =	wrdreg s23  }
0x1b: {  	s21 =	simm.s32 $0x6;
	s26 =	sadd.s32 $0x4E0, s20;
	[dreg:$0xe] =	wrdreg s24  }
0x1c: {  	s6 =	sadd.s32 $0xA120, s20;
	s20 =	simm.s32 $0x1E800;
	[dreg:$0xf] =	wrdreg s26  }
0x1d: {  	[dreg:$0x10] =	wrdreg s6;
	s22 =	simm.s32 $0x1400;
	s23 =	simm.s32 $0x80  }
0x1e: {  	s24 =	simm.s32 $0x2800;
	s26 =	simm.s32 $0x1;
	s6 =	simm.s32 $0x2600  }
.LBB2_1:
0x1f: {  	s9 =	rddreg [dreg:$0x6];
	s14 =	stileid.u32  }
0x20: {  	[tilespmem:s20], [sflag:$0x6] =	stream.linear.gather [hbm4b:s9+s5], $0x80, $0x38;
	[tilespmem:$0x1EB00] =	vst v63  }
0x21: {  	s9 =	sshll.u32 s14, $0x6;
	_ =	swait.ge [sflag:s21], $0x80  }
0x22: {  	s9 =	sor.u32 $0x1C06, s9;
	[sflag:s21] =	ssyncset.done $0x0;
	s10 =	rddreg [dreg:$0x7]  }
0x23: {  	s11 =	rddreg [dreg:$0x8];
	[sflag:s21] =	ssyncadd.s32 $0xFFFFFF80;
	s10 =	sshrl.u32 s10, $0x3  }
0x24: {  	[spmem:s10], [sflag:s9] =	dma.local [hbm:s11], $0x50  }
0x25: {  	_ =	swait.ge [sflag:s21], $0x50  }
0x26: {  	[sflag:s21] =	ssyncset.done $0x0;
	s15 =	rddreg [dreg:$0x9]  }
0x27: {  	s12 =	rddreg [dreg:$0xa];
	[sflag:s21] =	ssyncadd.s32 $0xFFFFFFB0;
	s11 =	sshrl.u32 s15, $0x3  }
0x28: {  	[spmem:s11], [sflag:s9] =	dma.local [hbm:s12], $0x2800  }
0x29: {  	_ =	swait.ge [sflag:s21], $0x2800  }
0x2a: {  	[sflag:s21] =	ssyncset.done $0x0  }
0x2b: {  	[sflag:s21] =	ssyncadd.s32 $0xFFFFD800  }
0x2c: {  	[bflag:$0x0] =	sbarrier.arrive $0xFFFF  }
0x2d: {  	s16 =	rddreg [dreg:$0xb]  }
0x2e: {  	[tilespmem:s5], [sflag:$0x6] =	stream.linear.gather [hbm4b:s16+s5], $0x1400, $0x38;
	[tilespmem:$0x1EB00] =	vst v63  }
0x2f: {  	_ =	swait.ge [sflag:s21], $0x1400  }
0x30: {  	[sflag:s21] =	ssyncset.done $0x0  }
0x31: {  	s13 =	rddreg [dreg:$0xc];
	[sflag:s21] =	ssyncadd.s32 $0xFFFFEC00  }
0x32: {  	[tilespmem:s22], [sflag:$0x6] =	stream.linear.gather [hbm4b:s13+s5], $0x1400, $0x38;
	[tilespmem:$0x1EB00] =	vst v63  }
0x33: {  	_ =	swait.ge [sflag:s21], $0x1400  }
0x34: {  	[sflag:s21] =	ssyncset.done $0x0  }
0x35: {  	[sflag:s21] =	ssyncadd.s32 $0xFFFFEC00  }
0x36: {  	[tilespmem:s24], [sflag:$0x1] =	stream.indirect.gather [hbm4b:s1+s23], $0x80, s5, s23, $0xb8;
	[tilespmem:$0x1EB00] =	vst v63  }
0x37: {  	_ = 	snop  }
0x38: {  	[tilespmem:s25], [sflag:$0x2] =	stream.indirect.gather [hbm4b:s1+s23], $0x80, s23, s23, $0xb8;
	[tilespmem:$0x1EB00] =	vst v63  }
0x39: {  	_ =	swait.ge [sflag:s26], $0x4000  }
0x3a: {  	[sflag:s26] =	ssyncset.done $0x0  }
0x3b: {  	s14 =	simm.s32 $0x1400;
	[sflag:s26] =	ssyncadd.s32 $0xFFFFC000  }
0x3c: {  	[spmem:s4] =	stream.indirect.scatter.add.f32 [tilespmem:s24], [sflag:$0x3], $0x80, s14, s23, $0xb8;
	[tilespmem:$0x1EB00] =	vst v63  }
0x3d: {  	_ = 	snop  }
0x3e: {  	[spmem:s3] =	stream.indirect.scatter.add.f32 [tilespmem:s20], [sflag:$0x5], $0x1, s14, s23, $0xb8;
	[tilespmem:$0x1EB00] =	vst v63  }
0x3f: {  	_ =	swait.ge [sflag:s28], $0x4000  }
0x40: {  	[sflag:s28] =	ssyncset.done $0x0  }
0x41: {  	s15 =	simm.s32 $0x1480;
	[sflag:s28] =	ssyncadd.s32 $0xFFFFC000  }
0x42: {  	[spmem:s4] =	stream.indirect.scatter.add.f32 [tilespmem:s25], [sflag:$0x4], $0x80, s15, s23, $0xb8;
	[tilespmem:$0x1EB00] =	vst v63  }
0x43: {  	_ = 	snop  }
0x44: {  	[spmem:s3] =	stream.indirect.scatter.add.f32 [tilespmem:s20], [sflag:$0x5], $0x1, s15, s23, $0xb8;
	[tilespmem:$0x1EB00] =	vst v63  }
0x45: {  	_ =	swait.ge [sflag:s29], $0x4000  }
0x46: {  	[sflag:s29] =	ssyncset.done $0x0  }
0x47: {  	s16 =	simm.s32 $0x100;
	[sflag:s29] =	ssyncadd.s32 $0xFFFFC000  }
0x48: {  	[tilespmem:s24], [sflag:$0x1] =	stream.indirect.gather [hbm4b:s1+s23], $0x80, s16, s23, $0xb8;
	[tilespmem:$0x1EB00] =	vst v63  }
0x49: {  	_ =	swait.ge [sflag:s30], $0x4000  }
0x4a: {  	[sflag:s30] =	ssyncset.done $0x0  }
0x4b: {  	s12 =	simm.s32 $0x400;
	s13 =	simm.s32 $0x180;
	[sflag:s30] =	ssyncadd.s32 $0xFFFFC000  }
.LBB2_2:
0x4c: {  	[tilespmem:s25], [sflag:$0x2] =	stream.indirect.gather [hbm4b:s1+s23], $0x80, s13, s23, $0xb8;
	[tilespmem:$0x1EB00] =	vst v63  }
0x4d: {  	s13 =	smov.u32 s12  }
0x4e: {  	p1 =	sne.s32 s12, $0x4800;
	s12 =	sadd.s32 $0x400, s12;
	_ =	swait.ge [sflag:s26], $0x4000  }
0x4f: {  	s13 =	sshra.s32 s13, $0x2;
	[sflag:s26] =	ssyncset.done $0x0  }
0x50: {  	s14 =	sadd.s32 $0x1400, s13;
	[sflag:s26] =	ssyncadd.s32 $0xFFFFC000  }
0x51: {  	[spmem:s4] =	stream.indirect.scatter.add.f32 [tilespmem:s24], [sflag:$0x3], $0x80, s14, s23, $0xb8;
	[tilespmem:$0x1EB00] =	vst v63  }
0x52: {  	_ = 	snop  }
0x53: {  	[spmem:s3] =	stream.indirect.scatter.add.f32 [tilespmem:s20], [sflag:$0x5], $0x1, s14, s23, $0xb8;
	[tilespmem:$0x1EB00] =	vst v63  }
0x54: {  	_ =	swait.ge [sflag:s28], $0x4000  }
0x55: {  	[sflag:s28] =	ssyncset.done $0x0  }
0x56: {  	s14 =	sadd.s32 $0x1480, s13;
	[sflag:s28] =	ssyncadd.s32 $0xFFFFC000  }
0x57: {  	[spmem:s4] =	stream.indirect.scatter.add.f32 [tilespmem:s25], [sflag:$0x4], $0x80, s14, s23, $0xb8;
	[tilespmem:$0x1EB00] =	vst v63  }
0x58: {  	_ = 	snop  }
0x59: {  	[spmem:s3] =	stream.indirect.scatter.add.f32 [tilespmem:s20], [sflag:$0x5], $0x1, s14, s23, $0xb8;
	[tilespmem:$0x1EB00] =	vst v63  }
0x5a: {  	_ =	swait.ge [sflag:s29], $0x4000  }
0x5b: {  	[sflag:s29] =	ssyncset.done $0x0  }
.Ltmp0:
0x5c: {  	s14 =	sadd.s32 $0x100, s13;
	[sflag:s29] =	ssyncadd.s32 $0xFFFFC000;
	(pc) =	sbr.rel @p1 .LBB2_2-.Ltmp0, $4  }
0x5d: {  	[tilespmem:s24], [sflag:$0x1] =	stream.indirect.gather [hbm4b:s1+s23], $0x80, s14, s23, $0xb8;
	[tilespmem:$0x1EB00] =	vst v63  }
0x5e: {  	_ =	swait.ge [sflag:s30], $0x4000  }
0x5f: {  	[sflag:s30] =	ssyncset.done $0x0  }
0x60: {  	s13 =	sadd.s32 $0x180, s13;
	[sflag:s30] =	ssyncadd.s32 $0xFFFFC000  }
0x61: {  	[tilespmem:s25], [sflag:$0x2] =	stream.indirect.gather [hbm4b:s1+s23], $0x80, s13, s23, $0xb8;
	[tilespmem:$0x1EB00] =	vst v63  }
0x62: {  	_ =	swait.ge [sflag:s26], $0x4000  }
0x63: {  	[sflag:s26] =	ssyncset.done $0x0  }
0x64: {  	[sflag:s26] =	ssyncadd.s32 $0xFFFFC000  }
0x65: {  	[spmem:s4] =	stream.indirect.scatter.add.f32 [tilespmem:s24], [sflag:$0x3], $0x80, s31, s23, $0xb8;
	[tilespmem:$0x1EB00] =	vst v63  }
0x66: {  	_ = 	snop  }
0x67: {  	[spmem:s3] =	stream.indirect.scatter.add.f32 [tilespmem:s20], [sflag:$0x5], $0x1, s31, s23, $0xb8;
	[tilespmem:$0x1EB00] =	vst v63  }
0x68: {  	_ =	swait.ge [sflag:s28], $0x4000  }
0x69: {  	[sflag:s28] =	ssyncset.done $0x0  }
0x6a: {  	[sflag:s28] =	ssyncadd.s32 $0xFFFFC000  }
0x6b: {  	[spmem:s4] =	stream.indirect.scatter.add.f32 [tilespmem:s25], [sflag:$0x4], $0x80, s0, s23, $0xb8;
	[tilespmem:$0x1EB00] =	vst v63  }
0x6c: {  	_ = 	snop  }
0x6d: {  	[spmem:s3] =	stream.indirect.scatter.add.f32 [tilespmem:s20], [sflag:$0x5], $0x1, s0, s23, $0xb8;
	[tilespmem:$0x1EB00] =	vst v63  }
0x6e: {  	_ =	swait.ge [sflag:s29], $0x4000  }
0x6f: {  	[sflag:s29] =	ssyncset.done $0x0  }
0x70: {  	[sflag:s29] =	ssyncadd.s32 $0xFFFFC000  }
0x71: {  	[tilespmem:s24], [sflag:$0x1] =	stream.indirect.gather [hbm4b:s1+s23], $0x80, s5, s23, $0xb8;
	[tilespmem:$0x1EB00] =	vst v63  }
0x72: {  	_ =	swait.ge [sflag:s30], $0x4000  }
0x73: {  	[sflag:s30] =	ssyncset.done $0x0  }
0x74: {  	[sflag:s30] =	ssyncadd.s32 $0xFFFFC000  }
0x75: {  	[tilespmem:s25], [sflag:$0x2] =	stream.indirect.gather [hbm4b:s1+s23], $0x80, s23, s23, $0xb8;
	[tilespmem:$0x1EB00] =	vst v63  }
0x76: {  	_ =	swait.ge [sflag:s26], $0x4000  }
0x77: {  	[sflag:s26] =	ssyncset.done $0x0  }
0x78: {  	[sflag:s26] =	ssyncadd.s32 $0xFFFFC000  }
0x79: {  	_ =	swait.ge [sflag:s28], $0x4000  }
0x7a: {  	[sflag:s28] =	ssyncset.done $0x0  }
0x7b: {  	[sflag:s28] =	ssyncadd.s32 $0xFFFFC000  }
0x7c: {  	_ =	swait.ge [sflag:s2], $0x80  }
0x7d: {  	s12 =	simm.s32 $0x27;
	[sflag:s2] =	ssyncset.done $0x0  }
.LBB2_4:
0x7e: {  	p1 =	sne.s32 s12, $0x1;
	s12 =	sadd.s32 $0xFFFFFFFF, s12;
	[sflag:s2] =	ssyncadd.s32 $0xFFFFFF80  }
.Ltmp1:
0x7f: {  	(pc) =	sbr.rel @p1 .LBB2_4-.Ltmp1, $3  }
0x80: {  	_ =	sdelay $0x1  }
0x81: {  	_ =	swait.ge [sflag:s2], $0x80  }
0x82: {  	[sflag:s2] =	ssyncset.done $0x0  }
0x83: {  	[sflag:s2] =	ssyncadd.s32 $0xFFFFFF80;
	s12 =	simm.s32 $0x0;
	s13 =	rddreg [dreg:$0xd]  }
0x84: {  	[tilespmem:s12], [sflag:$0x6] =	stream.linear.gather [hbm4b:s13+s12], $0x1300, $0x38;
	[tilespmem:$0x1EB00] =	vst v63  }
0x85: {  	_ =	swait.ge [sflag:s21], $0x1300  }
0x86: {  	[sflag:s21] =	ssyncset.done $0x0  }
0x87: {  	s16 =	rddreg [dreg:$0xe];
	[sflag:s21] =	ssyncadd.s32 $0xFFFFED00  }
0x88: {  	[tilespmem:s22], [sflag:$0x6] =	stream.linear.gather [hbm4b:s16+s12], $0x1300, $0x38;
	[tilespmem:$0x1EB00] =	vst v63  }
0x89: {  	_ =	swait.ge [sflag:s21], $0x1300  }
0x8a: {  	[sflag:s21] =	ssyncset.done $0x0  }
0x8b: {  	[sflag:s21] =	ssyncadd.s32 $0xFFFFED00  }
0x8c: {  	[tilespmem:s24], [sflag:$0x1] =	stream.indirect.gather [hbm4b:s1+s23], $0x80, s12, s23, $0xb8;
	[tilespmem:$0x1EB00] =	vst v63  }
0x8d: {  	_ = 	snop  }
0x8e: {  	[tilespmem:s25], [sflag:$0x2] =	stream.indirect.gather [hbm4b:s1+s23], $0x80, s23, s23, $0xb8;
	[tilespmem:$0x1EB00] =	vst v63  }
0x8f: {  	_ =	swait.ge [sflag:s26], $0x4000  }
0x90: {  	[sflag:s26] =	ssyncset.done $0x0  }
0x91: {  	s14 =	simm.s32 $0x1400;
	[sflag:s26] =	ssyncadd.s32 $0xFFFFC000  }
0x92: {  	[spmem:s4] =	stream.indirect.scatter.add.f32 [tilespmem:s24], [sflag:$0x3], $0x80, s14, s23, $0xb8;
	[tilespmem:$0x1EB00] =	vst v63  }
0x93: {  	_ = 	snop  }
0x94: {  	[spmem:s3] =	stream.indirect.scatter.add.f32 [tilespmem:s20], [sflag:$0x5], $0x1, s14, s23, $0xb8;
	[tilespmem:$0x1EB00] =	vst v63  }
0x95: {  	_ =	swait.ge [sflag:s28], $0x4000  }
0x96: {  	[sflag:s28] =	ssyncset.done $0x0  }
0x97: {  	s15 =	simm.s32 $0x1480;
	[sflag:s28] =	ssyncadd.s32 $0xFFFFC000  }
0x98: {  	[spmem:s4] =	stream.indirect.scatter.add.f32 [tilespmem:s25], [sflag:$0x4], $0x80, s15, s23, $0xb8;
	[tilespmem:$0x1EB00] =	vst v63  }
0x99: {  	_ = 	snop  }
0x9a: {  	[spmem:s3] =	stream.indirect.scatter.add.f32 [tilespmem:s20], [sflag:$0x5], $0x1, s15, s23, $0xb8;
	[tilespmem:$0x1EB00] =	vst v63  }
0x9b: {  	_ =	swait.ge [sflag:s29], $0x4000  }
0x9c: {  	[sflag:s29] =	ssyncset.done $0x0  }
0x9d: {  	s16 =	simm.s32 $0x100;
	[sflag:s29] =	ssyncadd.s32 $0xFFFFC000  }
0x9e: {  	[tilespmem:s24], [sflag:$0x1] =	stream.indirect.gather [hbm4b:s1+s23], $0x80, s16, s23, $0xb8;
	[tilespmem:$0x1EB00] =	vst v63  }
0x9f: {  	_ =	swait.ge [sflag:s30], $0x4000  }
0xa0: {  	[sflag:s30] =	ssyncset.done $0x0  }
0xa1: {  	s13 =	simm.s32 $0x180;
	s12 =	simm.s32 $0x400;
	[sflag:s30] =	ssyncadd.s32 $0xFFFFC000  }
.LBB2_6:
0xa2: {  	[tilespmem:s25], [sflag:$0x2] =	stream.indirect.gather [hbm4b:s1+s23], $0x80, s13, s23, $0xb8;
	[tilespmem:$0x1EB00] =	vst v63  }
0xa3: {  	s13 =	smov.u32 s12  }
0xa4: {  	p1 =	sne.s32 s12, $0x4400;
	s12 =	sadd.s32 $0x400, s12;
	_ =	swait.ge [sflag:s26], $0x4000  }
0xa5: {  	s13 =	sshra.s32 s13, $0x2;
	[sflag:s26] =	ssyncset.done $0x0  }
0xa6: {  	s14 =	sadd.s32 $0x1400, s13;
	[sflag:s26] =	ssyncadd.s32 $0xFFFFC000  }
0xa7: {  	[spmem:s4] =	stream.indirect.scatter.add.f32 [tilespmem:s24], [sflag:$0x3], $0x80, s14, s23, $0xb8;
	[tilespmem:$0x1EB00] =	vst v63  }
0xa8: {  	_ = 	snop  }
0xa9: {  	[spmem:s3] =	stream.indirect.scatter.add.f32 [tilespmem:s20], [sflag:$0x5], $0x1, s14, s23, $0xb8;
	[tilespmem:$0x1EB00] =	vst v63  }
0xaa: {  	_ =	swait.ge [sflag:s28], $0x4000  }
0xab: {  	[sflag:s28] =	ssyncset.done $0x0  }
0xac: {  	s14 =	sadd.s32 $0x1480, s13;
	[sflag:s28] =	ssyncadd.s32 $0xFFFFC000  }
0xad: {  	[spmem:s4] =	stream.indirect.scatter.add.f32 [tilespmem:s25], [sflag:$0x4], $0x80, s14, s23, $0xb8;
	[tilespmem:$0x1EB00] =	vst v63  }
0xae: {  	_ = 	snop  }
0xaf: {  	[spmem:s3] =	stream.indirect.scatter.add.f32 [tilespmem:s20], [sflag:$0x5], $0x1, s14, s23, $0xb8;
	[tilespmem:$0x1EB00] =	vst v63  }
0xb0: {  	_ =	swait.ge [sflag:s29], $0x4000  }
0xb1: {  	[sflag:s29] =	ssyncset.done $0x0  }
.Ltmp2:
0xb2: {  	s14 =	sadd.s32 $0x100, s13;
	[sflag:s29] =	ssyncadd.s32 $0xFFFFC000;
	(pc) =	sbr.rel @p1 .LBB2_6-.Ltmp2, $4  }
0xb3: {  	[tilespmem:s24], [sflag:$0x1] =	stream.indirect.gather [hbm4b:s1+s23], $0x80, s14, s23, $0xb8;
	[tilespmem:$0x1EB00] =	vst v63  }
0xb4: {  	_ =	swait.ge [sflag:s30], $0x4000  }
0xb5: {  	[sflag:s30] =	ssyncset.done $0x0  }
0xb6: {  	s13 =	sadd.s32 $0x180, s13;
	[sflag:s30] =	ssyncadd.s32 $0xFFFFC000  }
0xb7: {  	[tilespmem:s25], [sflag:$0x2] =	stream.indirect.gather [hbm4b:s1+s23], $0x80, s13, s23, $0xb8;
	[tilespmem:$0x1EB00] =	vst v63  }
0xb8: {  	_ =	swait.ge [sflag:s26], $0x4000  }
0xb9: {  	[sflag:s26] =	ssyncset.done $0x0  }
0xba: {  	[sflag:s26] =	ssyncadd.s32 $0xFFFFC000  }
0xbb: {  	[spmem:s4] =	stream.indirect.scatter.add.f32 [tilespmem:s24], [sflag:$0x3], $0x80, s6, s23, $0xb8;
	[tilespmem:$0x1EB00] =	vst v63  }
0xbc: {  	_ = 	snop  }
0xbd: {  	[spmem:s3] =	stream.indirect.scatter.add.f32 [tilespmem:s20], [sflag:$0x5], $0x1, s6, s23, $0xb8;
	[tilespmem:$0x1EB00] =	vst v63  }
0xbe: {  	_ =	swait.ge [sflag:s28], $0x4000  }
0xbf: {  	[sflag:s28] =	ssyncset.done $0x0  }
0xc0: {  	[sflag:s28] =	ssyncadd.s32 $0xFFFFC000  }
0xc1: {  	[spmem:s4] =	stream.indirect.scatter.add.f32 [tilespmem:s25], [sflag:$0x4], $0x80, s7, s23, $0xb8;
	[tilespmem:$0x1EB00] =	vst v63  }
0xc2: {  	_ = 	snop  }
0xc3: {  	[spmem:s3] =	stream.indirect.scatter.add.f32 [tilespmem:s20], [sflag:$0x5], $0x1, s7, s23, $0xb8;
	[tilespmem:$0x1EB00] =	vst v63  }
0xc4: {  	_ =	swait.ge [sflag:s29], $0x4000  }
0xc5: {  	[sflag:s29] =	ssyncset.done $0x0  }
0xc6: {  	[sflag:s29] =	ssyncadd.s32 $0xFFFFC000  }
0xc7: {  	[tilespmem:s24], [sflag:$0x1] =	stream.indirect.gather [hbm4b:s1+s23], $0x80, s5, s23, $0xb8;
	[tilespmem:$0x1EB00] =	vst v63  }
0xc8: {  	_ =	swait.ge [sflag:s30], $0x4000  }
0xc9: {  	[sflag:s30] =	ssyncset.done $0x0  }
0xca: {  	[sflag:s30] =	ssyncadd.s32 $0xFFFFC000  }
0xcb: {  	[tilespmem:s25], [sflag:$0x2] =	stream.indirect.gather [hbm4b:s1+s23], $0x80, s23, s23, $0xb8;
	[tilespmem:$0x1EB00] =	vst v63  }
0xcc: {  	_ =	swait.ge [sflag:s26], $0x4000  }
0xcd: {  	[sflag:s26] =	ssyncset.done $0x0  }
0xce: {  	[sflag:s26] =	ssyncadd.s32 $0xFFFFC000  }
0xcf: {  	_ =	swait.ge [sflag:s28], $0x4000  }
0xd0: {  	[sflag:s28] =	ssyncset.done $0x0  }
0xd1: {  	[sflag:s28] =	ssyncadd.s32 $0xFFFFC000  }
0xd2: {  	_ =	swait.ge [sflag:s2], $0x80  }
0xd3: {  	s12 =	simm.s32 $0x25;
	[sflag:s2] =	ssyncset.done $0x0  }
.LBB2_8:
0xd4: {  	p1 =	sne.s32 s12, $0x1;
	s12 =	sadd.s32 $0xFFFFFFFF, s12;
	[sflag:s2] =	ssyncadd.s32 $0xFFFFFF80  }
.Ltmp3:
0xd5: {  	(pc) =	sbr.rel @p1 .LBB2_8-.Ltmp3, $3  }
0xd6: {  	_ =	sdelay $0x1  }
0xd7: {  	_ =	swait.ge [sflag:s2], $0x80  }
0xd8: {  	[sflag:s2] =	ssyncset.done $0x0  }
0xd9: {  	[sflag:s2] =	ssyncadd.s32 $0xFFFFFF80;
	s12 =	simm.s32 @!p0 $0x0;
	s13 =	rddreg [dreg:$0xf]  }
0xda: {  	[tilespmem:s12], [sflag:$0x6] =	stream.linear.gather @!p0 [hbm4b:s13+s12], $0x80, $0x38;
	[tilespmem:$0x1EB00] =	vst v63  }
0xdb: {  	s13 =	simm.s32 @!p0 $0x6  }
0xdc: {  	_ =	swait.ge @!p0 [sflag:s13], $0x80  }
0xdd: {  	[sflag:s13] =	ssyncset.done @!p0 $0x0  }
0xde: {  	s14 =	simm.s32 @!p0 $0x1400;
	s15 =	rddreg [dreg:$0x10];
	[sflag:s13] =	ssyncadd.s32 @!p0 $0xFFFFFF80  }
0xdf: {  	[tilespmem:s14], [sflag:$0x6] =	stream.linear.gather @!p0 [hbm4b:s15+s12], $0x80, $0x38;
	[tilespmem:$0x1EB00] =	vst v63  }
0xe0: {  	_ =	swait.ge @!p0 [sflag:s13], $0x80  }
0xe1: {  	[sflag:s13] =	ssyncset.done @!p0 $0x0  }
0xe2: {  	s16 =	simm.s32 @!p0 $0x2800;
	s15 =	simm.s32 @!p0 $0x80;
	[sflag:s13] =	ssyncadd.s32 @!p0 $0xFFFFFF80  }
0xe3: {  	[tilespmem:s16], [sflag:$0x1] =	stream.indirect.gather @!p0 [hbm4b:s1+s15], $0x80, s12, s15, $0xb8;
	[tilespmem:$0x1EB00] =	vst v63  }
0xe4: {  	s12 =	simm.s32 @!p0 $0x1  }
0xe5: {  	_ =	swait.ge @!p0 [sflag:s12], $0x4000  }
0xe6: {  	[sflag:s12] =	ssyncset.done @!p0 $0x0  }
0xe7: {  	[sflag:s12] =	ssyncadd.s32 @!p0 $0xFFFFC000  }
0xe8: {  	[spmem:s4] =	stream.indirect.scatter.add.f32 @!p0 [tilespmem:s16], [sflag:$0x6], $0x80, s14, s15, $0xb8;
	[tilespmem:$0x1EB00] =	vst v63  }
0xe9: {  	_ =	swait.ge @!p0 [sflag:s13], $0x4000  }
0xea: {  	[sflag:s13] =	ssyncset.done @!p0 $0x0  }
0xeb: {  	s12 =	simm.s32 @!p0 $0x1E800;
	[sflag:s13] =	ssyncadd.s32 @!p0 $0xFFFFC000  }
0xec: {  	[spmem:s3] =	stream.indirect.scatter.add.f32 @!p0 [tilespmem:s12], [sflag:$0x6], $0x1, s14, s15, $0xb8;
	[tilespmem:$0x1EB00] =	vst v63  }
0xed: {  	_ =	swait.ge @!p0 [sflag:s13], $0x80  }
0xee: {  	[sflag:s13] =	ssyncset.done @!p0 $0x0  }
0xef: {  	[sflag:s13] =	ssyncadd.s32 @!p0 $0xFFFFFF80  }
0xf0: {  	[bflag:$0x0] =	sbarrier.arrive $0xFFFF  }
0xf1: {  	[hbm:s17], [sflag:s9] =	dma.local [spmem:s11], $0x2800  }
0xf2: {  	s8 =	sadd.s32 $0x1, s8;
	_ =	swait.ge [sflag:s21], $0x2800  }
0xf3: {  	p1 =	sne.s32 s8, s19;
	[sflag:s21] =	ssyncset.done $0x0  }
.Ltmp4:
0xf4: {  	[sflag:s21] =	ssyncadd.s32 $0xFFFFD800;
	(pc) =	sbr.rel @p1 .LBB2_1-.Ltmp4, $4  }
0xf5: {  	[hbm:s18], [sflag:s9] =	dma.local [spmem:s10], $0x50  }
0xf6: {  	_ =	swait.ge [sflag:s21], $0x50  }
0xf7: {  	[sflag:s21] =	ssyncset.done $0x0  }
0xf8: {  	[sflag:s21] =	ssyncadd.s32 $0xFFFFFFB0  }
0xf9: {  	_ =	sfence.sel $0x180000  }
0xfa: {  	[bflag:$0x0] =	sbarrier.arrive $0xFFFF  }
0xfb: {  	_ =	strace $0x90000047  }
0xfc: {  	s0 =	stileid.u32;
	[bflag:$0x2] =	sbarrier.arrive $0xFFFF  }
0xfd: {  	p0 =	sne.s32 s0, $0x0;
	s0 =	rddreg [dreg:$0x5]  }
0xfe: {  	s0 =	sadd.s32 @!p0 $0x100000, s0  }
0xff: {  	[sflag:s0] =	ssyncadd.tile.s32 @!p0 $0x1;
	_ =	shalt  }
.Lfunc_end2:
_tile_overlayer_lowered:
.L_overlay_start_2:
0x100: {  	(tag) =	ssettag $0x2  }
0x101: {  	s0 =	rddreg [dreg:$0x0];
	s2 =	stileid.u32  }
0x102: {  	s1 =	rddreg [dreg:$0x1];
	p0 =	sne.s32 s2, $0x0  }
0x103: {  	s3 =	rddreg [dreg:$0x2];
	[bflag:$0x3] =	sbarrier.arrive $0xFFFF;
	s2 =	simm.s32 @!p0 $0x1C06  }
0x104: {  	[timem:s3], [sflag:s2] =	dma.local @!p0 [hbm:s0], s1  }
0x105: {  	s0 =	simm.s32 @!p0 $0x6  }
0x106: {  	_ =	swait.ge @!p0 [sflag:s0], s1  }
0x107: {  	s1 =	ssub.s32 @!p0 $0x0, s1;
	[sflag:s0] =	ssyncset.done @!p0 $0x0  }
0x108: {  	[sflag:s0] =	ssyncadd.s32 @!p0 s1  }
0x109: {  	[bflag:$0x3] =	sbarrier.arrive $0xFFFF  }
0x10a: {  	_ =	shalt  }

// kernel: sc_segsum_d48.3.cloned.1.call-start
scs
__scs_entry_jumppad:
0x0: {  	(pc) =	sbr.rel $0x88, $3  }
0x1: {  	(tag) =	ssettag $0x0;
	lr =	simm.s32 $0x1  }
0x2: {  	[smem:$0x3F99] =	sst lr;
	_ =	strace $0xD0000000  }
0x3: {  	_ = 	snop  }
0x4: {  	_ = 	snop  }
0x5: {  	_ = 	snop  }
0x6: {  	_ = 	snop  }
0x7: {  	_ = 	snop  }
__scs_overlays_trampoline_lowered:
0x8: {  	[smem:$0x3FA8] =	sst s0  }
0x9: {  	[smem:$0x3FA9] =	sst s1  }
0xa: {  	[smem:$0x3FAA] =	sst s2  }
0xb: {  	[smem:$0x3FAB] =	sst s3  }
0xc: {  	[smem:$0x3FAC] =	sst s4  }
0xd: {  	[smem:$0x3FAD] =	sst s5  }
0xe: {  	[smem:$0x3FAE] =	sst s6  }
0xf: {  	[smem:$0x3FAF] =	sst s7  }
0x10: {  	[smem:$0x3FB0] =	sst s8  }
0x11: {  	[smem:$0x3FB1] =	sst s9;
	s0 =	simm.s32 @!p0 $0x0  }
0x12: {  	s1 =	sld [smem:$0x3F97];
	s0 =	simm.s32 @p0 $0x1  }
0x13: {  	[smem:$0x3FB2] =	sst s0;
	s0 =	simm.s32 @!p1 $0x0  }
0x14: {  	s2 =	sld [smem:$0x3F96];
	s0 =	simm.s32 @p1 $0x1  }
0x15: {  	[smem:$0x3FB3] =	sst s0;
	s0 =	simm.s32 @!p2 $0x0  }
0x16: {  	s3 =	sld [smem:$0x3FDB];
	s0 =	simm.s32 @p2 $0x1  }
0x17: {  	s4 =	simm.s32 $0x1BF5;
	[smem:$0x3FB5] =	sst s0  }
0x18: {  	s0 =	sld [smem:$0x3F98];
	_ =	swait.ge [sflag:s4], $0x0  }
0x19: {  	s7 =	sld [smem:$0x3F99]  }
0x1a: {  	s8 =	sadd.s32 $0xFFFFE003, lr  }
0x1b: {  	s9 =	sadd.s32 $0xFFFFFEF7, lr;
	s5 =	simm.s32 $0xFFFFFFFF;
	p2 =	slt.u32 s8, $0xFFFFF086  }
0x1c: {  	p1 =	slt.u32 s9, $0xF7A;
	s5 =	simm.s32 @!p2 $0x0  }
0x1d: {  	s5 =	simm.s32 @p1 $0x1;
	p0 =	seq.s32 s7, s2  }
0x1e: {  	s7 =	smul.u32 @!p0 $0xF7A, s2;
	p2 =	seq.s32 @!p0 s5, $0x0  }
0x1f: {  	s9 =	smul.u32 $0xF7A, s1;
	s8 =	simm.s32 @!p0 $0x1BF5;
	p2 =	por !p2, p0  }
0x20: {  	[sflag:s8] =	ssyncset.s32 @!p0 $0xFFFFF086;
	s6 =	sadd.s32 @!p0 s3, s7;
	s7 =	simm.s32 @!p0 $0x108  }
0x21: {  	s3 =	sadd.s32 s3, s9;
	s6 =	sadd.s32 @!p0 $0x88, s6;
	s7 =	simm.s32 @p2 $0x1082  }
0x22: {  	[simem:s7], [sflag:s8] =	dma.local @!p0 [hbm:s6], $0xF7A  }
0x23: {  	s9 =	sor.u32 $0xD0000000, s2;
	s6 =	simm.s32 $0x108;
	_ =	swait.ge @!p0 [sflag:s8], $0x0  }
0x24: {  	s3 =	sadd.s32 $0x88, s3;
	s6 =	simm.s32 @!p1 $0x1082;
	[sflag:s4] =	ssyncset.s32 $0xFFFFF086  }
0x25: {  	[simem:s6], [sflag:s4] =	dma.local [hbm:s3], $0xF7A  }
0x26: {  	[smem:$0x3F99] =	sst s1;
	(tag) =	ssettag s2;
	_ =	strace s9  }
0x27: {  	s1 =	sld [smem:$0x3FA9]  }
0x28: {  	s2 =	sld [smem:$0x3FAA]  }
0x29: {  	s4 =	sld [smem:$0x3FAC]  }
0x2a: {  	p0 =	seq.s32 s5, $0x0;
	s5 =	sld [smem:$0x3FAD]  }
0x2b: {  	s6 =	sld [smem:$0x3FAE]  }
0x2c: {  	s7 =	sld [smem:$0x3FAF]  }
0x2d: {  	s3 =	simm.s32 $0x108;
	s8 =	sld [smem:$0x3FB0]  }
0x2e: {  	s3 =	simm.s32 @!p0 $0x1082;
	s9 =	sld [smem:$0x3FB1]  }
0x2f: {  	lr =	sadd.s32 s0, s3;
	s0 =	sld [smem:$0x3FA8]  }
0x30: {  	s3 =	sld [smem:$0x3FAB]  }
0x31: {  	[smem:$0x3FB4] =	sst s10  }
0x32: {  	s10 =	sld [smem:$0x3FB2];
	_ =	sdelay $0x3  }
0x33: {  	p0 =	seq.s32 s10, $0x1;
	s10 =	sld [smem:$0x3FB4];
	_ =	sdelay $0x3  }
0x34: {  	[smem:$0x3FB4] =	sst s10  }
0x35: {  	s10 =	sld [smem:$0x3FB3];
	_ =	sdelay $0x3  }
0x36: {  	p1 =	seq.s32 s10, $0x1;
	s10 =	sld [smem:$0x3FB4];
	_ =	sdelay $0x3  }
0x37: {  	[smem:$0x3FB4] =	sst s10  }
0x38: {  	s10 =	sld [smem:$0x3FB5]  }
0x39: {  	_ = 	snop;
	(pc) =	sbr.ind lr, $3  }
0x3a: {  	_ = 	snop  }
0x3b: {  	_ = 	snop  }
0x3c: {  	p2 =	seq.s32 s10, $0x1;
	s10 =	sld [smem:$0x3FB4]  }
0x3d: {  	_ =	shalt  }
0x3e: {  	_ =	shalt  }
0x3f: {  	_ =	shalt  }
0x40: {  	_ =	shalt  }
0x41: {  	_ =	shalt  }
0x42: {  	_ =	shalt  }
0x43: {  	_ =	shalt  }
0x44: {  	_ =	shalt  }
0x45: {  	_ =	shalt  }
0x46: {  	_ =	shalt  }
0x47: {  	_ =	shalt  }
0x48: {  	_ =	shalt  }
0x49: {  	_ =	shalt  }
0x4a: {  	_ =	shalt  }
0x4b: {  	_ =	shalt  }
0x4c: {  	_ =	shalt  }
0x4d: {  	_ =	shalt  }
0x4e: {  	_ =	shalt  }
0x4f: {  	_ =	shalt  }
0x50: {  	_ =	shalt  }
0x51: {  	_ =	shalt  }
0x52: {  	_ =	shalt  }
0x53: {  	_ =	shalt  }
0x54: {  	_ =	shalt  }
0x55: {  	_ =	shalt  }
0x56: {  	_ =	shalt  }
0x57: {  	_ =	shalt  }
0x58: {  	_ =	shalt  }
0x59: {  	_ =	shalt  }
0x5a: {  	_ =	shalt  }
0x5b: {  	_ =	shalt  }
0x5c: {  	_ =	shalt  }
0x5d: {  	_ =	shalt  }
0x5e: {  	_ =	shalt  }
0x5f: {  	_ =	shalt  }
0x60: {  	_ =	shalt  }
0x61: {  	_ =	shalt  }
0x62: {  	_ =	shalt  }
0x63: {  	_ =	shalt  }
0x64: {  	_ =	shalt  }
0x65: {  	_ =	shalt  }
0x66: {  	_ =	shalt  }
0x67: {  	_ =	shalt  }
0x68: {  	_ =	shalt  }
0x69: {  	_ =	shalt  }
0x6a: {  	_ =	shalt  }
0x6b: {  	_ =	shalt  }
0x6c: {  	_ =	shalt  }
0x6d: {  	_ =	shalt  }
0x6e: {  	_ =	shalt  }
0x6f: {  	_ =	shalt  }
0x70: {  	_ =	shalt  }
0x71: {  	_ =	shalt  }
0x72: {  	_ =	shalt  }
0x73: {  	_ =	shalt  }
0x74: {  	_ =	shalt  }
0x75: {  	_ =	shalt  }
0x76: {  	_ =	shalt  }
0x77: {  	_ =	shalt  }
0x78: {  	_ =	shalt  }
0x79: {  	_ =	shalt  }
0x7a: {  	_ =	shalt  }
0x7b: {  	_ =	shalt  }
0x7c: {  	_ =	shalt  }
0x7d: {  	_ =	shalt  }
0x7e: {  	_ =	shalt  }
0x7f: {  	_ =	shalt  }
0x80: {  	_ =	shalt  }
0x81: {  	_ =	shalt  }
0x82: {  	_ =	shalt  }
0x83: {  	_ =	shalt  }
0x84: {  	_ =	shalt  }
0x85: {  	_ =	shalt  }
0x86: {  	_ =	shalt  }
0x87: {  	_ =	shalt  }
.Lfunc_end0:
.L_simem_size_0:
called_computation.1_lowered:
.L_overlay_start_0:
0x88: {  	s2 =	sld [smem:$0x3FD9]  }
0x89: {  	s3 =	sld [smem:$0x3FFE];
	_ =	sdelay $0x1  }
0x8a: {  	s1 =	srdreg.scid  }
0x8b: {  	s0 =	sand.u32 $0x1, s1  }
0x8c: {  	s17 =	sshll.u32 s0, $0xA;
	s2 =	sadd.s32 s3, s2  }
0x8d: {  	s2 =	sadd.s32 s2, s17  }
0x8e: {  	[smem:$0x3FC0] =	sst s2  }
0x8f: {  	_ = 	snop  }
0x90: {  	s2 =	sld [smem:$0x3FD0];
	(tm) =	ssettm $0x1  }
0x91: {  	s18 =	sld [smem:$0x3FFB];
	_ =	sdelay $0x3  }
0x92: {  	_ =	strace s18  }
0x93: {  	s3 =	sld [smem:$0x3FFC];
	_ =	sdelay $0x3  }
0x94: {  	_ =	strace s3  }
0x95: {  	s3 =	sld [smem:$0x3FFD];
	_ =	sdelay $0x3  }
0x96: {  	_ =	strace s3  }
0x97: {  	_ =	strace $0x8FFFFFFF  }
0x98: {  	s19 =	sld [smem:$0x3FDB];
	_ =	sdelay $0x1  }
0x99: {  	s4 =	simm.s32 $_scs_section_size  }
0x9a: {  	s5 =	simm.s32 $_size__tile_overlayer_lowered;
	s6 =	simm.s32 $_tile_overlayer_lowered  }
0x9b: {  	s22 =	simm.s32 $0x1BFF;
	s21 =	sshll.u32 s6, $0x1;
	s3 =	sadd.s32 s4, s19  }
0x9c: {  	s7 =	simm.s32 $0x0;
	s20 =	sshll.u32 s5, $0x1;
	s5 =	sadd.s32 s21, s3  }
0x9d: {  	[timem:s7], [sflag:s22] =	dma.local [hbm:s5], s20  }
0x9e: {  	_ =	swait.ge [sflag:s22], s20  }
0x9f: {  	s4 =	ssub.s32 $0x0, s20;
	[sflag:s22] =	ssyncset.done $0x0  }
0xa0: {  	[sflag:s22] =	ssyncadd.s32 s4;
	_ =	sdelay $0x1  }
0xa1: {  	s23 =	simm.s32 $0x1B8B  }
0xa2: {  	_ =	swait.ge [sflag:s23], $0x1  }
0xa3: {  	[sflag:s23] =	ssyncset.done $0x0  }
0xa4: {  	s25 =	simm.s32 $0x1B8E;
	s24 =	sld [smem:$0x3FFE];
	[sflag:s23] =	ssyncadd.s32 $0xFFFFFFFF  }
0xa5: {  	s26 =	simm.s32 $execute0_lowered;
	[smem:$0x3FD2] =	sst s25  }
0xa6: {  	s5 =	sshll.u32 s26, $0x1;
	_ =	strace $0x80000049;
	[dreg:$0x1] =	wrdreg $0xFFFFFFFF  }
0xa7: {  	s28 =	simm.s32 $_size_execute0_lowered;
	s3 =	sadd.s32 s3, s5;
	[dreg:$0x0] =	wrdreg $0x0  }
0xa8: {  	s5 =	sshll.u32 s28, $0x1;
	[dreg:$0x2] =	wrdreg s3  }
0xa9: {  	[dreg:$0x3] =	wrdreg s5  }
0xaa: {  	[dreg:$0x4] =	wrdreg $0xC0  }
0xab: {  	_ =	task [dreg:s7], $0x5FFFF  }
0xac: {  	[dreg:$0x1] =	wrdreg $0xFFFFFFFF  }
0xad: {  	[dreg:$0x0] =	wrdreg $0x60  }
0xae: {  	[dreg:$0x2] =	wrdreg s2  }
0xaf: {  	[dreg:$0x3] =	wrdreg s24  }
0xb0: {  	[dreg:$0x4] =	wrdreg $0xAE000  }
0xb1: {  	[dreg:$0x5] =	wrdreg $0x9  }
0xb2: {  	_ =	task.clear_ibuf [dreg:s7], $0x6FFFF;
	_ =	strace $0x90000049  }
0xb3: {  	s29 =	simm.s32 $0x9;
	_ =	strace $0x8000004B  }
0xb4: {  	_ =	swait.ge [sflag:s29], $0x1  }
0xb5: {  	[sflag:s29] =	ssyncadd.s32 $0xFFFFFFFF  }
0xb6: {  	_ =	strace $0x9000004B  }
0xb7: {  	_ =	sfence  }
0xb8: {  	s30 =	sld [smem:$0x0];
	_ =	sdelay $0x2  }
0xb9: {  	s31 =	sshll.u32 s1, $0xD;
	s1 =	sshrl.u32 s1, $0x2  }
0xba: {  	s3 =	sand.u32 $0x4000, s31;
	s1 =	sadd.s32 s1, s30  }
0xbb: {  	s0 =	sor.u32 s3, s0;
	s1 =	sshll.u32 s1, $0x11  }
0xbc: {  	s0 =	sor.u32 s1, s0  }
0xbd: {  	s0 =	sadd.s32 $0x8F2B, s0  }
0xbe: {  	[sflag:s0] =	ssyncadd.remote.s32 $0x1  }
0xbf: {  	_ =	sfence.sel $0xFFFF  }
0xc0: {  	[dreg:$0x0] =	wrdreg $0xFFFFFFFF;
	(pc) =	sbr.abs _section_cstart, $3  }
0xc1: {  	[dreg:$0x1] =	wrdreg $0xFFFFFFFF  }
0xc2: {  	_ =	task.clear_ibuf [dreg:s7], $0x2FFFF;
	_ =	strace $0x9FFFFFFF  }
0xc3: {  	(tm) =	ssettm $0x7FFFFFFF  }
tec
execute0_lowered:
.L_overlay_start_1:
0x0: {  	(tag) =	ssettag $0x1  }
0x1: {  	s1 =	rddreg [dreg:$0x0]  }
0x2: {  	s0 =	rddreg [dreg:$0x1]  }
0x3: {  	s3 =	rddreg [dreg:$0x2];
	s4 =	simm.s32 $0x0;
	s11 =	stileid.u32  }
0x4: {  	s5 =	srdreg.scid;
	s14 =	simm.s32 $0x5;
	s16 =	simm.s32 $0x80  }
0x5: {  	s17 =	simm.s32 $0x4E00;
	s18 =	simm.s32 $0x6600;
	s19 =	simm.s32 $0x100  }
0x6: {  	s20 =	simm.s32 $0x7E00;
	s21 =	simm.s32 $0x180;
	s22 =	simm.s32 $0x9600  }
0x7: {  	s23 =	simm.s32 $0x1;
	s24 =	simm.s32 $0x2;
	s28 =	simm.s32 $0x4D80  }
0x8: {  	s29 =	simm.s32 $0x0;
	[smem:$0x7FF] =	sst s4;
	s2 =	smul.u32 $0x7800, s11  }
0x9: {  	s5 =	sand.u32 $0x1, s5;
	s9 =	sadd.s32 $0x2200, s0;
	s30 =	sshll.u32 s11, $0x6  }
0xa: {  	s15 =	sand.u32 $0x7, s11;
	_ =	strace $0x8000004A;
	s7 =	smul.u32 $0x78000, s5  }
0xb: {  	s8 =	sshll.u32 s5, $0x4;
	s5 =	ssub.s32 $0x2, s5;
	p0 =	sne.s32 s15, $0x0  }
0xc: {  	s6 =	sshrl.u32 s2, $0x3;
	s8 =	sor.u32 s11, s8;
	s25 =	sshrl.u32 s5, $0x1  }
0xd: {  	s6 =	sadd.s32 s6, s0;
	s7 =	sadd.s32 s2, s7;
	s10 =	smul.u32 $0x4E, s8  }
0xe: {  	s8 =	sadd.s32 $0x7, s8;
	s12 =	ssub.s32 s5, s25;
	s2 =	sadd.s32 s2, s3  }
0xf: {  	s25 =	simm.s32 $0x3;
	s7 =	sshrl.u32 s7, $0x3;
	s8 =	sshrl.u32 s8, $0x3  }
0x10: {  	s5 =	sadd.s32 $0x16400, s6;
	s6 =	sor.u32 $0x1C05, s30;
	s8 =	sadd.s32 s10, s8  }
0x11: {  	s12 =	smax.u32 s12, $0x1;
	s0 =	sadd.s32 s7, s0;
	s26 =	sshll.u32 s8, $0x4  }
0x12: {  	s13 =	sshrl.u32 s2, $0x3;
	s11 =	sadd.s32 $0x25400, s0;
	s8 =	sand.u32 $0x1FFFFFF0, s26  }
0x13: {  	s7 =	sadd.s32 s9, s26;
	s26 =	simm.s32 $0x4;
	s31 =	sadd.s32 s9, s8  }
0x14: {  	s8 =	sadd.s32 $0x9C40, s31;
	s9 =	sadd.s32 $0x4E0, s31;
	s10 =	sadd.s32 $0xA120, s31  }
.LBB2_1:
0x15: {  	[spmem:s13], [sflag:s6] =	dma.local [hbm:s5], $0xF00  }
0x16: {  	_ =	swait.ge [sflag:s14], $0xF00  }
0x17: {  	[sflag:s14] =	ssyncset.done $0x0  }
0x18: {  	[sflag:s14] =	ssyncadd.s32 $0xFFFFF100  }
0x19: {  	[bflag:$0x0] =	sbarrier.arrive $0xFFFF  }
0x1a: {  	[tilespmem:s4], [sflag:$0x5] =	stream.linear.gather [hbm4b:s7+s4], $0x2700, $0x38;
	[tilespmem:$0x12600] =	vst v63  }
0x1b: {  	_ =	swait.ge [sflag:s14], $0x2700  }
0x1c: {  	[sflag:s14] =	ssyncset.done $0x0  }
0x1d: {  	s0 =	simm.s32 $0x2700;
	[sflag:s14] =	ssyncadd.s32 $0xFFFFD900  }
0x1e: {  	[tilespmem:s0], [sflag:$0x5] =	stream.linear.gather [hbm4b:s8+s4], $0x2700, $0x38;
	[tilespmem:$0x12600] =	vst v63  }
0x1f: {  	_ =	swait.ge [sflag:s14], $0x2700  }
0x20: {  	[sflag:s14] =	ssyncset.done $0x0  }
0x21: {  	[sflag:s14] =	ssyncadd.s32 $0xFFFFD900  }
0x22: {  	[tilespmem:s17], [sflag:$0x1] =	stream.indirect.gather [hbm4b:s1+s16], $0x30, s4, s16, $0xb8;
	[tilespmem:$0x12600] =	vst v63  }
0x23: {  	_ = 	snop  }
0x24: {  	[tilespmem:s18], [sflag:$0x1] =	stream.indirect.gather [hbm4b:s1+s16], $0x30, s16, s16, $0xb8;
	[tilespmem:$0x12600] =	vst v63  }
0x25: {  	_ = 	snop  }
0x26: {  	[tilespmem:s20], [sflag:$0x2] =	stream.indirect.gather [hbm4b:s1+s16], $0x30, s19, s16, $0xb8;
	[tilespmem:$0x12600] =	vst v63  }
0x27: {  	_ = 	snop  }
0x28: {  	[tilespmem:s22], [sflag:$0x2] =	stream.indirect.gather [hbm4b:s1+s16], $0x30, s21, s16, $0xb8;
	[tilespmem:$0x12600] =	vst v63  }
0x29: {  	_ =	swait.ge [sflag:s23], $0x1800  }
0x2a: {  	[sflag:s23] =	ssyncset.done $0x0  }
0x2b: {  	[sflag:s23] =	ssyncadd.s32 $0xFFFFE800  }
0x2c: {  	_ =	swait.ge [sflag:s23], $0x1800  }
0x2d: {  	[sflag:s23] =	ssyncset.done $0x0  }
0x2e: {  	s30 =	simm.s32 $0x2700;
	[sflag:s23] =	ssyncadd.s32 $0xFFFFE800  }
0x2f: {  	[spmem:s3] =	stream.indirect.scatter.add.f32 [tilespmem:s17], [sflag:$0x3], $0x30, s30, s16, $0xb8;
	[tilespmem:$0x12600] =	vst v63  }
0x30: {  	s30 =	simm.s32 $0x2780  }
0x31: {  	[spmem:s3] =	stream.indirect.scatter.add.f32 [tilespmem:s18], [sflag:$0x3], $0x30, s30, s16, $0xb8;
	[tilespmem:$0x12600] =	vst v63  }
0x32: {  	_ =	swait.ge [sflag:s24], $0x1800  }
0x33: {  	[sflag:s24] =	ssyncset.done $0x0  }
0x34: {  	[sflag:s24] =	ssyncadd.s32 $0xFFFFE800  }
0x35: {  	_ =	swait.ge [sflag:s24], $0x1800  }
0x36: {  	[sflag:s24] =	ssyncset.done $0x0  }
0x37: {  	s30 =	simm.s32 $0x2800;
	[sflag:s24] =	ssyncadd.s32 $0xFFFFE800  }
0x38: {  	[spmem:s3] =	stream.indirect.scatter.add.f32 [tilespmem:s20], [sflag:$0x4], $0x30, s30, s16, $0xb8;
	[tilespmem:$0x12600] =	vst v63  }
0x39: {  	s30 =	simm.s32 $0x2880  }
0x3a: {  	[spmem:s3] =	stream.indirect.scatter.add.f32 [tilespmem:s22], [sflag:$0x4], $0x30, s30, s16, $0xb8;
	[tilespmem:$0x12600] =	vst v63  }
0x3b: {  	_ =	swait.ge [sflag:s25], $0x1800  }
0x3c: {  	[sflag:s25] =	ssyncset.done $0x0  }
0x3d: {  	[sflag:s25] =	ssyncadd.s32 $0xFFFFE800  }
0x3e: {  	_ =	swait.ge [sflag:s25], $0x1800  }
0x3f: {  	[sflag:s25] =	ssyncset.done $0x0  }
0x40: {  	s30 =	simm.s32 $0x200;
	[sflag:s25] =	ssyncadd.s32 $0xFFFFE800  }
0x41: {  	[tilespmem:s17], [sflag:$0x1] =	stream.indirect.gather [hbm4b:s1+s16], $0x30, s30, s16, $0xb8;
	[tilespmem:$0x12600] =	vst v63  }
0x42: {  	s30 =	simm.s32 $0x280  }
0x43: {  	[tilespmem:s18], [sflag:$0x1] =	stream.indirect.gather [hbm4b:s1+s16], $0x30, s30, s16, $0xb8;
	[tilespmem:$0x12600] =	vst v63  }
0x44: {  	_ =	swait.ge [sflag:s26], $0x1800  }
0x45: {  	[sflag:s26] =	ssyncset.done $0x0  }
0x46: {  	[sflag:s26] =	ssyncadd.s32 $0xFFFFE800  }
0x47: {  	_ =	swait.ge [sflag:s26], $0x1800  }
0x48: {  	[sflag:s26] =	ssyncset.done $0x0  }
0x49: {  	s30 =	simm.s32 $0x300;
	[sflag:s26] =	ssyncadd.s32 $0xFFFFE800  }
0x4a: {  	[tilespmem:s20], [sflag:$0x2] =	stream.indirect.gather [hbm4b:s1+s16], $0x30, s30, s16, $0xb8;
	[tilespmem:$0x12600] =	vst v63  }
0x4b: {  	s31 =	simm.s32 $0x380;
	s30 =	simm.s32 $0x800  }
.LBB2_2:
0x4c: {  	[tilespmem:s22], [sflag:$0x2] =	stream.indirect.gather [hbm4b:s1+s16], $0x30, s31, s16, $0xb8;
	[tilespmem:$0x12600] =	vst v63  }
0x4d: {  	s31 =	smov.u32 s30  }
0x4e: {  	p1 =	sne.s32 s30, $0x8800;
	s30 =	sadd.s32 $0x800, s30;
	_ =	swait.ge [sflag:s23], $0x1800  }
0x4f: {  	[sflag:s23] =	ssyncset.done $0x0  }
0x50: {  	[sflag:s23] =	ssyncadd.s32 $0xFFFFE800  }
0x51: {  	_ =	swait.ge [sflag:s23], $0x1800  }
0x52: {  	s31 =	sshra.s32 s31, $0x2;
	[sflag:s23] =	ssyncset.done $0x0  }
0x53: {  	s0 =	sadd.s32 $0x2700, s31;
	[sflag:s23] =	ssyncadd.s32 $0xFFFFE800  }
0x54: {  	[spmem:s3] =	stream.indirect.scatter.add.f32 [tilespmem:s17], [sflag:$0x3], $0x30, s0, s16, $0xb8;
	[tilespmem:$0x12600] =	vst v63  }
0x55: {  	s0 =	sadd.s32 $0x2780, s31  }
0x56: {  	[spmem:s3] =	stream.indirect.scatter.add.f32 [tilespmem:s18], [sflag:$0x3], $0x30, s0, s16, $0xb8;
	[tilespmem:$0x12600] =	vst v63  }
0x57: {  	_ =	swait.ge [sflag:s24], $0x1800  }
0x58: {  	[sflag:s24] =	ssyncset.done $0x0  }
0x59: {  	[sflag:s24] =	ssyncadd.s32 $0xFFFFE800  }
0x5a: {  	_ =	swait.ge [sflag:s24], $0x1800  }
0x5b: {  	[sflag:s24] =	ssyncset.done $0x0  }
0x5c: {  	s0 =	sadd.s32 $0x2800, s31;
	[sflag:s24] =	ssyncadd.s32 $0xFFFFE800  }
0x5d: {  	[spmem:s3] =	stream.indirect.scatter.add.f32 [tilespmem:s20], [sflag:$0x4], $0x30, s0, s16, $0xb8;
	[tilespmem:$0x12600] =	vst v63  }
0x5e: {  	s0 =	sadd.s32 $0x2880, s31  }
0x5f: {  	[spmem:s3] =	stream.indirect.scatter.add.f32 [tilespmem:s22], [sflag:$0x4], $0x30, s0, s16, $0xb8;
	[tilespmem:$0x12600] =	vst v63  }
0x60: {  	_ =	swait.ge [sflag:s25], $0x1800  }
0x61: {  	[sflag:s25] =	ssyncset.done $0x0  }
0x62: {  	[sflag:s25] =	ssyncadd.s32 $0xFFFFE800  }
0x63: {  	_ =	swait.ge [sflag:s25], $0x1800  }
0x64: {  	[sflag:s25] =	ssyncset.done $0x0  }
0x65: {  	s0 =	sadd.s32 $0x200, s31;
	[sflag:s25] =	ssyncadd.s32 $0xFFFFE800  }
0x66: {  	[tilespmem:s17], [sflag:$0x1] =	stream.indirect.gather [hbm4b:s1+s16], $0x30, s0, s16, $0xb8;
	[tilespmem:$0x12600] =	vst v63  }
0x67: {  	s0 =	sadd.s32 $0x280, s31  }
0x68: {  	[tilespmem:s18], [sflag:$0x1] =	stream.indirect.gather [hbm4b:s1+s16], $0x30, s0, s16, $0xb8;
	[tilespmem:$0x12600] =	vst v63  }
0x69: {  	_ =	swait.ge [sflag:s26], $0x1800  }
0x6a: {  	[sflag:s26] =	ssyncset.done $0x0  }
0x6b: {  	[sflag:s26] =	ssyncadd.s32 $0xFFFFE800  }
.Ltmp0:
0x6c: {  	_ =	swait.ge [sflag:s26], $0x1800;
	(pc) =	sbr.rel @p1 .LBB2_2-.Ltmp0, $4  }
0x6d: {  	[sflag:s26] =	ssyncset.done $0x0  }
0x6e: {  	s0 =	sadd.s32 $0x300, s31;
	[sflag:s26] =	ssyncadd.s32 $0xFFFFE800  }
0x6f: {  	[tilespmem:s20], [sflag:$0x2] =	stream.indirect.gather [hbm4b:s1+s16], $0x30, s0, s16, $0xb8;
	[tilespmem:$0x12600] =	vst v63  }
0x70: {  	s31 =	sadd.s32 $0x380, s31  }
0x71: {  	[tilespmem:s22], [sflag:$0x2] =	stream.indirect.gather [hbm4b:s1+s16], $0x30, s31, s16, $0xb8;
	[tilespmem:$0x12600] =	vst v63  }
0x72: {  	_ =	swait.ge [sflag:s23], $0x1800  }
0x73: {  	[sflag:s23] =	ssyncset.done $0x0  }
0x74: {  	[sflag:s23] =	ssyncadd.s32 $0xFFFFE800  }
0x75: {  	_ =	swait.ge [sflag:s23], $0x1800  }
0x76: {  	[sflag:s23] =	ssyncset.done $0x0  }
0x77: {  	s0 =	simm.s32 $0x4B00;
	[sflag:s23] =	ssyncadd.s32 $0xFFFFE800  }
0x78: {  	[spmem:s3] =	stream.indirect.scatter.add.f32 [tilespmem:s17], [sflag:$0x3], $0x30, s0, s16, $0xb8;
	[tilespmem:$0x12600] =	vst v63  }
0x79: {  	s30 =	simm.s32 $0x4B80  }
0x7a: {  	[spmem:s3] =	stream.indirect.scatter.add.f32 [tilespmem:s18], [sflag:$0x3], $0x30, s30, s16, $0xb8;
	[tilespmem:$0x12600] =	vst v63  }
0x7b: {  	_ =	swait.ge [sflag:s24], $0x1800  }
0x7c: {  	[sflag:s24] =	ssyncset.done $0x0  }
0x7d: {  	[sflag:s24] =	ssyncadd.s32 $0xFFFFE800  }
0x7e: {  	_ =	swait.ge [sflag:s24], $0x1800  }
0x7f: {  	[sflag:s24] =	ssyncset.done $0x0  }
0x80: {  	s31 =	simm.s32 $0x4C00;
	[sflag:s24] =	ssyncadd.s32 $0xFFFFE800  }
0x81: {  	[spmem:s3] =	stream.indirect.scatter.add.f32 [tilespmem:s20], [sflag:$0x4], $0x30, s31, s16, $0xb8;
	[tilespmem:$0x12600] =	vst v63  }
0x82: {  	s2 =	simm.s32 $0x4C80  }
0x83: {  	[spmem:s3] =	stream.indirect.scatter.add.f32 [tilespmem:s22], [sflag:$0x4], $0x30, s2, s16, $0xb8;
	[tilespmem:$0x12600] =	vst v63  }
0x84: {  	_ =	swait.ge [sflag:s25], $0x1800  }
0x85: {  	[sflag:s25] =	ssyncset.done $0x0  }
0x86: {  	[sflag:s25] =	ssyncadd.s32 $0xFFFFE800  }
0x87: {  	_ =	swait.ge [sflag:s25], $0x1800  }
0x88: {  	[sflag:s25] =	ssyncset.done $0x0  }
0x89: {  	[sflag:s25] =	ssyncadd.s32 $0xFFFFE800  }
0x8a: {  	[tilespmem:s17], [sflag:$0x1] =	stream.indirect.gather [hbm4b:s1+s16], $0x30, s4, s16, $0xb8;
	[tilespmem:$0x12600] =	vst v63  }
0x8b: {  	_ = 	snop  }
0x8c: {  	[tilespmem:s18], [sflag:$0x1] =	stream.indirect.gather [hbm4b:s1+s16], $0x30, s16, s16, $0xb8;
	[tilespmem:$0x12600] =	vst v63  }
0x8d: {  	_ =	swait.ge [sflag:s26], $0x1800  }
0x8e: {  	[sflag:s26] =	ssyncset.done $0x0  }
0x8f: {  	[sflag:s26] =	ssyncadd.s32 $0xFFFFE800  }
0x90: {  	_ =	swait.ge [sflag:s26], $0x1800  }
0x91: {  	[sflag:s26] =	ssyncset.done $0x0  }
0x92: {  	[sflag:s26] =	ssyncadd.s32 $0xFFFFE800  }
0x93: {  	[tilespmem:s20], [sflag:$0x2] =	stream.indirect.gather [hbm4b:s1+s16], $0x30, s19, s16, $0xb8;
	[tilespmem:$0x12600] =	vst v63  }
0x94: {  	_ = 	snop  }
0x95: {  	[tilespmem:s22], [sflag:$0x2] =	stream.indirect.gather [hbm4b:s1+s16], $0x30, s21, s16, $0xb8;
	[tilespmem:$0x12600] =	vst v63  }
0x96: {  	_ =	swait.ge [sflag:s23], $0x1800  }
0x97: {  	[sflag:s23] =	ssyncset.done $0x0  }
0x98: {  	[sflag:s23] =	ssyncadd.s32 $0xFFFFE800  }
0x99: {  	_ =	swait.ge [sflag:s23], $0x1800  }
0x9a: {  	[sflag:s23] =	ssyncset.done $0x0  }
0x9b: {  	[sflag:s23] =	ssyncadd.s32 $0xFFFFE800  }
0x9c: {  	_ =	swait.ge [sflag:s24], $0x1800  }
0x9d: {  	[sflag:s24] =	ssyncset.done $0x0  }
0x9e: {  	[sflag:s24] =	ssyncadd.s32 $0xFFFFE800  }
0x9f: {  	_ =	swait.ge [sflag:s24], $0x1800  }
0xa0: {  	[sflag:s24] =	ssyncset.done $0x0  }
0xa1: {  	s15 =	simm.s32 $0x2600;
	[sflag:s24] =	ssyncadd.s32 $0xFFFFE800  }
0xa2: {  	[tilespmem:s17], [sflag:$0x1] =	stream.indirect.gather [hbm4b:s1+s16], $0x30, s15, s16, $0xb8;
	[tilespmem:$0x12600] =	vst v63  }
0xa3: {  	s30 =	simm.s32 $0x2680  }
0xa4: {  	[tilespmem:s18], [sflag:$0x1] =	stream.indirect.gather [hbm4b:s1+s16], $0x30, s30, s16, $0xb8;
	[tilespmem:$0x12600] =	vst v63  }
0xa5: {  	_ =	swait.ge [sflag:s23], $0x1800  }
0xa6: {  	[sflag:s23] =	ssyncset.done $0x0  }
0xa7: {  	[sflag:s23] =	ssyncadd.s32 $0xFFFFE800  }
0xa8: {  	_ =	swait.ge [sflag:s23], $0x1800  }
0xa9: {  	[sflag:s23] =	ssyncset.done $0x0  }
0xaa: {  	s31 =	simm.s32 $0x4D00;
	[sflag:s23] =	ssyncadd.s32 $0xFFFFE800  }
0xab: {  	[spmem:s3] =	stream.indirect.scatter.add.f32 [tilespmem:s17], [sflag:$0x3], $0x30, s31, s16, $0xb8;
	[tilespmem:$0x12600] =	vst v63  }
0xac: {  	_ = 	snop  }
0xad: {  	[spmem:s3] =	stream.indirect.scatter.add.f32 [tilespmem:s18], [sflag:$0x3], $0x30, s28, s16, $0xb8;
	[tilespmem:$0x12600] =	vst v63  }
0xae: {  	_ =	swait.ge [sflag:s25], $0x1800  }
0xaf: {  	[sflag:s25] =	ssyncset.done $0x0  }
0xb0: {  	[sflag:s25] =	ssyncadd.s32 $0xFFFFE800  }
0xb1: {  	_ =	swait.ge [sflag:s25], $0x1800  }
0xb2: {  	[sflag:s25] =	ssyncset.done $0x0  }
0xb3: {  	s0 =	simm.s32 @!p0 $0x0;
	s30 =	simm.s32 @!p0 $0x5;
	[sflag:s25] =	ssyncadd.s32 $0xFFFFE800  }
0xb4: {  	[tilespmem:s0], [sflag:$0x5] =	stream.linear.gather @!p0 [hbm4b:s9+s0], $0x80, $0x38;
	[tilespmem:$0x12600] =	vst v63  }
0xb5: {  	_ =	swait.ge @!p0 [sflag:s30], $0x80  }
0xb6: {  	[sflag:s30] =	ssyncset.done @!p0 $0x0  }
0xb7: {  	s31 =	simm.s32 @!p0 $0x2700;
	[sflag:s30] =	ssyncadd.s32 @!p0 $0xFFFFFF80  }
0xb8: {  	[tilespmem:s31], [sflag:$0x5] =	stream.linear.gather @!p0 [hbm4b:s10+s0], $0x80, $0x38;
	[tilespmem:$0x12600] =	vst v63  }
0xb9: {  	_ =	swait.ge @!p0 [sflag:s30], $0x80  }
0xba: {  	[sflag:s30] =	ssyncset.done @!p0 $0x0  }
0xbb: {  	s2 =	simm.s32 @!p0 $0x80;
	s15 =	simm.s32 @!p0 $0x4E00;
	[sflag:s30] =	ssyncadd.s32 @!p0 $0xFFFFFF80  }
0xbc: {  	[tilespmem:s15], [sflag:$0x1] =	stream.indirect.gather @!p0 [hbm4b:s1+s2], $0x30, s0, s2, $0xb8;
	[tilespmem:$0x12600] =	vst v63  }
0xbd: {  	s0 =	simm.s32 @!p0 $0x1  }
0xbe: {  	_ =	swait.ge @!p0 [sflag:s0], $0x1800  }
0xbf: {  	[sflag:s0] =	ssyncset.done @!p0 $0x0  }
0xc0: {  	[sflag:s0] =	ssyncadd.s32 @!p0 $0xFFFFE800  }
0xc1: {  	[spmem:s3] =	stream.indirect.scatter.add.f32 @!p0 [tilespmem:s15], [sflag:$0x5], $0x30, s31, s2, $0xb8;
	[tilespmem:$0x12600] =	vst v63  }
0xc2: {  	_ =	swait.ge @!p0 [sflag:s30], $0x1800  }
0xc3: {  	s29 =	sadd.s32 $0x1, s29;
	[sflag:s30] =	ssyncset.done @!p0 $0x0  }
0xc4: {  	p1 =	sne.s32 s29, s12;
	[sflag:s30] =	ssyncadd.s32 @!p0 $0xFFFFE800  }
.Ltmp1:
0xc5: {  	[bflag:$0x0] =	sbarrier.arrive $0xFFFF;
	(pc) =	sbr.rel @p1 .LBB2_1-.Ltmp1, $4  }
0xc6: {  	[hbm:s11], [sflag:s6] =	dma.local [spmem:s13], $0xF00  }
0xc7: {  	_ =	swait.ge [sflag:s14], $0xF00  }
0xc8: {  	[sflag:s14] =	ssyncset.done $0x0  }
0xc9: {  	[sflag:s14] =	ssyncadd.s32 $0xFFFFF100  }
0xca: {  	_ =	sfence.sel $0x180000  }
0xcb: {  	[bflag:$0x0] =	sbarrier.arrive $0xFFFF  }
0xcc: {  	_ =	strace $0x9000004A  }
0xcd: {  	s0 =	stileid.u32;
	[bflag:$0x2] =	sbarrier.arrive $0xFFFF  }
0xce: {  	p0 =	sne.s32 s0, $0x0;
	s0 =	rddreg [dreg:$0x3]  }
0xcf: {  	s0 =	sadd.s32 @!p0 $0x100000, s0  }
0xd0: {  	[sflag:s0] =	ssyncadd.tile.s32 @!p0 $0x1;
	_ =	shalt  }
.Lfunc_end2:
_tile_overlayer_lowered:
.L_overlay_start_2:
0xd1: {  	(tag) =	ssettag $0x2  }
0xd2: {  	s0 =	rddreg [dreg:$0x0];
	s2 =	stileid.u32  }
0xd3: {  	s1 =	rddreg [dreg:$0x1];
	p0 =	sne.s32 s2, $0x0  }
0xd4: {  	s3 =	rddreg [dreg:$0x2];
	[bflag:$0x3] =	sbarrier.arrive $0xFFFF;
	s2 =	simm.s32 @!p0 $0x1C05  }
0xd5: {  	[timem:s3], [sflag:s2] =	dma.local @!p0 [hbm:s0], s1  }
0xd6: {  	s0 =	simm.s32 @!p0 $0x5  }
0xd7: {  	_ =	swait.ge @!p0 [sflag:s0], s1  }
0xd8: {  	s1 =	ssub.s32 @!p0 $0x0, s1;
	[sflag:s0] =	ssyncset.done @!p0 $0x0  }
0xd9: {  	[sflag:s0] =	ssyncadd.s32 @!p0 s1  }
0xda: {  	[bflag:$0x3] =	sbarrier.arrive $0xFFFF  }
0xdb: {  	_ =	shalt  }

</sc_bundles>
